<compile_context>
chip_gen: v7x
topology: tpu7x:2x2x1
jax: 0.10.2.dev20260603
libtpu: 0.0.44.dev20260713+nightly
codegen_flags: <defaults>
</compile_context>

<pallas_src>
import functools

import jax
import jax.numpy as jnp
from jax import lax
from jax.experimental import pallas as pl
from jax.experimental.pallas import tpu as pltpu
from jax.experimental.pallas import tpu_sc as plsc

N_NODES = 10000
N_EDGES = 160000
IN_FEATS = 16
HID = 16
NODE_FEAT = 32

NC = 2
NS = 16
NW = NC * NS
CH = 128
KCH = 40
E_PAD = NW * KCH * CH
EPW = KCH * CH
N_PAD = 10240
ROWS_PER_SUB = N_PAD // NS
LW = 128
MSG_W = LW

BN = 1000
BE = 2048
NB_N = N_NODES // BN
NB_E = E_PAD // BE

_f32 = jnp.float32
_bf16 = jnp.bfloat16
_i32 = jnp.int32


def _eq_mat(rows, cols, offset=0, dtype=_f32):
    r = lax.broadcasted_iota(_i32, (rows, cols), 0)
    c = lax.broadcasted_iota(_i32, (rows, cols), 1)
    return (c == r + offset).astype(dtype)


def _node_feat_body(x_ref, inp_ref, outp_ref, in_emb_ref, out_emb_ref, h_ref):
    bn = x_ref.shape[0]
    inp = inp_ref[0, 0, :]
    outp = outp_ref[0, 0, :]
    oh_in = (inp[:, None] == lax.broadcasted_iota(_i32, (bn, 100), 1)).astype(_f32)
    oh_out = (outp[:, None] == lax.broadcasted_iota(_i32, (bn, 100), 1)).astype(_f32)
    a = oh_in @ in_emb_ref[...]
    b = oh_out @ out_emb_ref[...]
    h_ref[...] = (x_ref[...] @ _eq_mat(16, LW)
                  + a @ _eq_mat(8, LW, 16)
                  + b @ _eq_mat(8, LW, 24))


def _node_feat(x, inp3, outp3, in_emb, out_emb):
    return pl.pallas_call(
        _node_feat_body,
        grid=(NB_N,),
        in_specs=[
            pl.BlockSpec((BN, IN_FEATS), lambda i: (i, 0)),
            pl.BlockSpec((1, 1, BN), lambda i: (i, 0, 0)),
            pl.BlockSpec((1, 1, BN), lambda i: (i, 0, 0)),
            pl.BlockSpec((100, 8), lambda i: (0, 0)),
            pl.BlockSpec((100, 8), lambda i: (0, 0)),
        ],
        out_specs=pl.BlockSpec((BN, LW), lambda i: (i, 0)),
        out_shape=jax.ShapeDtypeStruct((N_NODES, LW), _f32),
    )(x, inp3, outp3, in_emb, out_emb)


def _make_sc_gather(kch):
    epw = kch * CH

    def body(h_hbm, src_hbm, xj_hbm, idx_v, h_sh, r0, r1, g0, g1, w0, w1):
        cid = lax.axis_index("c")
        sid = lax.axis_index("s")
        wid = sid * NC + cid
        base = wid * epw
        slab = 640

        @pl.when(sid < NS - 1)
        def _():
            pltpu.sync_copy(h_hbm.at[pl.ds(sid * slab, slab)],
                            h_sh.at[pl.ds(sid * slab, slab)])

        @pl.when(sid == NS - 1)
        def _():
            pltpu.sync_copy(
                h_hbm.at[pl.ds((NS - 1) * slab, N_NODES - (NS - 1) * slab)],
                h_sh.at[pl.ds((NS - 1) * slab, N_NODES - (NS - 1) * slab)])

        pltpu.sync_copy(src_hbm.at[wid], idx_v)
        plsc.subcore_barrier()
        bufs = (r0, r1)
        gsems = (g0, g1)
        wsems = (w0, w1)
        nbuf = 2

        def gather(j, b):
            return pltpu.make_async_copy(h_sh.at[idx_v.at[j]], bufs[b], gsems[b])

        def wb(j, b):
            return pltpu.make_async_copy(bufs[b],
                                         xj_hbm.at[pl.ds(base + j * CH, CH)],
                                         wsems[b])

        for b in range(nbuf):
            gather(b, b).start()

        def loop(t, carry):
            j0 = nbuf * t
            for b in range(nbuf):
                gather(j0 + b, b).wait()
                wb(j0 + b, b).start()
            for b in range(nbuf):
                jn = j0 + b + nbuf

                @pl.when(jn < kch)
                def _(b=b, jn=jn):
                    wb(jn - nbuf, b).wait()
                    gather(jn, b).start()

            return carry

        lax.fori_loop(0, kch // nbuf, loop, 0)
        for b in range(nbuf):
            wb(kch - nbuf + b, b).wait()

    return pl.kernel(
        body,
        out_type=jax.ShapeDtypeStruct((NW * epw, LW), _f32),
        mesh=plsc.VectorSubcoreMesh(core_axis_name="c", subcore_axis_name="s"),
        scratch_types=(
            [pltpu.VMEM((kch, CH), _i32),
             pltpu.VMEM_SHARED((N_NODES, LW), _f32)]
            + [pltpu.VMEM((CH, LW), _f32)] * 2
            + [pltpu.SemaphoreType.DMA] * 4
        ),
    )


_make_sc_gather = functools.cache(_make_sc_gather)


def _edge_msg_body(xj_ref, nt_ref, np_ref, sc_ref, nt_emb_ref, np_emb_ref,
                   w1a_ref, w1b_ref, w1c_ref, b1_ref, w2_ref, b2_ref,
                   out_ref, *, n_edges, offset):
    be = xj_ref.shape[0]
    pid = pl.program_id(0)
    nt = nt_ref[0, 0, :]
    npp = np_ref[0, 0, :]
    oh_nt = (nt[:, None] == lax.broadcasted_iota(_i32, (be, 10), 1)).astype(_f32)
    oh_np = (npp[:, None] == lax.broadcasted_iota(_i32, (be, 100), 1)).astype(_f32)
    a_nt = nt_emb_ref[...] @ w1a_ref[...]
    a_np = np_emb_ref[...] @ w1b_ref[...]
    mlp_in = oh_nt @ a_nt + oh_np @ a_np + sc_ref[...] * w1c_ref[...] + b1_ref[...]
    mlp_h = jnp.maximum(mlp_in, 0.0)
    r = mlp_h @ w2_ref[...] + b2_ref[...]
    xj = xj_ref[...]
    rk = lax.broadcasted_iota(_i32, (LW, 512), 0)
    ck = lax.broadcasted_iota(_i32, (LW, 512), 1)
    expand = (lax.shift_right_logical(ck, 2 + 2) == rk).astype(_f32)
    x_exp = xj @ expand
    s = x_exp * r
    rm = lax.broadcasted_iota(_i32, (512, HID), 0)
    cm = lax.broadcasted_iota(_i32, (512, HID), 1)
    fold = ((rm & 15) == cm).astype(_f32)
    msg = s @ fold
    row0 = offset + pid * be + lax.broadcasted_iota(_i32, (be, 1), 0)
    valid = (row0 < n_edges).astype(_f32)
    out_ref[...] = (msg * valid) @ _eq_mat(HID, MSG_W) + valid @ _eq_mat(1, MSG_W, HID)


def _edge_msg(xj, nt3, np3, sc2, nt_emb, np_emb, w1a, w1b, w1c, b1r, w2, b2r,
              offset):
    body = functools.partial(_edge_msg_body, n_edges=N_EDGES, offset=offset)
    ne = xj.shape[0]
    return pl.pallas_call(
        body,
        grid=(ne // BE,),
        in_specs=[
            pl.BlockSpec((BE, LW), lambda i: (i, 0)),
            pl.BlockSpec((1, 1, BE), lambda i: (i, 0, 0)),
            pl.BlockSpec((1, 1, BE), lambda i: (i, 0, 0)),
            pl.BlockSpec((BE, 1), lambda i: (i, 0)),
            pl.BlockSpec((10, 8), lambda i: (0, 0)),
            pl.BlockSpec((100, 8), lambda i: (0, 0)),
            pl.BlockSpec((8, 64), lambda i: (0, 0)),
            pl.BlockSpec((8, 64), lambda i: (0, 0)),
            pl.BlockSpec((1, 64), lambda i: (0, 0)),
            pl.BlockSpec((1, 64), lambda i: (0, 0)),
            pl.BlockSpec((64, 512), lambda i: (0, 0)),
            pl.BlockSpec((1, 512), lambda i: (0, 0)),
        ],
        out_specs=pl.BlockSpec((BE, MSG_W), lambda i: (i, 0)),
        out_shape=jax.ShapeDtypeStruct((ne, MSG_W), _f32),
    )(xj, nt3, np3, sc2, nt_emb, np_emb, w1a, w1b, w1c, b1r, w2, b2r)


def _make_sc_scatter(kch):
    epw = kch * CH

    def body(msg_hbm, dst_hbm, init_hbm, parts_hbm,
             idx_v, m0_v, m1_v, shared, sem0, sem1):
        cid = lax.axis_index("c")
        sid = lax.axis_index("s")
        wid = sid * NC + cid
        off = cid * N_PAD + sid * ROWS_PER_SUB
        pltpu.sync_copy(init_hbm.at[pl.ds(off, ROWS_PER_SUB)],
                        shared.at[pl.ds(sid * ROWS_PER_SUB, ROWS_PER_SUB)])
        pltpu.sync_copy(dst_hbm.at[wid], idx_v)
        plsc.subcore_barrier()
        base = wid * epw

        def read(j, buf, sem):
            return pltpu.make_async_copy(msg_hbm.at[pl.ds(base + j * CH, CH)],
                                         buf, sem)

        read(0, m0_v, sem0).start()
        read(1, m1_v, sem1).start()

        def loop(t, carry):
            j0 = 2 * t
            j1 = j0 + 1
            read(j0, m0_v, sem0).wait()
            pltpu.sync_copy(m0_v, shared.at[idx_v.at[j0]], add=True)

            @pl.when(j0 + 2 < kch)
            def _():
                read(j0 + 2, m0_v, sem0).start()

            read(j1, m1_v, sem1).wait()
            pltpu.sync_copy(m1_v, shared.at[idx_v.at[j1]], add=True)

            @pl.when(j1 + 2 < kch)
            def _():
                read(j1 + 2, m1_v, sem1).start()

            return carry

        lax.fori_loop(0, kch // 2, loop, 0)
        plsc.subcore_barrier()
        pltpu.sync_copy(shared.at[pl.ds(sid * ROWS_PER_SUB, ROWS_PER_SUB)],
                        parts_hbm.at[pl.ds(off, ROWS_PER_SUB)])

    return pl.kernel(
        body,
        out_type=jax.ShapeDtypeStruct((NC * N_PAD, MSG_W), _f32),
        mesh=plsc.VectorSubcoreMesh(core_axis_name="c", subcore_axis_name="s"),
        scratch_types=[
            pltpu.VMEM((kch, CH), _i32),
            pltpu.VMEM((CH, MSG_W), _f32),
            pltpu.VMEM((CH, MSG_W), _f32),
            pltpu.VMEM_SHARED((N_PAD, MSG_W), _f32),
            pltpu.SemaphoreType.DMA,
            pltpu.SemaphoreType.DMA,
        ],
    )


_make_sc_scatter = functools.cache(_make_sc_scatter)


def _final_body(h_ref, p0_ref, p1_ref, wroot_ref, bconv_ref,
                ws_ref, bs_ref, wnt_ref, bnt_ref, wt_ref, bt_ref,
                wp_ref, bp_ref, o1_ref, o2_ref, o3_ref, o4_ref):
    s = p0_ref[...] + p1_ref[...]
    agg_sum = s @ _eq_mat(MSG_W, HID)
    cnt = s @ _eq_mat(MSG_W, 1, -HID)
    agg = agg_sum / jnp.maximum(cnt, 1.0)
    z = jnp.maximum(h_ref[...] @ wroot_ref[...] + agg + bconv_ref[...], 0.0)
    o1_ref[...] = z @ ws_ref[...] + bs_ref[...]
    o2_ref[...] = z @ wnt_ref[...] + bnt_ref[...]
    o3_ref[...] = z @ wt_ref[...] + bt_ref[...]
    o4_ref[...] = z @ wp_ref[...] + bp_ref[...]


def _final(h, p0, p1, w_root, b_conv_r, w_s, b_s_r, w_nt, b_nt_r,
           w_t, b_t_r, w_p, b_p_r):
    full = lambda a, b: pl.BlockSpec((a, b), lambda i: (0, 0))
    return pl.pallas_call(
        _final_body,
        grid=(NB_N,),
        in_specs=[
            pl.BlockSpec((BN, LW), lambda i: (i, 0)),
            pl.BlockSpec((BN, MSG_W), lambda i: (i, 0)),
            pl.BlockSpec((BN, MSG_W), lambda i: (i, 0)),
            full(LW, HID), full(1, HID),
            full(HID, 16), full(1, 16),
            full(HID, 10), full(1, 10),
            full(HID, 32), full(1, 32),
            full(HID, 1000), full(1, 1000),
        ],
        out_specs=[
            pl.BlockSpec((BN, 16), lambda i: (i, 0)),
            pl.BlockSpec((BN, 10), lambda i: (i, 0)),
            pl.BlockSpec((BN, 32), lambda i: (i, 0)),
            pl.BlockSpec((BN, 1000), lambda i: (i, 0)),
        ],
        out_shape=[
            jax.ShapeDtypeStruct((N_NODES, 16), _f32),
            jax.ShapeDtypeStruct((N_NODES, 10), _f32),
            jax.ShapeDtypeStruct((N_NODES, 32), _f32),
            jax.ShapeDtypeStruct((N_NODES, 1000), _f32),
        ],
    )(h, p0, p1, w_root, b_conv_r, w_s, b_s_r, w_nt, b_nt_r, w_t, b_t_r,
      w_p, b_p_r)


def kernel(x, input_np, output_np, edge_index, edge_sc, edge_np, edge_nt,
           in_np_emb, out_np_emb, edge_np_emb, edge_nt_emb,
           W1, b1, W2, b2, W_root, b_conv,
           W_super, b_super, W_nt, b_nt, W_tags, b_tags, W_primary, b_primary):
    inp3 = input_np.astype(_i32).reshape(NB_N, 1, BN)
    outp3 = output_np.astype(_i32).reshape(NB_N, 1, BN)
    pad = E_PAD - N_EDGES
    zpad_i = jnp.zeros((pad,), _i32)
    srcf = jnp.concatenate([edge_index[0].astype(_i32), zpad_i])
    dstf = jnp.concatenate([edge_index[1].astype(_i32), zpad_i])
    ntf = jnp.concatenate([edge_nt.astype(_i32), zpad_i])
    npf = jnp.concatenate([edge_np.astype(_i32), zpad_i])
    scf = jnp.concatenate([edge_sc.reshape(N_EDGES, 1).astype(_f32),
                           jnp.zeros((pad, 1), _f32)])
    w1a, w1b, w1c = W1[0:8], W1[8:16], W1[16:17]
    w_root_p = jnp.concatenate([W_root, jnp.zeros((LW - NODE_FEAT, HID), _f32)])
    zeros_acc = jnp.zeros((NC * N_PAD, MSG_W), _f32)

    eh = E_PAD // 2
    kh = KCH // 2
    nbh = eh // BE
    b1r, b2r = b1.reshape(1, 64), b2.reshape(1, 512)

    h = _node_feat(x, inp3, outp3, in_np_emb, out_np_emb)
    parts = zeros_acc
    msgs = []
    for lo in (0, eh):
        src3 = lax.dynamic_slice_in_dim(srcf, lo, eh).reshape(NW, kh, CH)
        xj = _make_sc_gather(kh)(h, src3)
        nt3 = lax.dynamic_slice_in_dim(ntf, lo, eh).reshape(nbh, 1, BE)
        np3 = lax.dynamic_slice_in_dim(npf, lo, eh).reshape(nbh, 1, BE)
        sc2 = lax.dynamic_slice_in_dim(scf, lo, eh)
        msgs.append(_edge_msg(xj, nt3, np3, sc2, edge_nt_emb, edge_np_emb,
                              w1a, w1b, w1c, b1r, W2, b2r, lo))
    for lo, msg in zip((0, eh), msgs):
        dst3 = lax.dynamic_slice_in_dim(dstf, lo, eh).reshape(NW, kh, CH)
        parts = _make_sc_scatter(kh)(msg, dst3, parts)
    p0 = parts[0:N_NODES]
    p1 = parts[N_PAD:N_PAD + N_NODES]
    return _final(h, p0, p1, w_root_p, b_conv.reshape(1, HID),
                  W_super, b_super.reshape(1, 16), W_nt, b_nt.reshape(1, 10),
                  W_tags, b_tags.reshape(1, 32), W_primary,
                  b_primary.reshape(1, 1000))

# --- scband reference (transcript-rebuilt; emitter-appended) ---
"""Pipeline reference for scband-neuron-inference-model-88845693485830 (READ-ONLY COPY).

The authoritative reference and input builder live on the scoring server;
editing this copy changes nothing except your own understanding.
"""

import jax, jax.numpy as jnp
import numpy as np

N_NODES = 10000
N_EDGES = 160000
IN_FEATS = 16
HID = 16
EMB_N = 8
EMB_E = 8
NODE_FEAT = IN_FEATS + 2 * EMB_N  # 32
EDGE_FEAT = 2 * EMB_E + 1  # 17


def setup_inputs(seed: int = 0) -> dict:
    key = jax.random.key(seed)
    ks = jax.random.split(key, 30)
    inp = {}
    inp['x'] = jax.random.normal(ks[0], (N_NODES, IN_FEATS), dtype=jnp.float32)
    inp['input_np'] = jax.random.randint(ks[1], (N_NODES,), 0, 100)
    inp['output_np'] = jax.random.randint(ks[2], (N_NODES,), 0, 100)
    inp['edge_index'] = jax.random.randint(ks[3], (2, N_EDGES), 0, N_NODES)
    inp['edge_sc'] = jax.random.normal(ks[4], (N_EDGES, 1), dtype=jnp.float32)
    inp['edge_np'] = jax.random.randint(ks[5], (N_EDGES,), 0, 100)
    inp['edge_nt'] = jax.random.randint(ks[6], (N_EDGES,), 0, 10)
    # learned parameters
    def gl(k, shape):
        fan_in = shape[0]
        return jax.random.normal(k, shape, dtype=jnp.float32) * (1.0 / np.sqrt(fan_in))
    inp['in_np_emb'] = jax.random.normal(ks[7], (100, EMB_N), dtype=jnp.float32)
    inp['out_np_emb'] = jax.random.normal(ks[8], (100, EMB_N), dtype=jnp.float32)
    inp['edge_np_emb'] = jax.random.normal(ks[9], (100, EMB_E), dtype=jnp.float32)
    inp['edge_nt_emb'] = jax.random.normal(ks[10], (10, EMB_E), dtype=jnp.float32)
    inp['W1'] = gl(ks[11], (EDGE_FEAT, 64))
    inp['b1'] = jnp.zeros((64,), dtype=jnp.float32)
    inp['W2'] = gl(ks[12], (64, NODE_FEAT * HID))
    inp['b2'] = jnp.zeros((NODE_FEAT * HID,), dtype=jnp.float32)
    inp['W_root'] = gl(ks[13], (NODE_FEAT, HID))
    inp['b_conv'] = jnp.zeros((HID,), dtype=jnp.float32)
    inp['W_super'] = gl(ks[14], (HID, 16))
    inp['b_super'] = jnp.zeros((16,), dtype=jnp.float32)
    inp['W_nt'] = gl(ks[15], (HID, 10))
    inp['b_nt'] = jnp.zeros((10,), dtype=jnp.float32)
    inp['W_tags'] = gl(ks[16], (HID, 32))
    inp['b_tags'] = jnp.zeros((32,), dtype=jnp.float32)
    inp['W_primary'] = gl(ks[17], (HID, 1000))
    inp['b_primary'] = jnp.zeros((1000,), dtype=jnp.float32)
    return inp


def reference(x, input_np, output_np, edge_index, edge_sc, edge_np, edge_nt,
              in_np_emb, out_np_emb, edge_np_emb, edge_nt_emb,
              W1, b1, W2, b2, W_root, b_conv,
              W_super, b_super, W_nt, b_nt, W_tags, b_tags, W_primary, b_primary):
    # node features: concat numeric + input/output neuropil embeddings
    x_in = jnp.take(in_np_emb, input_np, axis=0)
    x_out = jnp.take(out_np_emb, output_np, axis=0)
    h = jnp.concatenate([x, x_in, x_out], axis=1)  # [N, 32]
    # edge features
    e_nt = jnp.take(edge_nt_emb, edge_nt, axis=0)
    e_np = jnp.take(edge_np_emb, edge_np, axis=0)
    e_sc = edge_sc.reshape(-1, 1)
    edge_attr = jnp.concatenate([e_nt, e_np, e_sc], axis=1)  # [E, 17]
    # NNConv: edge_mlp generates per-edge weight matrix [node_feat, hid]
    mlp_h = jax.nn.relu(edge_attr @ W1 + b1)
    W_e = (mlp_h @ W2 + b2).reshape(-1, NODE_FEAT, HID)  # [E, 32, 16]
    src = edge_index[0]
    dst = edge_index[1]
    x_j = jnp.take(h, src, axis=0)  # [E, 32] gather
    msg = jnp.einsum('ei,eio->eo', x_j, W_e)  # [E, 16]
    agg_sum = jax.ops.segment_sum(msg, dst, num_segments=N_NODES)
    cnt = jax.ops.segment_sum(jnp.ones((msg.shape[0],), dtype=jnp.float32), dst, num_segments=N_NODES)
    agg = agg_sum / jnp.maximum(cnt, 1.0)[:, None]  # mean aggregation
    conv_out = h @ W_root + agg + b_conv
    z = jax.nn.relu(conv_out)
    # dropout is identity in eval mode
    return (z @ W_super + b_super, z @ W_nt + b_nt, z @ W_tags + b_tags, z @ W_primary + b_primary)

if __name__ == "__main__":
    import jax
    _d = setup_inputs()
    print(jax.jit(kernel)(*tuple(_d.values())))

</pallas_src>

<mosaic_0001>
#map = affine_map<(d0, d1) -> (0, 0)>
#map1 = affine_map<(d0, d1) -> (0, 0, 0)>
module attributes {stable_mosaic.version = 14 : i64} {
  func.func @body(%arg0: i32, %arg1: i32, %arg2: memref<10000x128xf32, #tpu.memory_space<hbm>>, %arg3: memref<32x20x128xi32, #tpu.memory_space<hbm>>, %arg4: memref<81920x128xf32, #tpu.memory_space<hbm>>, %arg5: memref<20x128xi32, #tpu.memory_space<vmem>>, %arg6: memref<10000x128xf32, #tpu.memory_space<vmem_shared>>, %arg7: memref<128x128xf32, #tpu.memory_space<vmem>>, %arg8: memref<128x128xf32, #tpu.memory_space<vmem>>, %arg9: memref<!tpu.dma_semaphore, #tpu.memory_space<semaphore_mem>>, %arg10: memref<!tpu.dma_semaphore, #tpu.memory_space<semaphore_mem>>, %arg11: memref<!tpu.dma_semaphore, #tpu.memory_space<semaphore_mem>>, %arg12: memref<!tpu.dma_semaphore, #tpu.memory_space<semaphore_mem>>) attributes {dimension_semantics = [#tpu.dimension_semantics<core_parallel>, #tpu.dimension_semantics<subcore_parallel>], iteration_bounds = array<i64: 2, 16>, scalar_prefetch = 0 : i64, scratch_operands = 8 : i64, tpu.core_type = #tpu.core_type<sc_vector_subcore>, window_params = [{transform_indices = #map}, {transform_indices = #map1}, {transform_indices = #map}]} {
    %mul3A = arith.constant 2 : i32
    %mul3A_0 = arith.muli %arg1, %mul3A : i32
    %add3A = arith.addi %mul3A_0, %arg0 : i32
    %mul3A_1 = arith.constant 2560 : i32
    %mul3A_2 = arith.muli %add3A, %mul3A_1 : i32
    %lt3A = arith.constant 15 : i32
    %lt3A_3 = arith.cmpi slt, %arg1, %lt3A : i32
    %convert_element_type3A = arith.extui %lt3A_3 : i1 to i32
    %cond3A = arith.constant 0 : i32
    %cond3A_4 = arith.cmpi ne, %convert_element_type3A, %cond3A : i32
    scf.if %cond3A_4 {
      %mul3A_38 = arith.constant 640 : i32
      %mul3A_39 = arith.muli %arg1, %mul3A_38 : i32
      %mul3A_40 = arith.constant 640 : i32
      %mul3A_41 = arith.muli %arg1, %mul3A_40 : i32
      "tpu.region"() ({
        %run_scoped3A = tpu.sem_alloc : memref<!tpu.dma_semaphore, #tpu.memory_space<semaphore_mem>>
        %dma_start3A_42 = arith.constant 0 : i32
        %dma_start3A_43 = tpu.memref_slice %arg6[%mul3A_41, %dma_start3A_42] : memref<10000x128xf32, #tpu.memory_space<vmem_shared>> -> memref<640x128xf32, #tpu.memory_space<vmem_shared>>
        %dma_start3A_44 = arith.constant 0 : i32
        %dma_start3A_45 = tpu.memref_slice %arg2[%mul3A_39, %dma_start3A_44] : memref<10000x128xf32, #tpu.memory_space<hbm>> -> memref<640x128xf32, #tpu.memory_space<hbm>>
        tpu.enqueue_dma source(%dma_start3A_45 : memref<640x128xf32, #tpu.memory_space<hbm>>) target(%dma_start3A_43 : memref<640x128xf32, #tpu.memory_space<vmem_shared>>) target_semaphore(%run_scoped3A : memref<!tpu.dma_semaphore, #tpu.memory_space<semaphore_mem>>)
        %dma_wait3A_46 = arith.constant 0 : i32
        %dma_wait3A_47 = tpu.memref_slice %arg6[%mul3A_41, %dma_wait3A_46] : memref<10000x128xf32, #tpu.memory_space<vmem_shared>> -> memref<640x128xf32, #tpu.memory_space<vmem_shared>>
        %dma_wait3A_48 = arith.constant 0 : i32
        %dma_wait3A_49 = tpu.memref_slice %arg2[%mul3A_39, %dma_wait3A_48] : memref<10000x128xf32, #tpu.memory_space<hbm>> -> memref<640x128xf32, #tpu.memory_space<hbm>>
        tpu.wait_dma2 semaphore(%run_scoped3A : memref<!tpu.dma_semaphore, #tpu.memory_space<semaphore_mem>>) src(%dma_wait3A_49 : memref<640x128xf32, #tpu.memory_space<hbm>>) dst(%dma_wait3A_47 : memref<640x128xf32, #tpu.memory_space<vmem_shared>>)
        tpu.yield
      }) : () -> ()
    } else {
    }
    %eq3A = arith.constant 15 : i32
    %eq3A_5 = arith.cmpi eq, %arg1, %eq3A : i32
    %convert_element_type3A_6 = arith.extui %eq3A_5 : i1 to i32
    %cond3A_7 = arith.constant 0 : i32
    %cond3A_8 = arith.cmpi ne, %convert_element_type3A_6, %cond3A_7 : i32
    scf.if %cond3A_8 {
      "tpu.region"() ({
        %run_scoped3A = tpu.sem_alloc : memref<!tpu.dma_semaphore, #tpu.memory_space<semaphore_mem>>
        %dma_start3A_38 = arith.constant 9600 : i32
        %dma_start3A_39 = arith.constant 0 : i32
        %dma_start3A_40 = tpu.memref_slice %arg6[%dma_start3A_38, %dma_start3A_39] : memref<10000x128xf32, #tpu.memory_space<vmem_shared>> -> memref<400x128xf32, #tpu.memory_space<vmem_shared>>
        %dma_start3A_41 = arith.constant 9600 : i32
        %dma_start3A_42 = arith.constant 0 : i32
        %dma_start3A_43 = tpu.memref_slice %arg2[%dma_start3A_41, %dma_start3A_42] : memref<10000x128xf32, #tpu.memory_space<hbm>> -> memref<400x128xf32, #tpu.memory_space<hbm>>
        tpu.enqueue_dma source(%dma_start3A_43 : memref<400x128xf32, #tpu.memory_space<hbm>>) target(%dma_start3A_40 : memref<400x128xf32, #tpu.memory_space<vmem_shared>>) target_semaphore(%run_scoped3A : memref<!tpu.dma_semaphore, #tpu.memory_space<semaphore_mem>>)
        %dma_wait3A_44 = arith.constant 9600 : i32
        %dma_wait3A_45 = arith.constant 0 : i32
        %dma_wait3A_46 = tpu.memref_slice %arg6[%dma_wait3A_44, %dma_wait3A_45] : memref<10000x128xf32, #tpu.memory_space<vmem_shared>> -> memref<400x128xf32, #tpu.memory_space<vmem_shared>>
        %dma_wait3A_47 = arith.constant 9600 : i32
        %dma_wait3A_48 = arith.constant 0 : i32
        %dma_wait3A_49 = tpu.memref_slice %arg2[%dma_wait3A_47, %dma_wait3A_48] : memref<10000x128xf32, #tpu.memory_space<hbm>> -> memref<400x128xf32, #tpu.memory_space<hbm>>
        tpu.wait_dma2 semaphore(%run_scoped3A : memref<!tpu.dma_semaphore, #tpu.memory_space<semaphore_mem>>) src(%dma_wait3A_49 : memref<400x128xf32, #tpu.memory_space<hbm>>) dst(%dma_wait3A_46 : memref<400x128xf32, #tpu.memory_space<vmem_shared>>)
        tpu.yield
      }) : () -> ()
    } else {
    }
    "tpu.region"() ({
      %run_scoped3A = tpu.sem_alloc : memref<!tpu.dma_semaphore, #tpu.memory_space<semaphore_mem>>
      %dma_start3A_38 = arith.constant 0 : i32
      %dma_start3A_39 = arith.constant 0 : i32
      %dma_start3A_40 = tpu.memref_slice %arg3[%add3A, %dma_start3A_38, %dma_start3A_39] : memref<32x20x128xi32, #tpu.memory_space<hbm>> -> memref<1x20x128xi32, #tpu.memory_space<hbm>>
      %dma_start3A_41 = tpu.memref_squeeze %dma_start3A_40 : memref<1x20x128xi32, #tpu.memory_space<hbm>> -> memref<20x128xi32, #tpu.memory_space<hbm>>
      %dma_start3A_42 = arith.constant 0 : i32
      %dma_start3A_43 = arith.constant 0 : i32
      %dma_start3A_44 = tpu.memref_slice %arg3[%add3A, %dma_start3A_42, %dma_start3A_43] : memref<32x20x128xi32, #tpu.memory_space<hbm>> -> memref<1x20x128xi32, #tpu.memory_space<hbm>>
      %dma_start3A_45 = tpu.memref_squeeze %dma_start3A_44 : memref<1x20x128xi32, #tpu.memory_space<hbm>> -> memref<20x128xi32, #tpu.memory_space<hbm>>
      tpu.enqueue_dma source(%dma_start3A_45 : memref<20x128xi32, #tpu.memory_space<hbm>>) target(%arg5 : memref<20x128xi32, #tpu.memory_space<vmem>>) target_semaphore(%run_scoped3A : memref<!tpu.dma_semaphore, #tpu.memory_space<semaphore_mem>>)
      %dma_wait3A_46 = arith.constant 0 : i32
      %dma_wait3A_47 = arith.constant 0 : i32
      %dma_wait3A_48 = tpu.memref_slice %arg3[%add3A, %dma_wait3A_46, %dma_wait3A_47] : memref<32x20x128xi32, #tpu.memory_space<hbm>> -> memref<1x20x128xi32, #tpu.memory_space<hbm>>
      %dma_wait3A_49 = tpu.memref_squeeze %dma_wait3A_48 : memref<1x20x128xi32, #tpu.memory_space<hbm>> -> memref<20x128xi32, #tpu.memory_space<hbm>>
      %dma_wait3A_50 = arith.constant 0 : i32
      %dma_wait3A_51 = arith.constant 0 : i32
      %dma_wait3A_52 = tpu.memref_slice %arg3[%add3A, %dma_wait3A_50, %dma_wait3A_51] : memref<32x20x128xi32, #tpu.memory_space<hbm>> -> memref<1x20x128xi32, #tpu.memory_space<hbm>>
      %dma_wait3A_53 = tpu.memref_squeeze %dma_wait3A_52 : memref<1x20x128xi32, #tpu.memory_space<hbm>> -> memref<20x128xi32, #tpu.memory_space<hbm>>
      tpu.wait_dma2 semaphore(%run_scoped3A : memref<!tpu.dma_semaphore, #tpu.memory_space<semaphore_mem>>) src(%dma_wait3A_53 : memref<20x128xi32, #tpu.memory_space<hbm>>) dst(%arg5 : memref<20x128xi32, #tpu.memory_space<vmem>>)
      tpu.yield
    }) : () -> ()
    %barrier3A = arith.constant 0 : index
    tpu.barrier barrier_id(%barrier3A)
    %dma_start3A = arith.constant 0 : i32
    %dma_start3A_9 = arith.constant 0 : i32
    %dma_start3A_10 = tpu.memref_slice %arg5[%dma_start3A, %dma_start3A_9] : memref<20x128xi32, #tpu.memory_space<vmem>> -> memref<1x128xi32, #tpu.memory_space<vmem>>
    %dma_start3A_11 = tpu.memref_squeeze %dma_start3A_10 : memref<1x128xi32, #tpu.memory_space<vmem>> -> memref<128xi32, #tpu.memory_space<vmem>>
    %dma_start3A_12 = arith.constant 0 : i32
    %dma_start3A_13 = arith.constant 0 : i32
    %dma_start3A_14 = tpu.memref_slice %arg6[%dma_start3A_12, %dma_start3A_13] : memref<10000x128xf32, #tpu.memory_space<vmem_shared>> -> memref<10000x128xf32, #tpu.memory_space<vmem_shared>>
    tpu.enqueue_indirect_dma source(%dma_start3A_14 : memref<10000x128xf32, #tpu.memory_space<vmem_shared>>) target(%arg7 : memref<128x128xf32, #tpu.memory_space<vmem>>) offsets(%dma_start3A_11 : memref<128xi32, #tpu.memory_space<vmem>>) semaphore(%arg9 : memref<!tpu.dma_semaphore, #tpu.memory_space<semaphore_mem>>)
    %dma_start3A_15 = arith.constant 1 : i32
    %dma_start3A_16 = arith.constant 0 : i32
    %dma_start3A_17 = tpu.memref_slice %arg5[%dma_start3A_15, %dma_start3A_16] : memref<20x128xi32, #tpu.memory_space<vmem>> -> memref<1x128xi32, #tpu.memory_space<vmem>>
    %dma_start3A_18 = tpu.memref_squeeze %dma_start3A_17 : memref<1x128xi32, #tpu.memory_space<vmem>> -> memref<128xi32, #tpu.memory_space<vmem>>
    %dma_start3A_19 = arith.constant 0 : i32
    %dma_start3A_20 = arith.constant 0 : i32
    %dma_start3A_21 = tpu.memref_slice %arg6[%dma_start3A_19, %dma_start3A_20] : memref<10000x128xf32, #tpu.memory_space<vmem_shared>> -> memref<10000x128xf32, #tpu.memory_space<vmem_shared>>
    tpu.enqueue_indirect_dma source(%dma_start3A_21 : memref<10000x128xf32, #tpu.memory_space<vmem_shared>>) target(%arg8 : memref<128x128xf32, #tpu.memory_space<vmem>>) offsets(%dma_start3A_18 : memref<128xi32, #tpu.memory_space<vmem>>) semaphore(%arg10 : memref<!tpu.dma_semaphore, #tpu.memory_space<semaphore_mem>>)
    %scan3A = arith.constant 0 : i32
    %scan3A_22 = arith.constant 0 : i32
    %scan3A_23 = arith.constant 10 : i32
    %scan3A_24 = arith.addi %scan3A_22, %scan3A_23 : i32
    %scan3A_25 = arith.constant 1 : i32
    scf.for %scan3A_38 = %scan3A_22 to %scan3A_24 step %scan3A_25  : i32 {
      %mul3A_39 = arith.constant 2 : i32
      %mul3A_40 = arith.muli %mul3A_39, %scan3A_38 : i32
      %add3A_41 = arith.constant 0 : i32
      %add3A_42 = arith.addi %mul3A_40, %add3A_41 : i32
      %dma_wait3A_43 = arith.constant 0 : i32
      %dma_wait3A_44 = tpu.memref_slice %arg5[%add3A_42, %dma_wait3A_43] : memref<20x128xi32, #tpu.memory_space<vmem>> -> memref<1x128xi32, #tpu.memory_space<vmem>>
      %dma_wait3A_45 = tpu.memref_squeeze %dma_wait3A_44 : memref<1x128xi32, #tpu.memory_space<vmem>> -> memref<128xi32, #tpu.memory_space<vmem>>
      %dma_wait3A_46 = arith.constant 0 : i32
      %dma_wait3A_47 = arith.constant 0 : i32
      %dma_wait3A_48 = tpu.memref_slice %arg6[%dma_wait3A_46, %dma_wait3A_47] : memref<10000x128xf32, #tpu.memory_space<vmem_shared>> -> memref<10000x128xf32, #tpu.memory_space<vmem_shared>>
      tpu.wait_indirect_dma semaphore(%arg9 : memref<!tpu.dma_semaphore, #tpu.memory_space<semaphore_mem>>) src(%dma_wait3A_48 : memref<10000x128xf32, #tpu.memory_space<vmem_shared>>) dst(%arg7 : memref<128x128xf32, #tpu.memory_space<vmem>>)
      %add3A_49 = arith.constant 0 : i32
      %add3A_50 = arith.addi %mul3A_40, %add3A_49 : i32
      %mul3A_51 = arith.constant 128 : i32
      %mul3A_52 = arith.muli %add3A_50, %mul3A_51 : i32
      %add3A_53 = arith.addi %mul3A_2, %mul3A_52 : i32
      %dma_start3A_54 = arith.constant 0 : i32
      %dma_start3A_55 = tpu.memref_slice %arg4[%add3A_53, %dma_start3A_54] : memref<81920x128xf32, #tpu.memory_space<hbm>> -> memref<128x128xf32, #tpu.memory_space<hbm>>
      %dma_start3A_56 = arith.constant 0 : i32
      %dma_start3A_57 = tpu.memref_slice %arg4[%add3A_53, %dma_start3A_56] : memref<81920x128xf32, #tpu.memory_space<hbm>> -> memref<128x128xf32, #tpu.memory_space<hbm>>
      tpu.enqueue_dma source(%arg7 : memref<128x128xf32, #tpu.memory_space<vmem>>) target(%dma_start3A_57 : memref<128x128xf32, #tpu.memory_space<hbm>>) target_semaphore(%arg11 : memref<!tpu.dma_semaphore, #tpu.memory_space<semaphore_mem>>)
      %add3A_58 = arith.constant 1 : i32
      %add3A_59 = arith.addi %mul3A_40, %add3A_58 : i32
      %dma_wait3A_60 = arith.constant 0 : i32
      %dma_wait3A_61 = tpu.memref_slice %arg5[%add3A_59, %dma_wait3A_60] : memref<20x128xi32, #tpu.memory_space<vmem>> -> memref<1x128xi32, #tpu.memory_space<vmem>>
      %dma_wait3A_62 = tpu.memref_squeeze %dma_wait3A_61 : memref<1x128xi32, #tpu.memory_space<vmem>> -> memref<128xi32, #tpu.memory_space<vmem>>
      %dma_wait3A_63 = arith.constant 0 : i32
      %dma_wait3A_64 = arith.constant 0 : i32
      %dma_wait3A_65 = tpu.memref_slice %arg6[%dma_wait3A_63, %dma_wait3A_64] : memref<10000x128xf32, #tpu.memory_space<vmem_shared>> -> memref<10000x128xf32, #tpu.memory_space<vmem_shared>>
      tpu.wait_indirect_dma semaphore(%arg10 : memref<!tpu.dma_semaphore, #tpu.memory_space<semaphore_mem>>) src(%dma_wait3A_65 : memref<10000x128xf32, #tpu.memory_space<vmem_shared>>) dst(%arg8 : memref<128x128xf32, #tpu.memory_space<vmem>>)
      %add3A_66 = arith.constant 1 : i32
      %add3A_67 = arith.addi %mul3A_40, %add3A_66 : i32
      %mul3A_68 = arith.constant 128 : i32
      %mul3A_69 = arith.muli %add3A_67, %mul3A_68 : i32
      %add3A_70 = arith.addi %mul3A_2, %mul3A_69 : i32
      %dma_start3A_71 = arith.constant 0 : i32
      %dma_start3A_72 = tpu.memref_slice %arg4[%add3A_70, %dma_start3A_71] : memref<81920x128xf32, #tpu.memory_space<hbm>> -> memref<128x128xf32, #tpu.memory_space<hbm>>
      %dma_start3A_73 = arith.constant 0 : i32
      %dma_start3A_74 = tpu.memref_slice %arg4[%add3A_70, %dma_start3A_73] : memref<81920x128xf32, #tpu.memory_space<hbm>> -> memref<128x128xf32, #tpu.memory_space<hbm>>
      tpu.enqueue_dma source(%arg8 : memref<128x128xf32, #tpu.memory_space<vmem>>) target(%dma_start3A_74 : memref<128x128xf32, #tpu.memory_space<hbm>>) target_semaphore(%arg12 : memref<!tpu.dma_semaphore, #tpu.memory_space<semaphore_mem>>)
      %add3A_75 = arith.constant 0 : i32
      %add3A_76 = arith.addi %mul3A_40, %add3A_75 : i32
      %add3A_77 = arith.constant 2 : i32
      %add3A_78 = arith.addi %add3A_76, %add3A_77 : i32
      %lt3A_79 = arith.constant 20 : i32
      %lt3A_80 = arith.cmpi slt, %add3A_78, %lt3A_79 : i32
      %convert_element_type3A_81 = arith.extui %lt3A_80 : i1 to i32
      %cond3A_82 = arith.constant 0 : i32
      %cond3A_83 = arith.cmpi ne, %convert_element_type3A_81, %cond3A_82 : i32
      scf.if %cond3A_83 {
        %sub3A = arith.constant 2 : i32
        %sub3A_93 = arith.subi %add3A_78, %sub3A : i32
        %mul3A_94 = arith.constant 128 : i32
        %mul3A_95 = arith.muli %sub3A_93, %mul3A_94 : i32
        %add3A_96 = arith.addi %mul3A_2, %mul3A_95 : i32
        %dma_wait3A_97 = arith.constant 0 : i32
        %dma_wait3A_98 = tpu.memref_slice %arg4[%add3A_96, %dma_wait3A_97] : memref<81920x128xf32, #tpu.memory_space<hbm>> -> memref<128x128xf32, #tpu.memory_space<hbm>>
        %dma_wait3A_99 = arith.constant 0 : i32
        %dma_wait3A_100 = tpu.memref_slice %arg4[%add3A_96, %dma_wait3A_99] : memref<81920x128xf32, #tpu.memory_space<hbm>> -> memref<128x128xf32, #tpu.memory_space<hbm>>
        tpu.wait_dma2 semaphore(%arg11 : memref<!tpu.dma_semaphore, #tpu.memory_space<semaphore_mem>>) src(%arg7 : memref<128x128xf32, #tpu.memory_space<vmem>>) dst(%dma_wait3A_100 : memref<128x128xf32, #tpu.memory_space<hbm>>)
        %dma_start3A_101 = arith.constant 0 : i32
        %dma_start3A_102 = tpu.memref_slice %arg5[%add3A_78, %dma_start3A_101] : memref<20x128xi32, #tpu.memory_space<vmem>> -> memref<1x128xi32, #tpu.memory_space<vmem>>
        %dma_start3A_103 = tpu.memref_squeeze %dma_start3A_102 : memref<1x128xi32, #tpu.memory_space<vmem>> -> memref<128xi32, #tpu.memory_space<vmem>>
        %dma_start3A_104 = arith.constant 0 : i32
        %dma_start3A_105 = arith.constant 0 : i32
        %dma_start3A_106 = tpu.memref_slice %arg6[%dma_start3A_104, %dma_start3A_105] : memref<10000x128xf32, #tpu.memory_space<vmem_shared>> -> memref<10000x128xf32, #tpu.memory_space<vmem_shared>>
        tpu.enqueue_indirect_dma source(%dma_start3A_106 : memref<10000x128xf32, #tpu.memory_space<vmem_shared>>) target(%arg7 : memref<128x128xf32, #tpu.memory_space<vmem>>) offsets(%dma_start3A_103 : memref<128xi32, #tpu.memory_space<vmem>>) semaphore(%arg9 : memref<!tpu.dma_semaphore, #tpu.memory_space<semaphore_mem>>)
      } else {
      }
      %add3A_84 = arith.constant 1 : i32
      %add3A_85 = arith.addi %mul3A_40, %add3A_84 : i32
      %add3A_86 = arith.constant 2 : i32
      %add3A_87 = arith.addi %add3A_85, %add3A_86 : i32
      %lt3A_88 = arith.constant 20 : i32
      %lt3A_89 = arith.cmpi slt, %add3A_87, %lt3A_88 : i32
      %convert_element_type3A_90 = arith.extui %lt3A_89 : i1 to i32
      %cond3A_91 = arith.constant 0 : i32
      %cond3A_92 = arith.cmpi ne, %convert_element_type3A_90, %cond3A_91 : i32
      scf.if %cond3A_92 {
        %sub3A = arith.constant 2 : i32
        %sub3A_93 = arith.subi %add3A_87, %sub3A : i32
        %mul3A_94 = arith.constant 128 : i32
        %mul3A_95 = arith.muli %sub3A_93, %mul3A_94 : i32
        %add3A_96 = arith.addi %mul3A_2, %mul3A_95 : i32
        %dma_wait3A_97 = arith.constant 0 : i32
        %dma_wait3A_98 = tpu.memref_slice %arg4[%add3A_96, %dma_wait3A_97] : memref<81920x128xf32, #tpu.memory_space<hbm>> -> memref<128x128xf32, #tpu.memory_space<hbm>>
        %dma_wait3A_99 = arith.constant 0 : i32
        %dma_wait3A_100 = tpu.memref_slice %arg4[%add3A_96, %dma_wait3A_99] : memref<81920x128xf32, #tpu.memory_space<hbm>> -> memref<128x128xf32, #tpu.memory_space<hbm>>
        tpu.wait_dma2 semaphore(%arg12 : memref<!tpu.dma_semaphore, #tpu.memory_space<semaphore_mem>>) src(%arg8 : memref<128x128xf32, #tpu.memory_space<vmem>>) dst(%dma_wait3A_100 : memref<128x128xf32, #tpu.memory_space<hbm>>)
        %dma_start3A_101 = arith.constant 0 : i32
        %dma_start3A_102 = tpu.memref_slice %arg5[%add3A_87, %dma_start3A_101] : memref<20x128xi32, #tpu.memory_space<vmem>> -> memref<1x128xi32, #tpu.memory_space<vmem>>
        %dma_start3A_103 = tpu.memref_squeeze %dma_start3A_102 : memref<1x128xi32, #tpu.memory_space<vmem>> -> memref<128xi32, #tpu.memory_space<vmem>>
        %dma_start3A_104 = arith.constant 0 : i32
        %dma_start3A_105 = arith.constant 0 : i32
        %dma_start3A_106 = tpu.memref_slice %arg6[%dma_start3A_104, %dma_start3A_105] : memref<10000x128xf32, #tpu.memory_space<vmem_shared>> -> memref<10000x128xf32, #tpu.memory_space<vmem_shared>>
        tpu.enqueue_indirect_dma source(%dma_start3A_106 : memref<10000x128xf32, #tpu.memory_space<vmem_shared>>) target(%arg8 : memref<128x128xf32, #tpu.memory_space<vmem>>) offsets(%dma_start3A_103 : memref<128xi32, #tpu.memory_space<vmem>>) semaphore(%arg10 : memref<!tpu.dma_semaphore, #tpu.memory_space<semaphore_mem>>)
      } else {
      }
    }
    %scan3A_26 = arith.constant 10 : i32
    %add3A_27 = arith.constant 2304 : i32
    %add3A_28 = arith.addi %mul3A_2, %add3A_27 : i32
    %dma_wait3A = arith.constant 0 : i32
    %dma_wait3A_29 = tpu.memref_slice %arg4[%add3A_28, %dma_wait3A] : memref<81920x128xf32, #tpu.memory_space<hbm>> -> memref<128x128xf32, #tpu.memory_space<hbm>>
    %dma_wait3A_30 = arith.constant 0 : i32
    %dma_wait3A_31 = tpu.memref_slice %arg4[%add3A_28, %dma_wait3A_30] : memref<81920x128xf32, #tpu.memory_space<hbm>> -> memref<128x128xf32, #tpu.memory_space<hbm>>
    tpu.wait_dma2 semaphore(%arg11 : memref<!tpu.dma_semaphore, #tpu.memory_space<semaphore_mem>>) src(%arg7 : memref<128x128xf32, #tpu.memory_space<vmem>>) dst(%dma_wait3A_31 : memref<128x128xf32, #tpu.memory_space<hbm>>)
    %add3A_32 = arith.constant 2432 : i32
    %add3A_33 = arith.addi %mul3A_2, %add3A_32 : i32
    %dma_wait3A_34 = arith.constant 0 : i32
    %dma_wait3A_35 = tpu.memref_slice %arg4[%add3A_33, %dma_wait3A_34] : memref<81920x128xf32, #tpu.memory_space<hbm>> -> memref<128x128xf32, #tpu.memory_space<hbm>>
    %dma_wait3A_36 = arith.constant 0 : i32
    %dma_wait3A_37 = tpu.memref_slice %arg4[%add3A_33, %dma_wait3A_36] : memref<81920x128xf32, #tpu.memory_space<hbm>> -> memref<128x128xf32, #tpu.memory_space<hbm>>
    tpu.wait_dma2 semaphore(%arg12 : memref<!tpu.dma_semaphore, #tpu.memory_space<semaphore_mem>>) src(%arg8 : memref<128x128xf32, #tpu.memory_space<vmem>>) dst(%dma_wait3A_37 : memref<128x128xf32, #tpu.memory_space<hbm>>)
    return
  }
}

#map = affine_map<(d0, d1) -> (0, 0)>
#map1 = affine_map<(d0, d1) -> (0, 0, 0)>
module attributes {stable_mosaic.version = 14 : i64} {
  func.func @body(%arg0: i32, %arg1: i32, %arg2: memref<10000x128xf32, #tpu.memory_space<hbm>>, %arg3: memref<32x20x128xi32, #tpu.memory_space<hbm>>, %arg4: memref<81920x128xf32, #tpu.memory_space<hbm>>, %arg5: memref<20x128xi32, #tpu.memory_space<vmem>>, %arg6: memref<10000x128xf32, #tpu.memory_space<vmem_shared>>, %arg7: memref<128x128xf32, #tpu.memory_space<vmem>>, %arg8: memref<128x128xf32, #tpu.memory_space<vmem>>, %arg9: memref<!tpu.dma_semaphore, #tpu.memory_space<semaphore_mem>>, %arg10: memref<!tpu.dma_semaphore, #tpu.memory_space<semaphore_mem>>, %arg11: memref<!tpu.dma_semaphore, #tpu.memory_space<semaphore_mem>>, %arg12: memref<!tpu.dma_semaphore, #tpu.memory_space<semaphore_mem>>) attributes {dimension_semantics = [#tpu.dimension_semantics<core_parallel>, #tpu.dimension_semantics<subcore_parallel>], iteration_bounds = array<i64: 2, 16>, scalar_prefetch = 0 : i64, scratch_operands = 8 : i64, tpu.core_type = #tpu.core_type<sc_vector_subcore>, window_params = [{transform_indices = #map}, {transform_indices = #map1}, {transform_indices = #map}]} {
    %mul3A = arith.constant 2 : i32
    %mul3A_0 = arith.muli %arg1, %mul3A : i32
    %add3A = arith.addi %mul3A_0, %arg0 : i32
    %mul3A_1 = arith.constant 2560 : i32
    %mul3A_2 = arith.muli %add3A, %mul3A_1 : i32
    %lt3A = arith.constant 15 : i32
    %lt3A_3 = arith.cmpi slt, %arg1, %lt3A : i32
    %convert_element_type3A = arith.extui %lt3A_3 : i1 to i32
    %cond3A = arith.constant 0 : i32
    %cond3A_4 = arith.cmpi ne, %convert_element_type3A, %cond3A : i32
    scf.if %cond3A_4 {
      %mul3A_38 = arith.constant 640 : i32
      %mul3A_39 = arith.muli %arg1, %mul3A_38 : i32
      %mul3A_40 = arith.constant 640 : i32
      %mul3A_41 = arith.muli %arg1, %mul3A_40 : i32
      "tpu.region"() ({
        %run_scoped3A = tpu.sem_alloc : memref<!tpu.dma_semaphore, #tpu.memory_space<semaphore_mem>>
        %dma_start3A_42 = arith.constant 0 : i32
        %dma_start3A_43 = tpu.memref_slice %arg6[%mul3A_41, %dma_start3A_42] : memref<10000x128xf32, #tpu.memory_space<vmem_shared>> -> memref<640x128xf32, #tpu.memory_space<vmem_shared>>
        %dma_start3A_44 = arith.constant 0 : i32
        %dma_start3A_45 = tpu.memref_slice %arg2[%mul3A_39, %dma_start3A_44] : memref<10000x128xf32, #tpu.memory_space<hbm>> -> memref<640x128xf32, #tpu.memory_space<hbm>>
        tpu.enqueue_dma source(%dma_start3A_45 : memref<640x128xf32, #tpu.memory_space<hbm>>) target(%dma_start3A_43 : memref<640x128xf32, #tpu.memory_space<vmem_shared>>) target_semaphore(%run_scoped3A : memref<!tpu.dma_semaphore, #tpu.memory_space<semaphore_mem>>)
        %dma_wait3A_46 = arith.constant 0 : i32
        %dma_wait3A_47 = tpu.memref_slice %arg6[%mul3A_41, %dma_wait3A_46] : memref<10000x128xf32, #tpu.memory_space<vmem_shared>> -> memref<640x128xf32, #tpu.memory_space<vmem_shared>>
        %dma_wait3A_48 = arith.constant 0 : i32
        %dma_wait3A_49 = tpu.memref_slice %arg2[%mul3A_39, %dma_wait3A_48] : memref<10000x128xf32, #tpu.memory_space<hbm>> -> memref<640x128xf32, #tpu.memory_space<hbm>>
        tpu.wait_dma2 semaphore(%run_scoped3A : memref<!tpu.dma_semaphore, #tpu.memory_space<semaphore_mem>>) src(%dma_wait3A_49 : memref<640x128xf32, #tpu.memory_space<hbm>>) dst(%dma_wait3A_47 : memref<640x128xf32, #tpu.memory_space<vmem_shared>>)
        tpu.yield
      }) : () -> ()
    } else {
    }
    %eq3A = arith.constant 15 : i32
    %eq3A_5 = arith.cmpi eq, %arg1, %eq3A : i32
    %convert_element_type3A_6 = arith.extui %eq3A_5 : i1 to i32
    %cond3A_7 = arith.constant 0 : i32
    %cond3A_8 = arith.cmpi ne, %convert_element_type3A_6, %cond3A_7 : i32
    scf.if %cond3A_8 {
      "tpu.region"() ({
        %run_scoped3A = tpu.sem_alloc : memref<!tpu.dma_semaphore, #tpu.memory_space<semaphore_mem>>
        %dma_start3A_38 = arith.constant 9600 : i32
        %dma_start3A_39 = arith.constant 0 : i32
        %dma_start3A_40 = tpu.memref_slice %arg6[%dma_start3A_38, %dma_start3A_39] : memref<10000x128xf32, #tpu.memory_space<vmem_shared>> -> memref<400x128xf32, #tpu.memory_space<vmem_shared>>
        %dma_start3A_41 = arith.constant 9600 : i32
        %dma_start3A_42 = arith.constant 0 : i32
        %dma_start3A_43 = tpu.memref_slice %arg2[%dma_start3A_41, %dma_start3A_42] : memref<10000x128xf32, #tpu.memory_space<hbm>> -> memref<400x128xf32, #tpu.memory_space<hbm>>
        tpu.enqueue_dma source(%dma_start3A_43 : memref<400x128xf32, #tpu.memory_space<hbm>>) target(%dma_start3A_40 : memref<400x128xf32, #tpu.memory_space<vmem_shared>>) target_semaphore(%run_scoped3A : memref<!tpu.dma_semaphore, #tpu.memory_space<semaphore_mem>>)
        %dma_wait3A_44 = arith.constant 9600 : i32
        %dma_wait3A_45 = arith.constant 0 : i32
        %dma_wait3A_46 = tpu.memref_slice %arg6[%dma_wait3A_44, %dma_wait3A_45] : memref<10000x128xf32, #tpu.memory_space<vmem_shared>> -> memref<400x128xf32, #tpu.memory_space<vmem_shared>>
        %dma_wait3A_47 = arith.constant 9600 : i32
        %dma_wait3A_48 = arith.constant 0 : i32
        %dma_wait3A_49 = tpu.memref_slice %arg2[%dma_wait3A_47, %dma_wait3A_48] : memref<10000x128xf32, #tpu.memory_space<hbm>> -> memref<400x128xf32, #tpu.memory_space<hbm>>
        tpu.wait_dma2 semaphore(%run_scoped3A : memref<!tpu.dma_semaphore, #tpu.memory_space<semaphore_mem>>) src(%dma_wait3A_49 : memref<400x128xf32, #tpu.memory_space<hbm>>) dst(%dma_wait3A_46 : memref<400x128xf32, #tpu.memory_space<vmem_shared>>)
        tpu.yield
      }) : () -> ()
    } else {
    }
    "tpu.region"() ({
      %run_scoped3A = tpu.sem_alloc : memref<!tpu.dma_semaphore, #tpu.memory_space<semaphore_mem>>
      %dma_start3A_38 = arith.constant 0 : i32
      %dma_start3A_39 = arith.constant 0 : i32
      %dma_start3A_40 = tpu.memref_slice %arg3[%add3A, %dma_start3A_38, %dma_start3A_39] : memref<32x20x128xi32, #tpu.memory_space<hbm>> -> memref<1x20x128xi32, #tpu.memory_space<hbm>>
      %dma_start3A_41 = tpu.memref_squeeze %dma_start3A_40 : memref<1x20x128xi32, #tpu.memory_space<hbm>> -> memref<20x128xi32, #tpu.memory_space<hbm>>
      %dma_start3A_42 = arith.constant 0 : i32
      %dma_start3A_43 = arith.constant 0 : i32
      %dma_start3A_44 = tpu.memref_slice %arg3[%add3A, %dma_start3A_42, %dma_start3A_43] : memref<32x20x128xi32, #tpu.memory_space<hbm>> -> memref<1x20x128xi32, #tpu.memory_space<hbm>>
      %dma_start3A_45 = tpu.memref_squeeze %dma_start3A_44 : memref<1x20x128xi32, #tpu.memory_space<hbm>> -> memref<20x128xi32, #tpu.memory_space<hbm>>
      tpu.enqueue_dma source(%dma_start3A_45 : memref<20x128xi32, #tpu.memory_space<hbm>>) target(%arg5 : memref<20x128xi32, #tpu.memory_space<vmem>>) target_semaphore(%run_scoped3A : memref<!tpu.dma_semaphore, #tpu.memory_space<semaphore_mem>>)
      %dma_wait3A_46 = arith.constant 0 : i32
      %dma_wait3A_47 = arith.constant 0 : i32
      %dma_wait3A_48 = tpu.memref_slice %arg3[%add3A, %dma_wait3A_46, %dma_wait3A_47] : memref<32x20x128xi32, #tpu.memory_space<hbm>> -> memref<1x20x128xi32, #tpu.memory_space<hbm>>
      %dma_wait3A_49 = tpu.memref_squeeze %dma_wait3A_48 : memref<1x20x128xi32, #tpu.memory_space<hbm>> -> memref<20x128xi32, #tpu.memory_space<hbm>>
      %dma_wait3A_50 = arith.constant 0 : i32
      %dma_wait3A_51 = arith.constant 0 : i32
      %dma_wait3A_52 = tpu.memref_slice %arg3[%add3A, %dma_wait3A_50, %dma_wait3A_51] : memref<32x20x128xi32, #tpu.memory_space<hbm>> -> memref<1x20x128xi32, #tpu.memory_space<hbm>>
      %dma_wait3A_53 = tpu.memref_squeeze %dma_wait3A_52 : memref<1x20x128xi32, #tpu.memory_space<hbm>> -> memref<20x128xi32, #tpu.memory_space<hbm>>
      tpu.wait_dma2 semaphore(%run_scoped3A : memref<!tpu.dma_semaphore, #tpu.memory_space<semaphore_mem>>) src(%dma_wait3A_53 : memref<20x128xi32, #tpu.memory_space<hbm>>) dst(%arg5 : memref<20x128xi32, #tpu.memory_space<vmem>>)
      tpu.yield
    }) : () -> ()
    %barrier3A = arith.constant 0 : index
    tpu.barrier barrier_id(%barrier3A)
    %dma_start3A = arith.constant 0 : i32
    %dma_start3A_9 = arith.constant 0 : i32
    %dma_start3A_10 = tpu.memref_slice %arg5[%dma_start3A, %dma_start3A_9] : memref<20x128xi32, #tpu.memory_space<vmem>> -> memref<1x128xi32, #tpu.memory_space<vmem>>
    %dma_start3A_11 = tpu.memref_squeeze %dma_start3A_10 : memref<1x128xi32, #tpu.memory_space<vmem>> -> memref<128xi32, #tpu.memory_space<vmem>>
    %dma_start3A_12 = arith.constant 0 : i32
    %dma_start3A_13 = arith.constant 0 : i32
    %dma_start3A_14 = tpu.memref_slice %arg6[%dma_start3A_12, %dma_start3A_13] : memref<10000x128xf32, #tpu.memory_space<vmem_shared>> -> memref<10000x128xf32, #tpu.memory_space<vmem_shared>>
    tpu.enqueue_indirect_dma source(%dma_start3A_14 : memref<10000x128xf32, #tpu.memory_space<vmem_shared>>) target(%arg7 : memref<128x128xf32, #tpu.memory_space<vmem>>) offsets(%dma_start3A_11 : memref<128xi32, #tpu.memory_space<vmem>>) semaphore(%arg9 : memref<!tpu.dma_semaphore, #tpu.memory_space<semaphore_mem>>)
    %dma_start3A_15 = arith.constant 1 : i32
    %dma_start3A_16 = arith.constant 0 : i32
    %dma_start3A_17 = tpu.memref_slice %arg5[%dma_start3A_15, %dma_start3A_16] : memref<20x128xi32, #tpu.memory_space<vmem>> -> memref<1x128xi32, #tpu.memory_space<vmem>>
    %dma_start3A_18 = tpu.memref_squeeze %dma_start3A_17 : memref<1x128xi32, #tpu.memory_space<vmem>> -> memref<128xi32, #tpu.memory_space<vmem>>
    %dma_start3A_19 = arith.constant 0 : i32
    %dma_start3A_20 = arith.constant 0 : i32
    %dma_start3A_21 = tpu.memref_slice %arg6[%dma_start3A_19, %dma_start3A_20] : memref<10000x128xf32, #tpu.memory_space<vmem_shared>> -> memref<10000x128xf32, #tpu.memory_space<vmem_shared>>
    tpu.enqueue_indirect_dma source(%dma_start3A_21 : memref<10000x128xf32, #tpu.memory_space<vmem_shared>>) target(%arg8 : memref<128x128xf32, #tpu.memory_space<vmem>>) offsets(%dma_start3A_18 : memref<128xi32, #tpu.memory_space<vmem>>) semaphore(%arg10 : memref<!tpu.dma_semaphore, #tpu.memory_space<semaphore_mem>>)
    %scan3A = arith.constant 0 : i32
    %scan3A_22 = arith.constant 0 : i32
    %scan3A_23 = arith.constant 10 : i32
    %scan3A_24 = arith.addi %scan3A_22, %scan3A_23 : i32
    %scan3A_25 = arith.constant 1 : i32
    scf.for %scan3A_38 = %scan3A_22 to %scan3A_24 step %scan3A_25  : i32 {
      %mul3A_39 = arith.constant 2 : i32
      %mul3A_40 = arith.muli %mul3A_39, %scan3A_38 : i32
      %add3A_41 = arith.constant 0 : i32
      %add3A_42 = arith.addi %mul3A_40, %add3A_41 : i32
      %dma_wait3A_43 = arith.constant 0 : i32
      %dma_wait3A_44 = tpu.memref_slice %arg5[%add3A_42, %dma_wait3A_43] : memref<20x128xi32, #tpu.memory_space<vmem>> -> memref<1x128xi32, #tpu.memory_space<vmem>>
      %dma_wait3A_45 = tpu.memref_squeeze %dma_wait3A_44 : memref<1x128xi32, #tpu.memory_space<vmem>> -> memref<128xi32, #tpu.memory_space<vmem>>
      %dma_wait3A_46 = arith.constant 0 : i32
      %dma_wait3A_47 = arith.constant 0 : i32
      %dma_wait3A_48 = tpu.memref_slice %arg6[%dma_wait3A_46, %dma_wait3A_47] : memref<10000x128xf32, #tpu.memory_space<vmem_shared>> -> memref<10000x128xf32, #tpu.memory_space<vmem_shared>>
      tpu.wait_indirect_dma semaphore(%arg9 : memref<!tpu.dma_semaphore, #tpu.memory_space<semaphore_mem>>) src(%dma_wait3A_48 : memref<10000x128xf32, #tpu.memory_space<vmem_shared>>) dst(%arg7 : memref<128x128xf32, #tpu.memory_space<vmem>>)
      %add3A_49 = arith.constant 0 : i32
      %add3A_50 = arith.addi %mul3A_40, %add3A_49 : i32
      %mul3A_51 = arith.constant 128 : i32
      %mul3A_52 = arith.muli %add3A_50, %mul3A_51 : i32
      %add3A_53 = arith.addi %mul3A_2, %mul3A_52 : i32
      %dma_start3A_54 = arith.constant 0 : i32
      %dma_start3A_55 = tpu.memref_slice %arg4[%add3A_53, %dma_start3A_54] : memref<81920x128xf32, #tpu.memory_space<hbm>> -> memref<128x128xf32, #tpu.memory_space<hbm>>
      %dma_start3A_56 = arith.constant 0 : i32
      %dma_start3A_57 = tpu.memref_slice %arg4[%add3A_53, %dma_start3A_56] : memref<81920x128xf32, #tpu.memory_space<hbm>> -> memref<128x128xf32, #tpu.memory_space<hbm>>
      tpu.enqueue_dma source(%arg7 : memref<128x128xf32, #tpu.memory_space<vmem>>) target(%dma_start3A_57 : memref<128x128xf32, #tpu.memory_space<hbm>>) target_semaphore(%arg11 : memref<!tpu.dma_semaphore, #tpu.memory_space<semaphore_mem>>)
      %add3A_58 = arith.constant 1 : i32
      %add3A_59 = arith.addi %mul3A_40, %add3A_58 : i32
      %dma_wait3A_60 = arith.constant 0 : i32
      %dma_wait3A_61 = tpu.memref_slice %arg5[%add3A_59, %dma_wait3A_60] : memref<20x128xi32, #tpu.memory_space<vmem>> -> memref<1x128xi32, #tpu.memory_space<vmem>>
      %dma_wait3A_62 = tpu.memref_squeeze %dma_wait3A_61 : memref<1x128xi32, #tpu.memory_space<vmem>> -> memref<128xi32, #tpu.memory_space<vmem>>
      %dma_wait3A_63 = arith.constant 0 : i32
      %dma_wait3A_64 = arith.constant 0 : i32
      %dma_wait3A_65 = tpu.memref_slice %arg6[%dma_wait3A_63, %dma_wait3A_64] : memref<10000x128xf32, #tpu.memory_space<vmem_shared>> -> memref<10000x128xf32, #tpu.memory_space<vmem_shared>>
      tpu.wait_indirect_dma semaphore(%arg10 : memref<!tpu.dma_semaphore, #tpu.memory_space<semaphore_mem>>) src(%dma_wait3A_65 : memref<10000x128xf32, #tpu.memory_space<vmem_shared>>) dst(%arg8 : memref<128x128xf32, #tpu.memory_space<vmem>>)
      %add3A_66 = arith.constant 1 : i32
      %add3A_67 = arith.addi %mul3A_40, %add3A_66 : i32
      %mul3A_68 = arith.constant 128 : i32
      %mul3A_69 = arith.muli %add3A_67, %mul3A_68 : i32
      %add3A_70 = arith.addi %mul3A_2, %mul3A_69 : i32
      %dma_start3A_71 = arith.constant 0 : i32
      %dma_start3A_72 = tpu.memref_slice %arg4[%add3A_70, %dma_start3A_71] : memref<81920x128xf32, #tpu.memory_space<hbm>> -> memref<128x128xf32, #tpu.memory_space<hbm>>
      %dma_start3A_73 = arith.constant 0 : i32
      %dma_start3A_74 = tpu.memref_slice %arg4[%add3A_70, %dma_start3A_73] : memref<81920x128xf32, #tpu.memory_space<hbm>> -> memref<128x128xf32, #tpu.memory_space<hbm>>
      tpu.enqueue_dma source(%arg8 : memref<128x128xf32, #tpu.memory_space<vmem>>) target(%dma_start3A_74 : memref<128x128xf32, #tpu.memory_space<hbm>>) target_semaphore(%arg12 : memref<!tpu.dma_semaphore, #tpu.memory_space<semaphore_mem>>)
      %add3A_75 = arith.constant 0 : i32
      %add3A_76 = arith.addi %mul3A_40, %add3A_75 : i32
      %add3A_77 = arith.constant 2 : i32
      %add3A_78 = arith.addi %add3A_76, %add3A_77 : i32
      %lt3A_79 = arith.constant 20 : i32
      %lt3A_80 = arith.cmpi slt, %add3A_78, %lt3A_79 : i32
      %convert_element_type3A_81 = arith.extui %lt3A_80 : i1 to i32
      %cond3A_82 = arith.constant 0 : i32
      %cond3A_83 = arith.cmpi ne, %convert_element_type3A_81, %cond3A_82 : i32
      scf.if %cond3A_83 {
        %sub3A = arith.constant 2 : i32
        %sub3A_93 = arith.subi %add3A_78, %sub3A : i32
        %mul3A_94 = arith.constant 128 : i32
        %mul3A_95 = arith.muli %sub3A_93, %mul3A_94 : i32
        %add3A_96 = arith.addi %mul3A_2, %mul3A_95 : i32
        %dma_wait3A_97 = arith.constant 0 : i32
        %dma_wait3A_98 = tpu.memref_slice %arg4[%add3A_96, %dma_wait3A_97] : memref<81920x128xf32, #tpu.memory_space<hbm>> -> memref<128x128xf32, #tpu.memory_space<hbm>>
        %dma_wait3A_99 = arith.constant 0 : i32
        %dma_wait3A_100 = tpu.memref_slice %arg4[%add3A_96, %dma_wait3A_99] : memref<81920x128xf32, #tpu.memory_space<hbm>> -> memref<128x128xf32, #tpu.memory_space<hbm>>
        tpu.wait_dma2 semaphore(%arg11 : memref<!tpu.dma_semaphore, #tpu.memory_space<semaphore_mem>>) src(%arg7 : memref<128x128xf32, #tpu.memory_space<vmem>>) dst(%dma_wait3A_100 : memref<128x128xf32, #tpu.memory_space<hbm>>)
        %dma_start3A_101 = arith.constant 0 : i32
        %dma_start3A_102 = tpu.memref_slice %arg5[%add3A_78, %dma_start3A_101] : memref<20x128xi32, #tpu.memory_space<vmem>> -> memref<1x128xi32, #tpu.memory_space<vmem>>
        %dma_start3A_103 = tpu.memref_squeeze %dma_start3A_102 : memref<1x128xi32, #tpu.memory_space<vmem>> -> memref<128xi32, #tpu.memory_space<vmem>>
        %dma_start3A_104 = arith.constant 0 : i32
        %dma_start3A_105 = arith.constant 0 : i32
        %dma_start3A_106 = tpu.memref_slice %arg6[%dma_start3A_104, %dma_start3A_105] : memref<10000x128xf32, #tpu.memory_space<vmem_shared>> -> memref<10000x128xf32, #tpu.memory_space<vmem_shared>>
        tpu.enqueue_indirect_dma source(%dma_start3A_106 : memref<10000x128xf32, #tpu.memory_space<vmem_shared>>) target(%arg7 : memref<128x128xf32, #tpu.memory_space<vmem>>) offsets(%dma_start3A_103 : memref<128xi32, #tpu.memory_space<vmem>>) semaphore(%arg9 : memref<!tpu.dma_semaphore, #tpu.memory_space<semaphore_mem>>)
      } else {
      }
      %add3A_84 = arith.constant 1 : i32
      %add3A_85 = arith.addi %mul3A_40, %add3A_84 : i32
      %add3A_86 = arith.constant 2 : i32
      %add3A_87 = arith.addi %add3A_85, %add3A_86 : i32
      %lt3A_88 = arith.constant 20 : i32
      %lt3A_89 = arith.cmpi slt, %add3A_87, %lt3A_88 : i32
      %convert_element_type3A_90 = arith.extui %lt3A_89 : i1 to i32
      %cond3A_91 = arith.constant 0 : i32
      %cond3A_92 = arith.cmpi ne, %convert_element_type3A_90, %cond3A_91 : i32
      scf.if %cond3A_92 {
        %sub3A = arith.constant 2 : i32
        %sub3A_93 = arith.subi %add3A_87, %sub3A : i32
        %mul3A_94 = arith.constant 128 : i32
        %mul3A_95 = arith.muli %sub3A_93, %mul3A_94 : i32
        %add3A_96 = arith.addi %mul3A_2, %mul3A_95 : i32
        %dma_wait3A_97 = arith.constant 0 : i32
        %dma_wait3A_98 = tpu.memref_slice %arg4[%add3A_96, %dma_wait3A_97] : memref<81920x128xf32, #tpu.memory_space<hbm>> -> memref<128x128xf32, #tpu.memory_space<hbm>>
        %dma_wait3A_99 = arith.constant 0 : i32
        %dma_wait3A_100 = tpu.memref_slice %arg4[%add3A_96, %dma_wait3A_99] : memref<81920x128xf32, #tpu.memory_space<hbm>> -> memref<128x128xf32, #tpu.memory_space<hbm>>
        tpu.wait_dma2 semaphore(%arg12 : memref<!tpu.dma_semaphore, #tpu.memory_space<semaphore_mem>>) src(%arg8 : memref<128x128xf32, #tpu.memory_space<vmem>>) dst(%dma_wait3A_100 : memref<128x128xf32, #tpu.memory_space<hbm>>)
        %dma_start3A_101 = arith.constant 0 : i32
        %dma_start3A_102 = tpu.memref_slice %arg5[%add3A_87, %dma_start3A_101] : memref<20x128xi32, #tpu.memory_space<vmem>> -> memref<1x128xi32, #tpu.memory_space<vmem>>
        %dma_start3A_103 = tpu.memref_squeeze %dma_start3A_102 : memref<1x128xi32, #tpu.memory_space<vmem>> -> memref<128xi32, #tpu.memory_space<vmem>>
        %dma_start3A_104 = arith.constant 0 : i32
        %dma_start3A_105 = arith.constant 0 : i32
        %dma_start3A_106 = tpu.memref_slice %arg6[%dma_start3A_104, %dma_start3A_105] : memref<10000x128xf32, #tpu.memory_space<vmem_shared>> -> memref<10000x128xf32, #tpu.memory_space<vmem_shared>>
        tpu.enqueue_indirect_dma source(%dma_start3A_106 : memref<10000x128xf32, #tpu.memory_space<vmem_shared>>) target(%arg8 : memref<128x128xf32, #tpu.memory_space<vmem>>) offsets(%dma_start3A_103 : memref<128xi32, #tpu.memory_space<vmem>>) semaphore(%arg10 : memref<!tpu.dma_semaphore, #tpu.memory_space<semaphore_mem>>)
      } else {
      }
    }
    %scan3A_26 = arith.constant 10 : i32
    %add3A_27 = arith.constant 2304 : i32
    %add3A_28 = arith.addi %mul3A_2, %add3A_27 : i32
    %dma_wait3A = arith.constant 0 : i32
    %dma_wait3A_29 = tpu.memref_slice %arg4[%add3A_28, %dma_wait3A] : memref<81920x128xf32, #tpu.memory_space<hbm>> -> memref<128x128xf32, #tpu.memory_space<hbm>>
    %dma_wait3A_30 = arith.constant 0 : i32
    %dma_wait3A_31 = tpu.memref_slice %arg4[%add3A_28, %dma_wait3A_30] : memref<81920x128xf32, #tpu.memory_space<hbm>> -> memref<128x128xf32, #tpu.memory_space<hbm>>
    tpu.wait_dma2 semaphore(%arg11 : memref<!tpu.dma_semaphore, #tpu.memory_space<semaphore_mem>>) src(%arg7 : memref<128x128xf32, #tpu.memory_space<vmem>>) dst(%dma_wait3A_31 : memref<128x128xf32, #tpu.memory_space<hbm>>)
    %add3A_32 = arith.constant 2432 : i32
    %add3A_33 = arith.addi %mul3A_2, %add3A_32 : i32
    %dma_wait3A_34 = arith.constant 0 : i32
    %dma_wait3A_35 = tpu.memref_slice %arg4[%add3A_33, %dma_wait3A_34] : memref<81920x128xf32, #tpu.memory_space<hbm>> -> memref<128x128xf32, #tpu.memory_space<hbm>>
    %dma_wait3A_36 = arith.constant 0 : i32
    %dma_wait3A_37 = tpu.memref_slice %arg4[%add3A_33, %dma_wait3A_36] : memref<81920x128xf32, #tpu.memory_space<hbm>> -> memref<128x128xf32, #tpu.memory_space<hbm>>
    tpu.wait_dma2 semaphore(%arg12 : memref<!tpu.dma_semaphore, #tpu.memory_space<semaphore_mem>>) src(%arg8 : memref<128x128xf32, #tpu.memory_space<vmem>>) dst(%dma_wait3A_37 : memref<128x128xf32, #tpu.memory_space<hbm>>)
    return
  }
}

#map = affine_map<(d0, d1) -> (0, 0)>
#map1 = affine_map<(d0, d1) -> (0, 0, 0)>
module attributes {stable_mosaic.version = 14 : i64} {
  func.func @body(%arg0: i32, %arg1: i32, %arg2: memref<81920x128xf32, #tpu.memory_space<hbm>>, %arg3: memref<32x20x128xi32, #tpu.memory_space<hbm>>, %arg4: memref<20480x128xf32, #tpu.memory_space<hbm>>, %arg5: memref<20480x128xf32, #tpu.memory_space<hbm>>, %arg6: memref<20x128xi32, #tpu.memory_space<vmem>>, %arg7: memref<128x128xf32, #tpu.memory_space<vmem>>, %arg8: memref<128x128xf32, #tpu.memory_space<vmem>>, %arg9: memref<10240x128xf32, #tpu.memory_space<vmem_shared>>, %arg10: memref<!tpu.dma_semaphore, #tpu.memory_space<semaphore_mem>>, %arg11: memref<!tpu.dma_semaphore, #tpu.memory_space<semaphore_mem>>) attributes {dimension_semantics = [#tpu.dimension_semantics<core_parallel>, #tpu.dimension_semantics<subcore_parallel>], iteration_bounds = array<i64: 2, 16>, scalar_prefetch = 0 : i64, scratch_operands = 6 : i64, tpu.core_type = #tpu.core_type<sc_vector_subcore>, window_params = [{transform_indices = #map}, {transform_indices = #map1}, {transform_indices = #map}, {transform_indices = #map}]} {
    %mul3A = arith.constant 2 : i32
    %mul3A_0 = arith.muli %arg1, %mul3A : i32
    %add3A = arith.addi %mul3A_0, %arg0 : i32
    %mul3A_1 = arith.constant 10240 : i32
    %mul3A_2 = arith.muli %arg0, %mul3A_1 : i32
    %mul3A_3 = arith.constant 640 : i32
    %mul3A_4 = arith.muli %arg1, %mul3A_3 : i32
    %add3A_5 = arith.addi %mul3A_2, %mul3A_4 : i32
    %mul3A_6 = arith.constant 640 : i32
    %mul3A_7 = arith.muli %arg1, %mul3A_6 : i32
    "tpu.region"() ({
      %run_scoped3A = tpu.sem_alloc : memref<!tpu.dma_semaphore, #tpu.memory_space<semaphore_mem>>
      %dma_start3A_29 = arith.constant 0 : i32
      %dma_start3A_30 = tpu.memref_slice %arg9[%mul3A_7, %dma_start3A_29] : memref<10240x128xf32, #tpu.memory_space<vmem_shared>> -> memref<640x128xf32, #tpu.memory_space<vmem_shared>>
      %dma_start3A_31 = arith.constant 0 : i32
      %dma_start3A_32 = tpu.memref_slice %arg4[%add3A_5, %dma_start3A_31] : memref<20480x128xf32, #tpu.memory_space<hbm>> -> memref<640x128xf32, #tpu.memory_space<hbm>>
      tpu.enqueue_dma source(%dma_start3A_32 : memref<640x128xf32, #tpu.memory_space<hbm>>) target(%dma_start3A_30 : memref<640x128xf32, #tpu.memory_space<vmem_shared>>) target_semaphore(%run_scoped3A : memref<!tpu.dma_semaphore, #tpu.memory_space<semaphore_mem>>)
      %dma_wait3A = arith.constant 0 : i32
      %dma_wait3A_33 = tpu.memref_slice %arg9[%mul3A_7, %dma_wait3A] : memref<10240x128xf32, #tpu.memory_space<vmem_shared>> -> memref<640x128xf32, #tpu.memory_space<vmem_shared>>
      %dma_wait3A_34 = arith.constant 0 : i32
      %dma_wait3A_35 = tpu.memref_slice %arg4[%add3A_5, %dma_wait3A_34] : memref<20480x128xf32, #tpu.memory_space<hbm>> -> memref<640x128xf32, #tpu.memory_space<hbm>>
      tpu.wait_dma2 semaphore(%run_scoped3A : memref<!tpu.dma_semaphore, #tpu.memory_space<semaphore_mem>>) src(%dma_wait3A_35 : memref<640x128xf32, #tpu.memory_space<hbm>>) dst(%dma_wait3A_33 : memref<640x128xf32, #tpu.memory_space<vmem_shared>>)
      tpu.yield
    }) : () -> ()
    "tpu.region"() ({
      %run_scoped3A = tpu.sem_alloc : memref<!tpu.dma_semaphore, #tpu.memory_space<semaphore_mem>>
      %dma_start3A_29 = arith.constant 0 : i32
      %dma_start3A_30 = arith.constant 0 : i32
      %dma_start3A_31 = tpu.memref_slice %arg3[%add3A, %dma_start3A_29, %dma_start3A_30] : memref<32x20x128xi32, #tpu.memory_space<hbm>> -> memref<1x20x128xi32, #tpu.memory_space<hbm>>
      %dma_start3A_32 = tpu.memref_squeeze %dma_start3A_31 : memref<1x20x128xi32, #tpu.memory_space<hbm>> -> memref<20x128xi32, #tpu.memory_space<hbm>>
      %dma_start3A_33 = arith.constant 0 : i32
      %dma_start3A_34 = arith.constant 0 : i32
      %dma_start3A_35 = tpu.memref_slice %arg3[%add3A, %dma_start3A_33, %dma_start3A_34] : memref<32x20x128xi32, #tpu.memory_space<hbm>> -> memref<1x20x128xi32, #tpu.memory_space<hbm>>
      %dma_start3A_36 = tpu.memref_squeeze %dma_start3A_35 : memref<1x20x128xi32, #tpu.memory_space<hbm>> -> memref<20x128xi32, #tpu.memory_space<hbm>>
      tpu.enqueue_dma source(%dma_start3A_36 : memref<20x128xi32, #tpu.memory_space<hbm>>) target(%arg6 : memref<20x128xi32, #tpu.memory_space<vmem>>) target_semaphore(%run_scoped3A : memref<!tpu.dma_semaphore, #tpu.memory_space<semaphore_mem>>)
      %dma_wait3A = arith.constant 0 : i32
      %dma_wait3A_37 = arith.constant 0 : i32
      %dma_wait3A_38 = tpu.memref_slice %arg3[%add3A, %dma_wait3A, %dma_wait3A_37] : memref<32x20x128xi32, #tpu.memory_space<hbm>> -> memref<1x20x128xi32, #tpu.memory_space<hbm>>
      %dma_wait3A_39 = tpu.memref_squeeze %dma_wait3A_38 : memref<1x20x128xi32, #tpu.memory_space<hbm>> -> memref<20x128xi32, #tpu.memory_space<hbm>>
      %dma_wait3A_40 = arith.constant 0 : i32
      %dma_wait3A_41 = arith.constant 0 : i32
      %dma_wait3A_42 = tpu.memref_slice %arg3[%add3A, %dma_wait3A_40, %dma_wait3A_41] : memref<32x20x128xi32, #tpu.memory_space<hbm>> -> memref<1x20x128xi32, #tpu.memory_space<hbm>>
      %dma_wait3A_43 = tpu.memref_squeeze %dma_wait3A_42 : memref<1x20x128xi32, #tpu.memory_space<hbm>> -> memref<20x128xi32, #tpu.memory_space<hbm>>
      tpu.wait_dma2 semaphore(%run_scoped3A : memref<!tpu.dma_semaphore, #tpu.memory_space<semaphore_mem>>) src(%dma_wait3A_43 : memref<20x128xi32, #tpu.memory_space<hbm>>) dst(%arg6 : memref<20x128xi32, #tpu.memory_space<vmem>>)
      tpu.yield
    }) : () -> ()
    %barrier3A = arith.constant 0 : index
    tpu.barrier barrier_id(%barrier3A)
    %mul3A_8 = arith.constant 2560 : i32
    %mul3A_9 = arith.muli %add3A, %mul3A_8 : i32
    %add3A_10 = arith.constant 0 : i32
    %add3A_11 = arith.addi %mul3A_9, %add3A_10 : i32
    %dma_start3A = arith.constant 0 : i32
    %dma_start3A_12 = tpu.memref_slice %arg2[%add3A_11, %dma_start3A] : memref<81920x128xf32, #tpu.memory_space<hbm>> -> memref<128x128xf32, #tpu.memory_space<hbm>>
    %dma_start3A_13 = arith.constant 0 : i32
    %dma_start3A_14 = tpu.memref_slice %arg2[%add3A_11, %dma_start3A_13] : memref<81920x128xf32, #tpu.memory_space<hbm>> -> memref<128x128xf32, #tpu.memory_space<hbm>>
    tpu.enqueue_dma source(%dma_start3A_14 : memref<128x128xf32, #tpu.memory_space<hbm>>) target(%arg7 : memref<128x128xf32, #tpu.memory_space<vmem>>) target_semaphore(%arg10 : memref<!tpu.dma_semaphore, #tpu.memory_space<semaphore_mem>>)
    %add3A_15 = arith.constant 128 : i32
    %add3A_16 = arith.addi %mul3A_9, %add3A_15 : i32
    %dma_start3A_17 = arith.constant 0 : i32
    %dma_start3A_18 = tpu.memref_slice %arg2[%add3A_16, %dma_start3A_17] : memref<81920x128xf32, #tpu.memory_space<hbm>> -> memref<128x128xf32, #tpu.memory_space<hbm>>
    %dma_start3A_19 = arith.constant 0 : i32
    %dma_start3A_20 = tpu.memref_slice %arg2[%add3A_16, %dma_start3A_19] : memref<81920x128xf32, #tpu.memory_space<hbm>> -> memref<128x128xf32, #tpu.memory_space<hbm>>
    tpu.enqueue_dma source(%dma_start3A_20 : memref<128x128xf32, #tpu.memory_space<hbm>>) target(%arg8 : memref<128x128xf32, #tpu.memory_space<vmem>>) target_semaphore(%arg11 : memref<!tpu.dma_semaphore, #tpu.memory_space<semaphore_mem>>)
    %scan3A = arith.constant 0 : i32
    %scan3A_21 = arith.constant 0 : i32
    %scan3A_22 = arith.constant 10 : i32
    %scan3A_23 = arith.addi %scan3A_21, %scan3A_22 : i32
    %scan3A_24 = arith.constant 1 : i32
    scf.for %scan3A_29 = %scan3A_21 to %scan3A_23 step %scan3A_24  : i32 {
      %mul3A_30 = arith.constant 2 : i32
      %mul3A_31 = arith.muli %mul3A_30, %scan3A_29 : i32
      %add3A_32 = arith.constant 1 : i32
      %add3A_33 = arith.addi %mul3A_31, %add3A_32 : i32
      %mul3A_34 = arith.constant 128 : i32
      %mul3A_35 = arith.muli %mul3A_31, %mul3A_34 : i32
      %add3A_36 = arith.addi %mul3A_9, %mul3A_35 : i32
      %dma_wait3A = arith.constant 0 : i32
      %dma_wait3A_37 = tpu.memref_slice %arg2[%add3A_36, %dma_wait3A] : memref<81920x128xf32, #tpu.memory_space<hbm>> -> memref<128x128xf32, #tpu.memory_space<hbm>>
      %dma_wait3A_38 = arith.constant 0 : i32
      %dma_wait3A_39 = tpu.memref_slice %arg2[%add3A_36, %dma_wait3A_38] : memref<81920x128xf32, #tpu.memory_space<hbm>> -> memref<128x128xf32, #tpu.memory_space<hbm>>
      tpu.wait_dma2 semaphore(%arg10 : memref<!tpu.dma_semaphore, #tpu.memory_space<semaphore_mem>>) src(%dma_wait3A_39 : memref<128x128xf32, #tpu.memory_space<hbm>>) dst(%arg7 : memref<128x128xf32, #tpu.memory_space<vmem>>)
      "tpu.region"() ({
        %run_scoped3A = tpu.sem_alloc : memref<!tpu.dma_semaphore, #tpu.memory_space<semaphore_mem>>
        %dma_start3A_58 = arith.constant 0 : i32
        %dma_start3A_59 = tpu.memref_slice %arg6[%mul3A_31, %dma_start3A_58] : memref<20x128xi32, #tpu.memory_space<vmem>> -> memref<1x128xi32, #tpu.memory_space<vmem>>
        %dma_start3A_60 = tpu.memref_squeeze %dma_start3A_59 : memref<1x128xi32, #tpu.memory_space<vmem>> -> memref<128xi32, #tpu.memory_space<vmem>>
        %dma_start3A_61 = arith.constant 0 : i32
        %dma_start3A_62 = arith.constant 0 : i32
        %dma_start3A_63 = tpu.memref_slice %arg9[%dma_start3A_61, %dma_start3A_62] : memref<10240x128xf32, #tpu.memory_space<vmem_shared>> -> memref<10240x128xf32, #tpu.memory_space<vmem_shared>>
        tpu.enqueue_indirect_dma source(%arg7 : memref<128x128xf32, #tpu.memory_space<vmem>>) target(%dma_start3A_63 : memref<10240x128xf32, #tpu.memory_space<vmem_shared>>) offsets(%dma_start3A_60 : memref<128xi32, #tpu.memory_space<vmem>>) semaphore(%run_scoped3A : memref<!tpu.dma_semaphore, #tpu.memory_space<semaphore_mem>>) {add = true}
        %dma_wait3A_64 = arith.constant 0 : i32
        %dma_wait3A_65 = tpu.memref_slice %arg6[%mul3A_31, %dma_wait3A_64] : memref<20x128xi32, #tpu.memory_space<vmem>> -> memref<1x128xi32, #tpu.memory_space<vmem>>
        %dma_wait3A_66 = tpu.memref_squeeze %dma_wait3A_65 : memref<1x128xi32, #tpu.memory_space<vmem>> -> memref<128xi32, #tpu.memory_space<vmem>>
        %dma_wait3A_67 = arith.constant 0 : i32
        %dma_wait3A_68 = arith.constant 0 : i32
        %dma_wait3A_69 = tpu.memref_slice %arg9[%dma_wait3A_67, %dma_wait3A_68] : memref<10240x128xf32, #tpu.memory_space<vmem_shared>> -> memref<10240x128xf32, #tpu.memory_space<vmem_shared>>
        tpu.wait_indirect_dma semaphore(%run_scoped3A : memref<!tpu.dma_semaphore, #tpu.memory_space<semaphore_mem>>) src(%arg7 : memref<128x128xf32, #tpu.memory_space<vmem>>) dst(%dma_wait3A_69 : memref<10240x128xf32, #tpu.memory_space<vmem_shared>>)
        tpu.yield
      }) : () -> ()
      %add3A_40 = arith.constant 2 : i32
      %add3A_41 = arith.addi %mul3A_31, %add3A_40 : i32
      %lt3A = arith.constant 20 : i32
      %lt3A_42 = arith.cmpi slt, %add3A_41, %lt3A : i32
      %convert_element_type3A = arith.extui %lt3A_42 : i1 to i32
      %cond3A = arith.constant 0 : i32
      %cond3A_43 = arith.cmpi ne, %convert_element_type3A, %cond3A : i32
      scf.if %cond3A_43 {
        %add3A_58 = arith.constant 2 : i32
        %add3A_59 = arith.addi %mul3A_31, %add3A_58 : i32
        %mul3A_60 = arith.constant 128 : i32
        %mul3A_61 = arith.muli %add3A_59, %mul3A_60 : i32
        %add3A_62 = arith.addi %mul3A_9, %mul3A_61 : i32
        %dma_start3A_63 = arith.constant 0 : i32
        %dma_start3A_64 = tpu.memref_slice %arg2[%add3A_62, %dma_start3A_63] : memref<81920x128xf32, #tpu.memory_space<hbm>> -> memref<128x128xf32, #tpu.memory_space<hbm>>
        %dma_start3A_65 = arith.constant 0 : i32
        %dma_start3A_66 = tpu.memref_slice %arg2[%add3A_62, %dma_start3A_65] : memref<81920x128xf32, #tpu.memory_space<hbm>> -> memref<128x128xf32, #tpu.memory_space<hbm>>
        tpu.enqueue_dma source(%dma_start3A_66 : memref<128x128xf32, #tpu.memory_space<hbm>>) target(%arg7 : memref<128x128xf32, #tpu.memory_space<vmem>>) target_semaphore(%arg10 : memref<!tpu.dma_semaphore, #tpu.memory_space<semaphore_mem>>)
      } else {
      }
      %mul3A_44 = arith.constant 128 : i32
      %mul3A_45 = arith.muli %add3A_33, %mul3A_44 : i32
      %add3A_46 = arith.addi %mul3A_9, %mul3A_45 : i32
      %dma_wait3A_47 = arith.constant 0 : i32
      %dma_wait3A_48 = tpu.memref_slice %arg2[%add3A_46, %dma_wait3A_47] : memref<81920x128xf32, #tpu.memory_space<hbm>> -> memref<128x128xf32, #tpu.memory_space<hbm>>
      %dma_wait3A_49 = arith.constant 0 : i32
      %dma_wait3A_50 = tpu.memref_slice %arg2[%add3A_46, %dma_wait3A_49] : memref<81920x128xf32, #tpu.memory_space<hbm>> -> memref<128x128xf32, #tpu.memory_space<hbm>>
      tpu.wait_dma2 semaphore(%arg11 : memref<!tpu.dma_semaphore, #tpu.memory_space<semaphore_mem>>) src(%dma_wait3A_50 : memref<128x128xf32, #tpu.memory_space<hbm>>) dst(%arg8 : memref<128x128xf32, #tpu.memory_space<vmem>>)
      "tpu.region"() ({
        %run_scoped3A = tpu.sem_alloc : memref<!tpu.dma_semaphore, #tpu.memory_space<semaphore_mem>>
        %dma_start3A_58 = arith.constant 0 : i32
        %dma_start3A_59 = tpu.memref_slice %arg6[%add3A_33, %dma_start3A_58] : memref<20x128xi32, #tpu.memory_space<vmem>> -> memref<1x128xi32, #tpu.memory_space<vmem>>
        %dma_start3A_60 = tpu.memref_squeeze %dma_start3A_59 : memref<1x128xi32, #tpu.memory_space<vmem>> -> memref<128xi32, #tpu.memory_space<vmem>>
        %dma_start3A_61 = arith.constant 0 : i32
        %dma_start3A_62 = arith.constant 0 : i32
        %dma_start3A_63 = tpu.memref_slice %arg9[%dma_start3A_61, %dma_start3A_62] : memref<10240x128xf32, #tpu.memory_space<vmem_shared>> -> memref<10240x128xf32, #tpu.memory_space<vmem_shared>>
        tpu.enqueue_indirect_dma source(%arg8 : memref<128x128xf32, #tpu.memory_space<vmem>>) target(%dma_start3A_63 : memref<10240x128xf32, #tpu.memory_space<vmem_shared>>) offsets(%dma_start3A_60 : memref<128xi32, #tpu.memory_space<vmem>>) semaphore(%run_scoped3A : memref<!tpu.dma_semaphore, #tpu.memory_space<semaphore_mem>>) {add = true}
        %dma_wait3A_64 = arith.constant 0 : i32
        %dma_wait3A_65 = tpu.memref_slice %arg6[%add3A_33, %dma_wait3A_64] : memref<20x128xi32, #tpu.memory_space<vmem>> -> memref<1x128xi32, #tpu.memory_space<vmem>>
        %dma_wait3A_66 = tpu.memref_squeeze %dma_wait3A_65 : memref<1x128xi32, #tpu.memory_space<vmem>> -> memref<128xi32, #tpu.memory_space<vmem>>
        %dma_wait3A_67 = arith.constant 0 : i32
        %dma_wait3A_68 = arith.constant 0 : i32
        %dma_wait3A_69 = tpu.memref_slice %arg9[%dma_wait3A_67, %dma_wait3A_68] : memref<10240x128xf32, #tpu.memory_space<vmem_shared>> -> memref<10240x128xf32, #tpu.memory_space<vmem_shared>>
        tpu.wait_indirect_dma semaphore(%run_scoped3A : memref<!tpu.dma_semaphore, #tpu.memory_space<semaphore_mem>>) src(%arg8 : memref<128x128xf32, #tpu.memory_space<vmem>>) dst(%dma_wait3A_69 : memref<10240x128xf32, #tpu.memory_space<vmem_shared>>)
        tpu.yield
      }) : () -> ()
      %add3A_51 = arith.constant 2 : i32
      %add3A_52 = arith.addi %add3A_33, %add3A_51 : i32
      %lt3A_53 = arith.constant 20 : i32
      %lt3A_54 = arith.cmpi slt, %add3A_52, %lt3A_53 : i32
      %convert_element_type3A_55 = arith.extui %lt3A_54 : i1 to i32
      %cond3A_56 = arith.constant 0 : i32
      %cond3A_57 = arith.cmpi ne, %convert_element_type3A_55, %cond3A_56 : i32
      scf.if %cond3A_57 {
        %add3A_58 = arith.constant 2 : i32
        %add3A_59 = arith.addi %add3A_33, %add3A_58 : i32
        %mul3A_60 = arith.constant 128 : i32
        %mul3A_61 = arith.muli %add3A_59, %mul3A_60 : i32
        %add3A_62 = arith.addi %mul3A_9, %mul3A_61 : i32
        %dma_start3A_63 = arith.constant 0 : i32
        %dma_start3A_64 = tpu.memref_slice %arg2[%add3A_62, %dma_start3A_63] : memref<81920x128xf32, #tpu.memory_space<hbm>> -> memref<128x128xf32, #tpu.memory_space<hbm>>
        %dma_start3A_65 = arith.constant 0 : i32
        %dma_start3A_66 = tpu.memref_slice %arg2[%add3A_62, %dma_start3A_65] : memref<81920x128xf32, #tpu.memory_space<hbm>> -> memref<128x128xf32, #tpu.memory_space<hbm>>
        tpu.enqueue_dma source(%dma_start3A_66 : memref<128x128xf32, #tpu.memory_space<hbm>>) target(%arg8 : memref<128x128xf32, #tpu.memory_space<vmem>>) target_semaphore(%arg11 : memref<!tpu.dma_semaphore, #tpu.memory_space<semaphore_mem>>)
      } else {
      }
    }
    %scan3A_25 = arith.constant 10 : i32
    %barrier3A_26 = arith.constant 0 : index
    tpu.barrier barrier_id(%barrier3A_26)
    %mul3A_27 = arith.constant 640 : i32
    %mul3A_28 = arith.muli %arg1, %mul3A_27 : i32
    "tpu.region"() ({
      %run_scoped3A = tpu.sem_alloc : memref<!tpu.dma_semaphore, #tpu.memory_space<semaphore_mem>>
      %dma_start3A_29 = arith.constant 0 : i32
      %dma_start3A_30 = tpu.memref_slice %arg5[%add3A_5, %dma_start3A_29] : memref<20480x128xf32, #tpu.memory_space<hbm>> -> memref<640x128xf32, #tpu.memory_space<hbm>>
      %dma_start3A_31 = arith.constant 0 : i32
      %dma_start3A_32 = tpu.memref_slice %arg9[%mul3A_28, %dma_start3A_31] : memref<10240x128xf32, #tpu.memory_space<vmem_shared>> -> memref<640x128xf32, #tpu.memory_space<vmem_shared>>
      tpu.enqueue_dma source(%dma_start3A_32 : memref<640x128xf32, #tpu.memory_space<vmem_shared>>) target(%dma_start3A_30 : memref<640x128xf32, #tpu.memory_space<hbm>>) target_semaphore(%run_scoped3A : memref<!tpu.dma_semaphore, #tpu.memory_space<semaphore_mem>>)
      %dma_wait3A = arith.constant 0 : i32
      %dma_wait3A_33 = tpu.memref_slice %arg5[%add3A_5, %dma_wait3A] : memref<20480x128xf32, #tpu.memory_space<hbm>> -> memref<640x128xf32, #tpu.memory_space<hbm>>
      %dma_wait3A_34 = arith.constant 0 : i32
      %dma_wait3A_35 = tpu.memref_slice %arg9[%mul3A_28, %dma_wait3A_34] : memref<10240x128xf32, #tpu.memory_space<vmem_shared>> -> memref<640x128xf32, #tpu.memory_space<vmem_shared>>
      tpu.wait_dma2 semaphore(%run_scoped3A : memref<!tpu.dma_semaphore, #tpu.memory_space<semaphore_mem>>) src(%dma_wait3A_35 : memref<640x128xf32, #tpu.memory_space<vmem_shared>>) dst(%dma_wait3A_33 : memref<640x128xf32, #tpu.memory_space<hbm>>)
      tpu.yield
    }) : () -> ()
    return
  }
}

#map = affine_map<(d0, d1) -> (0, 0)>
#map1 = affine_map<(d0, d1) -> (0, 0, 0)>
module attributes {stable_mosaic.version = 14 : i64} {
  func.func @body(%arg0: i32, %arg1: i32, %arg2: memref<81920x128xf32, #tpu.memory_space<hbm>>, %arg3: memref<32x20x128xi32, #tpu.memory_space<hbm>>, %arg4: memref<20480x128xf32, #tpu.memory_space<hbm>>, %arg5: memref<20480x128xf32, #tpu.memory_space<hbm>>, %arg6: memref<20x128xi32, #tpu.memory_space<vmem>>, %arg7: memref<128x128xf32, #tpu.memory_space<vmem>>, %arg8: memref<128x128xf32, #tpu.memory_space<vmem>>, %arg9: memref<10240x128xf32, #tpu.memory_space<vmem_shared>>, %arg10: memref<!tpu.dma_semaphore, #tpu.memory_space<semaphore_mem>>, %arg11: memref<!tpu.dma_semaphore, #tpu.memory_space<semaphore_mem>>) attributes {dimension_semantics = [#tpu.dimension_semantics<core_parallel>, #tpu.dimension_semantics<subcore_parallel>], iteration_bounds = array<i64: 2, 16>, scalar_prefetch = 0 : i64, scratch_operands = 6 : i64, tpu.core_type = #tpu.core_type<sc_vector_subcore>, window_params = [{transform_indices = #map}, {transform_indices = #map1}, {transform_indices = #map}, {transform_indices = #map}]} {
    %mul3A = arith.constant 2 : i32
    %mul3A_0 = arith.muli %arg1, %mul3A : i32
    %add3A = arith.addi %mul3A_0, %arg0 : i32
    %mul3A_1 = arith.constant 10240 : i32
    %mul3A_2 = arith.muli %arg0, %mul3A_1 : i32
    %mul3A_3 = arith.constant 640 : i32
    %mul3A_4 = arith.muli %arg1, %mul3A_3 : i32
    %add3A_5 = arith.addi %mul3A_2, %mul3A_4 : i32
    %mul3A_6 = arith.constant 640 : i32
    %mul3A_7 = arith.muli %arg1, %mul3A_6 : i32
    "tpu.region"() ({
      %run_scoped3A = tpu.sem_alloc : memref<!tpu.dma_semaphore, #tpu.memory_space<semaphore_mem>>
      %dma_start3A_29 = arith.constant 0 : i32
      %dma_start3A_30 = tpu.memref_slice %arg9[%mul3A_7, %dma_start3A_29] : memref<10240x128xf32, #tpu.memory_space<vmem_shared>> -> memref<640x128xf32, #tpu.memory_space<vmem_shared>>
      %dma_start3A_31 = arith.constant 0 : i32
      %dma_start3A_32 = tpu.memref_slice %arg4[%add3A_5, %dma_start3A_31] : memref<20480x128xf32, #tpu.memory_space<hbm>> -> memref<640x128xf32, #tpu.memory_space<hbm>>
      tpu.enqueue_dma source(%dma_start3A_32 : memref<640x128xf32, #tpu.memory_space<hbm>>) target(%dma_start3A_30 : memref<640x128xf32, #tpu.memory_space<vmem_shared>>) target_semaphore(%run_scoped3A : memref<!tpu.dma_semaphore, #tpu.memory_space<semaphore_mem>>)
      %dma_wait3A = arith.constant 0 : i32
      %dma_wait3A_33 = tpu.memref_slice %arg9[%mul3A_7, %dma_wait3A] : memref<10240x128xf32, #tpu.memory_space<vmem_shared>> -> memref<640x128xf32, #tpu.memory_space<vmem_shared>>
      %dma_wait3A_34 = arith.constant 0 : i32
      %dma_wait3A_35 = tpu.memref_slice %arg4[%add3A_5, %dma_wait3A_34] : memref<20480x128xf32, #tpu.memory_space<hbm>> -> memref<640x128xf32, #tpu.memory_space<hbm>>
      tpu.wait_dma2 semaphore(%run_scoped3A : memref<!tpu.dma_semaphore, #tpu.memory_space<semaphore_mem>>) src(%dma_wait3A_35 : memref<640x128xf32, #tpu.memory_space<hbm>>) dst(%dma_wait3A_33 : memref<640x128xf32, #tpu.memory_space<vmem_shared>>)
      tpu.yield
    }) : () -> ()
    "tpu.region"() ({
      %run_scoped3A = tpu.sem_alloc : memref<!tpu.dma_semaphore, #tpu.memory_space<semaphore_mem>>
      %dma_start3A_29 = arith.constant 0 : i32
      %dma_start3A_30 = arith.constant 0 : i32
      %dma_start3A_31 = tpu.memref_slice %arg3[%add3A, %dma_start3A_29, %dma_start3A_30] : memref<32x20x128xi32, #tpu.memory_space<hbm>> -> memref<1x20x128xi32, #tpu.memory_space<hbm>>
      %dma_start3A_32 = tpu.memref_squeeze %dma_start3A_31 : memref<1x20x128xi32, #tpu.memory_space<hbm>> -> memref<20x128xi32, #tpu.memory_space<hbm>>
      %dma_start3A_33 = arith.constant 0 : i32
      %dma_start3A_34 = arith.constant 0 : i32
      %dma_start3A_35 = tpu.memref_slice %arg3[%add3A, %dma_start3A_33, %dma_start3A_34] : memref<32x20x128xi32, #tpu.memory_space<hbm>> -> memref<1x20x128xi32, #tpu.memory_space<hbm>>
      %dma_start3A_36 = tpu.memref_squeeze %dma_start3A_35 : memref<1x20x128xi32, #tpu.memory_space<hbm>> -> memref<20x128xi32, #tpu.memory_space<hbm>>
      tpu.enqueue_dma source(%dma_start3A_36 : memref<20x128xi32, #tpu.memory_space<hbm>>) target(%arg6 : memref<20x128xi32, #tpu.memory_space<vmem>>) target_semaphore(%run_scoped3A : memref<!tpu.dma_semaphore, #tpu.memory_space<semaphore_mem>>)
      %dma_wait3A = arith.constant 0 : i32
      %dma_wait3A_37 = arith.constant 0 : i32
      %dma_wait3A_38 = tpu.memref_slice %arg3[%add3A, %dma_wait3A, %dma_wait3A_37] : memref<32x20x128xi32, #tpu.memory_space<hbm>> -> memref<1x20x128xi32, #tpu.memory_space<hbm>>
      %dma_wait3A_39 = tpu.memref_squeeze %dma_wait3A_38 : memref<1x20x128xi32, #tpu.memory_space<hbm>> -> memref<20x128xi32, #tpu.memory_space<hbm>>
      %dma_wait3A_40 = arith.constant 0 : i32
      %dma_wait3A_41 = arith.constant 0 : i32
      %dma_wait3A_42 = tpu.memref_slice %arg3[%add3A, %dma_wait3A_40, %dma_wait3A_41] : memref<32x20x128xi32, #tpu.memory_space<hbm>> -> memref<1x20x128xi32, #tpu.memory_space<hbm>>
      %dma_wait3A_43 = tpu.memref_squeeze %dma_wait3A_42 : memref<1x20x128xi32, #tpu.memory_space<hbm>> -> memref<20x128xi32, #tpu.memory_space<hbm>>
      tpu.wait_dma2 semaphore(%run_scoped3A : memref<!tpu.dma_semaphore, #tpu.memory_space<semaphore_mem>>) src(%dma_wait3A_43 : memref<20x128xi32, #tpu.memory_space<hbm>>) dst(%arg6 : memref<20x128xi32, #tpu.memory_space<vmem>>)
      tpu.yield
    }) : () -> ()
    %barrier3A = arith.constant 0 : index
    tpu.barrier barrier_id(%barrier3A)
    %mul3A_8 = arith.constant 2560 : i32
    %mul3A_9 = arith.muli %add3A, %mul3A_8 : i32
    %add3A_10 = arith.constant 0 : i32
    %add3A_11 = arith.addi %mul3A_9, %add3A_10 : i32
    %dma_start3A = arith.constant 0 : i32
    %dma_start3A_12 = tpu.memref_slice %arg2[%add3A_11, %dma_start3A] : memref<81920x128xf32, #tpu.memory_space<hbm>> -> memref<128x128xf32, #tpu.memory_space<hbm>>
    %dma_start3A_13 = arith.constant 0 : i32
    %dma_start3A_14 = tpu.memref_slice %arg2[%add3A_11, %dma_start3A_13] : memref<81920x128xf32, #tpu.memory_space<hbm>> -> memref<128x128xf32, #tpu.memory_space<hbm>>
    tpu.enqueue_dma source(%dma_start3A_14 : memref<128x128xf32, #tpu.memory_space<hbm>>) target(%arg7 : memref<128x128xf32, #tpu.memory_space<vmem>>) target_semaphore(%arg10 : memref<!tpu.dma_semaphore, #tpu.memory_space<semaphore_mem>>)
    %add3A_15 = arith.constant 128 : i32
    %add3A_16 = arith.addi %mul3A_9, %add3A_15 : i32
    %dma_start3A_17 = arith.constant 0 : i32
    %dma_start3A_18 = tpu.memref_slice %arg2[%add3A_16, %dma_start3A_17] : memref<81920x128xf32, #tpu.memory_space<hbm>> -> memref<128x128xf32, #tpu.memory_space<hbm>>
    %dma_start3A_19 = arith.constant 0 : i32
    %dma_start3A_20 = tpu.memref_slice %arg2[%add3A_16, %dma_start3A_19] : memref<81920x128xf32, #tpu.memory_space<hbm>> -> memref<128x128xf32, #tpu.memory_space<hbm>>
    tpu.enqueue_dma source(%dma_start3A_20 : memref<128x128xf32, #tpu.memory_space<hbm>>) target(%arg8 : memref<128x128xf32, #tpu.memory_space<vmem>>) target_semaphore(%arg11 : memref<!tpu.dma_semaphore, #tpu.memory_space<semaphore_mem>>)
    %scan3A = arith.constant 0 : i32
    %scan3A_21 = arith.constant 0 : i32
    %scan3A_22 = arith.constant 10 : i32
    %scan3A_23 = arith.addi %scan3A_21, %scan3A_22 : i32
    %scan3A_24 = arith.constant 1 : i32
    scf.for %scan3A_29 = %scan3A_21 to %scan3A_23 step %scan3A_24  : i32 {
      %mul3A_30 = arith.constant 2 : i32
      %mul3A_31 = arith.muli %mul3A_30, %scan3A_29 : i32
      %add3A_32 = arith.constant 1 : i32
      %add3A_33 = arith.addi %mul3A_31, %add3A_32 : i32
      %mul3A_34 = arith.constant 128 : i32
      %mul3A_35 = arith.muli %mul3A_31, %mul3A_34 : i32
      %add3A_36 = arith.addi %mul3A_9, %mul3A_35 : i32
      %dma_wait3A = arith.constant 0 : i32
      %dma_wait3A_37 = tpu.memref_slice %arg2[%add3A_36, %dma_wait3A] : memref<81920x128xf32, #tpu.memory_space<hbm>> -> memref<128x128xf32, #tpu.memory_space<hbm>>
      %dma_wait3A_38 = arith.constant 0 : i32
      %dma_wait3A_39 = tpu.memref_slice %arg2[%add3A_36, %dma_wait3A_38] : memref<81920x128xf32, #tpu.memory_space<hbm>> -> memref<128x128xf32, #tpu.memory_space<hbm>>
      tpu.wait_dma2 semaphore(%arg10 : memref<!tpu.dma_semaphore, #tpu.memory_space<semaphore_mem>>) src(%dma_wait3A_39 : memref<128x128xf32, #tpu.memory_space<hbm>>) dst(%arg7 : memref<128x128xf32, #tpu.memory_space<vmem>>)
      "tpu.region"() ({
        %run_scoped3A = tpu.sem_alloc : memref<!tpu.dma_semaphore, #tpu.memory_space<semaphore_mem>>
        %dma_start3A_58 = arith.constant 0 : i32
        %dma_start3A_59 = tpu.memref_slice %arg6[%mul3A_31, %dma_start3A_58] : memref<20x128xi32, #tpu.memory_space<vmem>> -> memref<1x128xi32, #tpu.memory_space<vmem>>
        %dma_start3A_60 = tpu.memref_squeeze %dma_start3A_59 : memref<1x128xi32, #tpu.memory_space<vmem>> -> memref<128xi32, #tpu.memory_space<vmem>>
        %dma_start3A_61 = arith.constant 0 : i32
        %dma_start3A_62 = arith.constant 0 : i32
        %dma_start3A_63 = tpu.memref_slice %arg9[%dma_start3A_61, %dma_start3A_62] : memref<10240x128xf32, #tpu.memory_space<vmem_shared>> -> memref<10240x128xf32, #tpu.memory_space<vmem_shared>>
        tpu.enqueue_indirect_dma source(%arg7 : memref<128x128xf32, #tpu.memory_space<vmem>>) target(%dma_start3A_63 : memref<10240x128xf32, #tpu.memory_space<vmem_shared>>) offsets(%dma_start3A_60 : memref<128xi32, #tpu.memory_space<vmem>>) semaphore(%run_scoped3A : memref<!tpu.dma_semaphore, #tpu.memory_space<semaphore_mem>>) {add = true}
        %dma_wait3A_64 = arith.constant 0 : i32
        %dma_wait3A_65 = tpu.memref_slice %arg6[%mul3A_31, %dma_wait3A_64] : memref<20x128xi32, #tpu.memory_space<vmem>> -> memref<1x128xi32, #tpu.memory_space<vmem>>
        %dma_wait3A_66 = tpu.memref_squeeze %dma_wait3A_65 : memref<1x128xi32, #tpu.memory_space<vmem>> -> memref<128xi32, #tpu.memory_space<vmem>>
        %dma_wait3A_67 = arith.constant 0 : i32
        %dma_wait3A_68 = arith.constant 0 : i32
        %dma_wait3A_69 = tpu.memref_slice %arg9[%dma_wait3A_67, %dma_wait3A_68] : memref<10240x128xf32, #tpu.memory_space<vmem_shared>> -> memref<10240x128xf32, #tpu.memory_space<vmem_shared>>
        tpu.wait_indirect_dma semaphore(%run_scoped3A : memref<!tpu.dma_semaphore, #tpu.memory_space<semaphore_mem>>) src(%arg7 : memref<128x128xf32, #tpu.memory_space<vmem>>) dst(%dma_wait3A_69 : memref<10240x128xf32, #tpu.memory_space<vmem_shared>>)
        tpu.yield
      }) : () -> ()
      %add3A_40 = arith.constant 2 : i32
      %add3A_41 = arith.addi %mul3A_31, %add3A_40 : i32
      %lt3A = arith.constant 20 : i32
      %lt3A_42 = arith.cmpi slt, %add3A_41, %lt3A : i32
      %convert_element_type3A = arith.extui %lt3A_42 : i1 to i32
      %cond3A = arith.constant 0 : i32
      %cond3A_43 = arith.cmpi ne, %convert_element_type3A, %cond3A : i32
      scf.if %cond3A_43 {
        %add3A_58 = arith.constant 2 : i32
        %add3A_59 = arith.addi %mul3A_31, %add3A_58 : i32
        %mul3A_60 = arith.constant 128 : i32
        %mul3A_61 = arith.muli %add3A_59, %mul3A_60 : i32
        %add3A_62 = arith.addi %mul3A_9, %mul3A_61 : i32
        %dma_start3A_63 = arith.constant 0 : i32
        %dma_start3A_64 = tpu.memref_slice %arg2[%add3A_62, %dma_start3A_63] : memref<81920x128xf32, #tpu.memory_space<hbm>> -> memref<128x128xf32, #tpu.memory_space<hbm>>
        %dma_start3A_65 = arith.constant 0 : i32
        %dma_start3A_66 = tpu.memref_slice %arg2[%add3A_62, %dma_start3A_65] : memref<81920x128xf32, #tpu.memory_space<hbm>> -> memref<128x128xf32, #tpu.memory_space<hbm>>
        tpu.enqueue_dma source(%dma_start3A_66 : memref<128x128xf32, #tpu.memory_space<hbm>>) target(%arg7 : memref<128x128xf32, #tpu.memory_space<vmem>>) target_semaphore(%arg10 : memref<!tpu.dma_semaphore, #tpu.memory_space<semaphore_mem>>)
      } else {
      }
      %mul3A_44 = arith.constant 128 : i32
      %mul3A_45 = arith.muli %add3A_33, %mul3A_44 : i32
      %add3A_46 = arith.addi %mul3A_9, %mul3A_45 : i32
      %dma_wait3A_47 = arith.constant 0 : i32
      %dma_wait3A_48 = tpu.memref_slice %arg2[%add3A_46, %dma_wait3A_47] : memref<81920x128xf32, #tpu.memory_space<hbm>> -> memref<128x128xf32, #tpu.memory_space<hbm>>
      %dma_wait3A_49 = arith.constant 0 : i32
      %dma_wait3A_50 = tpu.memref_slice %arg2[%add3A_46, %dma_wait3A_49] : memref<81920x128xf32, #tpu.memory_space<hbm>> -> memref<128x128xf32, #tpu.memory_space<hbm>>
      tpu.wait_dma2 semaphore(%arg11 : memref<!tpu.dma_semaphore, #tpu.memory_space<semaphore_mem>>) src(%dma_wait3A_50 : memref<128x128xf32, #tpu.memory_space<hbm>>) dst(%arg8 : memref<128x128xf32, #tpu.memory_space<vmem>>)
      "tpu.region"() ({
        %run_scoped3A = tpu.sem_alloc : memref<!tpu.dma_semaphore, #tpu.memory_space<semaphore_mem>>
        %dma_start3A_58 = arith.constant 0 : i32
        %dma_start3A_59 = tpu.memref_slice %arg6[%add3A_33, %dma_start3A_58] : memref<20x128xi32, #tpu.memory_space<vmem>> -> memref<1x128xi32, #tpu.memory_space<vmem>>
        %dma_start3A_60 = tpu.memref_squeeze %dma_start3A_59 : memref<1x128xi32, #tpu.memory_space<vmem>> -> memref<128xi32, #tpu.memory_space<vmem>>
        %dma_start3A_61 = arith.constant 0 : i32
        %dma_start3A_62 = arith.constant 0 : i32
        %dma_start3A_63 = tpu.memref_slice %arg9[%dma_start3A_61, %dma_start3A_62] : memref<10240x128xf32, #tpu.memory_space<vmem_shared>> -> memref<10240x128xf32, #tpu.memory_space<vmem_shared>>
        tpu.enqueue_indirect_dma source(%arg8 : memref<128x128xf32, #tpu.memory_space<vmem>>) target(%dma_start3A_63 : memref<10240x128xf32, #tpu.memory_space<vmem_shared>>) offsets(%dma_start3A_60 : memref<128xi32, #tpu.memory_space<vmem>>) semaphore(%run_scoped3A : memref<!tpu.dma_semaphore, #tpu.memory_space<semaphore_mem>>) {add = true}
        %dma_wait3A_64 = arith.constant 0 : i32
        %dma_wait3A_65 = tpu.memref_slice %arg6[%add3A_33, %dma_wait3A_64] : memref<20x128xi32, #tpu.memory_space<vmem>> -> memref<1x128xi32, #tpu.memory_space<vmem>>
        %dma_wait3A_66 = tpu.memref_squeeze %dma_wait3A_65 : memref<1x128xi32, #tpu.memory_space<vmem>> -> memref<128xi32, #tpu.memory_space<vmem>>
        %dma_wait3A_67 = arith.constant 0 : i32
        %dma_wait3A_68 = arith.constant 0 : i32
        %dma_wait3A_69 = tpu.memref_slice %arg9[%dma_wait3A_67, %dma_wait3A_68] : memref<10240x128xf32, #tpu.memory_space<vmem_shared>> -> memref<10240x128xf32, #tpu.memory_space<vmem_shared>>
        tpu.wait_indirect_dma semaphore(%run_scoped3A : memref<!tpu.dma_semaphore, #tpu.memory_space<semaphore_mem>>) src(%arg8 : memref<128x128xf32, #tpu.memory_space<vmem>>) dst(%dma_wait3A_69 : memref<10240x128xf32, #tpu.memory_space<vmem_shared>>)
        tpu.yield
      }) : () -> ()
      %add3A_51 = arith.constant 2 : i32
      %add3A_52 = arith.addi %add3A_33, %add3A_51 : i32
      %lt3A_53 = arith.constant 20 : i32
      %lt3A_54 = arith.cmpi slt, %add3A_52, %lt3A_53 : i32
      %convert_element_type3A_55 = arith.extui %lt3A_54 : i1 to i32
      %cond3A_56 = arith.constant 0 : i32
      %cond3A_57 = arith.cmpi ne, %convert_element_type3A_55, %cond3A_56 : i32
      scf.if %cond3A_57 {
        %add3A_58 = arith.constant 2 : i32
        %add3A_59 = arith.addi %add3A_33, %add3A_58 : i32
        %mul3A_60 = arith.constant 128 : i32
        %mul3A_61 = arith.muli %add3A_59, %mul3A_60 : i32
        %add3A_62 = arith.addi %mul3A_9, %mul3A_61 : i32
        %dma_start3A_63 = arith.constant 0 : i32
        %dma_start3A_64 = tpu.memref_slice %arg2[%add3A_62, %dma_start3A_63] : memref<81920x128xf32, #tpu.memory_space<hbm>> -> memref<128x128xf32, #tpu.memory_space<hbm>>
        %dma_start3A_65 = arith.constant 0 : i32
        %dma_start3A_66 = tpu.memref_slice %arg2[%add3A_62, %dma_start3A_65] : memref<81920x128xf32, #tpu.memory_space<hbm>> -> memref<128x128xf32, #tpu.memory_space<hbm>>
        tpu.enqueue_dma source(%dma_start3A_66 : memref<128x128xf32, #tpu.memory_space<hbm>>) target(%arg8 : memref<128x128xf32, #tpu.memory_space<vmem>>) target_semaphore(%arg11 : memref<!tpu.dma_semaphore, #tpu.memory_space<semaphore_mem>>)
      } else {
      }
    }
    %scan3A_25 = arith.constant 10 : i32
    %barrier3A_26 = arith.constant 0 : index
    tpu.barrier barrier_id(%barrier3A_26)
    %mul3A_27 = arith.constant 640 : i32
    %mul3A_28 = arith.muli %arg1, %mul3A_27 : i32
    "tpu.region"() ({
      %run_scoped3A = tpu.sem_alloc : memref<!tpu.dma_semaphore, #tpu.memory_space<semaphore_mem>>
      %dma_start3A_29 = arith.constant 0 : i32
      %dma_start3A_30 = tpu.memref_slice %arg5[%add3A_5, %dma_start3A_29] : memref<20480x128xf32, #tpu.memory_space<hbm>> -> memref<640x128xf32, #tpu.memory_space<hbm>>
      %dma_start3A_31 = arith.constant 0 : i32
      %dma_start3A_32 = tpu.memref_slice %arg9[%mul3A_28, %dma_start3A_31] : memref<10240x128xf32, #tpu.memory_space<vmem_shared>> -> memref<640x128xf32, #tpu.memory_space<vmem_shared>>
      tpu.enqueue_dma source(%dma_start3A_32 : memref<640x128xf32, #tpu.memory_space<vmem_shared>>) target(%dma_start3A_30 : memref<640x128xf32, #tpu.memory_space<hbm>>) target_semaphore(%run_scoped3A : memref<!tpu.dma_semaphore, #tpu.memory_space<semaphore_mem>>)
      %dma_wait3A = arith.constant 0 : i32
      %dma_wait3A_33 = tpu.memref_slice %arg5[%add3A_5, %dma_wait3A] : memref<20480x128xf32, #tpu.memory_space<hbm>> -> memref<640x128xf32, #tpu.memory_space<hbm>>
      %dma_wait3A_34 = arith.constant 0 : i32
      %dma_wait3A_35 = tpu.memref_slice %arg9[%mul3A_28, %dma_wait3A_34] : memref<10240x128xf32, #tpu.memory_space<vmem_shared>> -> memref<640x128xf32, #tpu.memory_space<vmem_shared>>
      tpu.wait_dma2 semaphore(%run_scoped3A : memref<!tpu.dma_semaphore, #tpu.memory_space<semaphore_mem>>) src(%dma_wait3A_35 : memref<640x128xf32, #tpu.memory_space<vmem_shared>>) dst(%dma_wait3A_33 : memref<640x128xf32, #tpu.memory_space<hbm>>)
      tpu.yield
    }) : () -> ()
    return
  }
}

module attributes {stable_mosaic.version = 14 : i64} {
  func.func @_node_feat_body(%arg0: i32, %arg1: memref<1000x16xf32, #tpu.memory_space<vmem>>, %arg2: memref<1x1x1000xi32, #tpu.memory_space<vmem>>, %arg3: memref<1x1x1000xi32, #tpu.memory_space<vmem>>, %arg4: memref<100x8xf32, #tpu.memory_space<vmem>>, %arg5: memref<100x8xf32, #tpu.memory_space<vmem>>, %arg6: memref<1000x128xf32, #tpu.memory_space<vmem>>) attributes {dimension_semantics = [#tpu.dimension_semantics<arbitrary>], iteration_bounds = array<i64: 10>, scalar_prefetch = 0 : i64, scratch_operands = 0 : i64, tpu.core_type = #tpu.core_type<tc>, window_params = [{transform_indices = @transform_0, window_bounds = array<i64: 1000, 16>}, {transform_indices = @transform_1, window_bounds = array<i64: 1, 1, 1000>}, {transform_indices = @transform_2, window_bounds = array<i64: 1, 1, 1000>}, {pipeline_mode = #tpu.pipeline_mode<synchronous>, transform_indices = @transform_3, window_bounds = array<i64: 100, 8>}, {pipeline_mode = #tpu.pipeline_mode<synchronous>, transform_indices = @transform_4, window_bounds = array<i64: 100, 8>}, {transform_indices = @transform_5, window_bounds = array<i64: 1000, 128>}]} {
    %get3A = arith.constant 0 : index
    %get3A_0 = arith.constant 0 : index
    %get3A_1 = arith.constant 0 : index
    %get3A_2 = vector.load %arg2[%get3A, %get3A_0, %get3A_1] : memref<1x1x1000xi32, #tpu.memory_space<vmem>>, vector<1x1x1000xi32>
    %get3A_3 = vector.shape_cast %get3A_2 : vector<1x1x1000xi32> to vector<1000xi32>
    %get3A_4 = arith.constant 0 : index
    %get3A_5 = arith.constant 0 : index
    %get3A_6 = arith.constant 0 : index
    %get3A_7 = vector.load %arg3[%get3A_4, %get3A_5, %get3A_6] : memref<1x1x1000xi32, #tpu.memory_space<vmem>>, vector<1x1x1000xi32>
    %get3A_8 = vector.shape_cast %get3A_7 : vector<1x1x1000xi32> to vector<1000xi32>
    %broadcast_in_dim3A = vector.shape_cast %get3A_3 : vector<1000xi32> to vector<1000x1xi32>
    %iota3A = tpu.iota {dimensions = array<i32: 1>} : vector<1000x100xi32>
    %eq3A = vector.broadcast %broadcast_in_dim3A : vector<1000x1xi32> to vector<1000x100xi32>
    %eq3A_9 = arith.cmpi eq, %eq3A, %iota3A : vector<1000x100xi32>
    %convert_element_type3A = arith.extui %eq3A_9 : vector<1000x100xi1> to vector<1000x100xi32>
    %convert_element_type3A_10 = arith.sitofp %convert_element_type3A : vector<1000x100xi32> to vector<1000x100xf32>
    %broadcast_in_dim3A_11 = vector.shape_cast %get3A_8 : vector<1000xi32> to vector<1000x1xi32>
    %iota3A_12 = tpu.iota {dimensions = array<i32: 1>} : vector<1000x100xi32>
    %eq3A_13 = vector.broadcast %broadcast_in_dim3A_11 : vector<1000x1xi32> to vector<1000x100xi32>
    %eq3A_14 = arith.cmpi eq, %eq3A_13, %iota3A_12 : vector<1000x100xi32>
    %convert_element_type3A_15 = arith.extui %eq3A_14 : vector<1000x100xi1> to vector<1000x100xi32>
    %convert_element_type3A_16 = arith.sitofp %convert_element_type3A_15 : vector<1000x100xi32> to vector<1000x100xf32>
    %get3A_17 = arith.constant 0 : index
    %get3A_18 = arith.constant 0 : index
    %get3A_19 = vector.load %arg4[%get3A_17, %get3A_18] : memref<100x8xf32, #tpu.memory_space<vmem>>, vector<100x8xf32>
    %dot_general3A = arith.constant dense<0.000000e+00> : vector<1000x8xf32>
    %dot_general3A_20 = tpu.matmul %convert_element_type3A_10, %get3A_19, %dot_general3A {dimension_numbers = #tpu.dot_dimension_numbers<[1], [0], [0], [1], [0, 0, 1, 1], [], []>, transpose_lhs_hint = false} : vector<1000x100xf32>, vector<100x8xf32>, vector<1000x8xf32> -> vector<1000x8xf32>
    %get3A_21 = arith.constant 0 : index
    %get3A_22 = arith.constant 0 : index
    %get3A_23 = vector.load %arg5[%get3A_21, %get3A_22] : memref<100x8xf32, #tpu.memory_space<vmem>>, vector<100x8xf32>
    %dot_general3A_24 = arith.constant dense<0.000000e+00> : vector<1000x8xf32>
    %dot_general3A_25 = tpu.matmul %convert_element_type3A_16, %get3A_23, %dot_general3A_24 {dimension_numbers = #tpu.dot_dimension_numbers<[1], [0], [0], [1], [0, 0, 1, 1], [], []>, transpose_lhs_hint = false} : vector<1000x100xf32>, vector<100x8xf32>, vector<1000x8xf32> -> vector<1000x8xf32>
    %get3A_26 = arith.constant 0 : index
    %get3A_27 = arith.constant 0 : index
    %get3A_28 = vector.load %arg1[%get3A_26, %get3A_27] : memref<1000x16xf32, #tpu.memory_space<vmem>>, vector<1000x16xf32>
    %iota3A_29 = tpu.iota {dimensions = array<i32: 0>} : vector<16x128xi32>
    %iota3A_30 = tpu.iota {dimensions = array<i32: 1>} : vector<16x128xi32>
    %add3A = arith.constant 0 : i32
    %add3A_31 = vector.broadcast %add3A : i32 to vector<16x128xi32>
    %add3A_32 = arith.addi %iota3A_29, %add3A_31 : vector<16x128xi32>
    %eq3A_33 = arith.cmpi eq, %iota3A_30, %add3A_32 : vector<16x128xi32>
    %convert_element_type3A_34 = arith.extui %eq3A_33 : vector<16x128xi1> to vector<16x128xi32>
    %convert_element_type3A_35 = arith.sitofp %convert_element_type3A_34 : vector<16x128xi32> to vector<16x128xf32>
    %dot_general3A_36 = arith.constant dense<0.000000e+00> : vector<1000x128xf32>
    %dot_general3A_37 = tpu.matmul %get3A_28, %convert_element_type3A_35, %dot_general3A_36 {dimension_numbers = #tpu.dot_dimension_numbers<[1], [0], [0], [1], [0, 0, 1, 1], [], []>, transpose_lhs_hint = false} : vector<1000x16xf32>, vector<16x128xf32>, vector<1000x128xf32> -> vector<1000x128xf32>
    %iota3A_38 = tpu.iota {dimensions = array<i32: 0>} : vector<8x128xi32>
    %iota3A_39 = tpu.iota {dimensions = array<i32: 1>} : vector<8x128xi32>
    %add3A_40 = arith.constant 16 : i32
    %add3A_41 = vector.broadcast %add3A_40 : i32 to vector<8x128xi32>
    %add3A_42 = arith.addi %iota3A_38, %add3A_41 : vector<8x128xi32>
    %eq3A_43 = arith.cmpi eq, %iota3A_39, %add3A_42 : vector<8x128xi32>
    %convert_element_type3A_44 = arith.extui %eq3A_43 : vector<8x128xi1> to vector<8x128xi32>
    %convert_element_type3A_45 = arith.sitofp %convert_element_type3A_44 : vector<8x128xi32> to vector<8x128xf32>
    %dot_general3A_46 = arith.constant dense<0.000000e+00> : vector<1000x128xf32>
    %dot_general3A_47 = tpu.matmul %dot_general3A_20, %convert_element_type3A_45, %dot_general3A_46 {dimension_numbers = #tpu.dot_dimension_numbers<[1], [0], [0], [1], [0, 0, 1, 1], [], []>, transpose_lhs_hint = false} : vector<1000x8xf32>, vector<8x128xf32>, vector<1000x128xf32> -> vector<1000x128xf32>
    %add3A_48 = arith.addf %dot_general3A_37, %dot_general3A_47 : vector<1000x128xf32>
    %iota3A_49 = tpu.iota {dimensions = array<i32: 0>} : vector<8x128xi32>
    %iota3A_50 = tpu.iota {dimensions = array<i32: 1>} : vector<8x128xi32>
    %add3A_51 = arith.constant 24 : i32
    %add3A_52 = vector.broadcast %add3A_51 : i32 to vector<8x128xi32>
    %add3A_53 = arith.addi %iota3A_49, %add3A_52 : vector<8x128xi32>
    %eq3A_54 = arith.cmpi eq, %iota3A_50, %add3A_53 : vector<8x128xi32>
    %convert_element_type3A_55 = arith.extui %eq3A_54 : vector<8x128xi1> to vector<8x128xi32>
    %convert_element_type3A_56 = arith.sitofp %convert_element_type3A_55 : vector<8x128xi32> to vector<8x128xf32>
    %dot_general3A_57 = arith.constant dense<0.000000e+00> : vector<1000x128xf32>
    %dot_general3A_58 = tpu.matmul %dot_general3A_25, %convert_element_type3A_56, %dot_general3A_57 {dimension_numbers = #tpu.dot_dimension_numbers<[1], [0], [0], [1], [0, 0, 1, 1], [], []>, transpose_lhs_hint = false} : vector<1000x8xf32>, vector<8x128xf32>, vector<1000x128xf32> -> vector<1000x128xf32>
    %add3A_59 = arith.addf %add3A_48, %dot_general3A_58 : vector<1000x128xf32>
    %swap3A = arith.constant 0 : index
    %swap3A_60 = arith.constant 0 : index
    %swap3A_61 = vector.load %arg6[%swap3A, %swap3A_60] : memref<1000x128xf32, #tpu.memory_space<vmem>>, vector<1000x128xf32>
    tpu.vector_store %arg6[%swap3A, %swap3A_60], %add3A_59 {strides = array<i32>} : memref<1000x128xf32, #tpu.memory_space<vmem>>, vector<1000x128xf32>,
    return
  }
  func.func @transform_0(%arg0: i32) -> (i32, i32) {
    %c0_i32 = arith.constant 0 : i32
    %c0_i32_0 = arith.constant 0 : i32
    return %arg0, %c0_i32 : i32, i32
  }
  func.func @transform_1(%arg0: i32) -> (i32, i32, i32) {
    %c0_i32 = arith.constant 0 : i32
    %c0_i32_0 = arith.constant 0 : i32
    %c0_i32_1 = arith.constant 0 : i32
    return %arg0, %c0_i32, %c0_i32_0 : i32, i32, i32
  }
  func.func @transform_2(%arg0: i32) -> (i32, i32, i32) {
    %c0_i32 = arith.constant 0 : i32
    %c0_i32_0 = arith.constant 0 : i32
    %c0_i32_1 = arith.constant 0 : i32
    return %arg0, %c0_i32, %c0_i32_0 : i32, i32, i32
  }
  func.func @transform_3(%arg0: i32) -> (i32, i32) {
    %c0_i32 = arith.constant 0 : i32
    %c0_i32_0 = arith.constant 0 : i32
    %c0_i32_1 = arith.constant 0 : i32
    return %c0_i32, %c0_i32_0 : i32, i32
  }
  func.func @transform_4(%arg0: i32) -> (i32, i32) {
    %c0_i32 = arith.constant 0 : i32
    %c0_i32_0 = arith.constant 0 : i32
    %c0_i32_1 = arith.constant 0 : i32
    return %c0_i32, %c0_i32_0 : i32, i32
  }
  func.func @transform_5(%arg0: i32) -> (i32, i32) {
    %c0_i32 = arith.constant 0 : i32
    %c0_i32_0 = arith.constant 0 : i32
    return %arg0, %c0_i32 : i32, i32
  }
}

module attributes {stable_mosaic.version = 14 : i64} {
  func.func @_edge_msg_body(%arg0: i32, %arg1: memref<2048x128xf32, #tpu.memory_space<vmem>>, %arg2: memref<1x1x2048xi32, #tpu.memory_space<vmem>>, %arg3: memref<1x1x2048xi32, #tpu.memory_space<vmem>>, %arg4: memref<2048x1xf32, #tpu.memory_space<vmem>>, %arg5: memref<10x8xf32, #tpu.memory_space<vmem>>, %arg6: memref<100x8xf32, #tpu.memory_space<vmem>>, %arg7: memref<8x64xf32, #tpu.memory_space<vmem>>, %arg8: memref<8x64xf32, #tpu.memory_space<vmem>>, %arg9: memref<1x64xf32, #tpu.memory_space<vmem>>, %arg10: memref<1x64xf32, #tpu.memory_space<vmem>>, %arg11: memref<64x512xf32, #tpu.memory_space<vmem>>, %arg12: memref<1x512xf32, #tpu.memory_space<vmem>>, %arg13: memref<2048x128xf32, #tpu.memory_space<vmem>>) attributes {dimension_semantics = [#tpu.dimension_semantics<arbitrary>], iteration_bounds = array<i64: 40>, scalar_prefetch = 0 : i64, scratch_operands = 0 : i64, tpu.core_type = #tpu.core_type<tc>, window_params = [{transform_indices = @transform_0, window_bounds = array<i64: 2048, 128>}, {transform_indices = @transform_1, window_bounds = array<i64: 1, 1, 2048>}, {transform_indices = @transform_2, window_bounds = array<i64: 1, 1, 2048>}, {transform_indices = @transform_3, window_bounds = array<i64: 2048, 1>}, {pipeline_mode = #tpu.pipeline_mode<synchronous>, transform_indices = @transform_4, window_bounds = array<i64: 10, 8>}, {pipeline_mode = #tpu.pipeline_mode<synchronous>, transform_indices = @transform_5, window_bounds = array<i64: 100, 8>}, {pipeline_mode = #tpu.pipeline_mode<synchronous>, transform_indices = @transform_6, window_bounds = array<i64: 8, 64>}, {pipeline_mode = #tpu.pipeline_mode<synchronous>, transform_indices = @transform_7, window_bounds = array<i64: 8, 64>}, {pipeline_mode = #tpu.pipeline_mode<synchronous>, transform_indices = @transform_8, window_bounds = array<i64: 1, 64>}, {pipeline_mode = #tpu.pipeline_mode<synchronous>, transform_indices = @transform_9, window_bounds = array<i64: 1, 64>}, {pipeline_mode = #tpu.pipeline_mode<synchronous>, transform_indices = @transform_10, window_bounds = array<i64: 64, 512>}, {pipeline_mode = #tpu.pipeline_mode<synchronous>, transform_indices = @transform_11, window_bounds = array<i64: 1, 512>}, {transform_indices = @transform_12, window_bounds = array<i64: 2048, 128>}]} {
    %get3A = arith.constant 0 : index
    %get3A_0 = arith.constant 0 : index
    %get3A_1 = arith.constant 0 : index
    %get3A_2 = vector.load %arg2[%get3A, %get3A_0, %get3A_1] : memref<1x1x2048xi32, #tpu.memory_space<vmem>>, vector<1x1x2048xi32>
    %get3A_3 = vector.shape_cast %get3A_2 : vector<1x1x2048xi32> to vector<2048xi32>
    %get3A_4 = arith.constant 0 : index
    %get3A_5 = arith.constant 0 : index
    %get3A_6 = arith.constant 0 : index
    %get3A_7 = vector.load %arg3[%get3A_4, %get3A_5, %get3A_6] : memref<1x1x2048xi32, #tpu.memory_space<vmem>>, vector<1x1x2048xi32>
    %get3A_8 = vector.shape_cast %get3A_7 : vector<1x1x2048xi32> to vector<2048xi32>
    %broadcast_in_dim3A = vector.shape_cast %get3A_3 : vector<2048xi32> to vector<2048x1xi32>
    %iota3A = tpu.iota {dimensions = array<i32: 1>} : vector<2048x10xi32>
    %eq3A = vector.broadcast %broadcast_in_dim3A : vector<2048x1xi32> to vector<2048x10xi32>
    %eq3A_9 = arith.cmpi eq, %eq3A, %iota3A : vector<2048x10xi32>
    %convert_element_type3A = arith.extui %eq3A_9 : vector<2048x10xi1> to vector<2048x10xi32>
    %convert_element_type3A_10 = arith.sitofp %convert_element_type3A : vector<2048x10xi32> to vector<2048x10xf32>
    %broadcast_in_dim3A_11 = vector.shape_cast %get3A_8 : vector<2048xi32> to vector<2048x1xi32>
    %iota3A_12 = tpu.iota {dimensions = array<i32: 1>} : vector<2048x100xi32>
    %eq3A_13 = vector.broadcast %broadcast_in_dim3A_11 : vector<2048x1xi32> to vector<2048x100xi32>
    %eq3A_14 = arith.cmpi eq, %eq3A_13, %iota3A_12 : vector<2048x100xi32>
    %convert_element_type3A_15 = arith.extui %eq3A_14 : vector<2048x100xi1> to vector<2048x100xi32>
    %convert_element_type3A_16 = arith.sitofp %convert_element_type3A_15 : vector<2048x100xi32> to vector<2048x100xf32>
    %get3A_17 = arith.constant 0 : index
    %get3A_18 = arith.constant 0 : index
    %get3A_19 = vector.load %arg5[%get3A_17, %get3A_18] : memref<10x8xf32, #tpu.memory_space<vmem>>, vector<10x8xf32>
    %get3A_20 = arith.constant 0 : index
    %get3A_21 = arith.constant 0 : index
    %get3A_22 = vector.load %arg7[%get3A_20, %get3A_21] : memref<8x64xf32, #tpu.memory_space<vmem>>, vector<8x64xf32>
    %dot_general3A = arith.constant dense<0.000000e+00> : vector<10x64xf32>
    %dot_general3A_23 = tpu.matmul %get3A_19, %get3A_22, %dot_general3A {dimension_numbers = #tpu.dot_dimension_numbers<[1], [0], [0], [1], [0, 0, 1, 1], [], []>, transpose_lhs_hint = false} : vector<10x8xf32>, vector<8x64xf32>, vector<10x64xf32> -> vector<10x64xf32>
    %get3A_24 = arith.constant 0 : index
    %get3A_25 = arith.constant 0 : index
    %get3A_26 = vector.load %arg6[%get3A_24, %get3A_25] : memref<100x8xf32, #tpu.memory_space<vmem>>, vector<100x8xf32>
    %get3A_27 = arith.constant 0 : index
    %get3A_28 = arith.constant 0 : index
    %get3A_29 = vector.load %arg8[%get3A_27, %get3A_28] : memref<8x64xf32, #tpu.memory_space<vmem>>, vector<8x64xf32>
    %dot_general3A_30 = arith.constant dense<0.000000e+00> : vector<100x64xf32>
    %dot_general3A_31 = tpu.matmul %get3A_26, %get3A_29, %dot_general3A_30 {dimension_numbers = #tpu.dot_dimension_numbers<[1], [0], [0], [1], [0, 0, 1, 1], [], []>, transpose_lhs_hint = false} : vector<100x8xf32>, vector<8x64xf32>, vector<100x64xf32> -> vector<100x64xf32>
    %dot_general3A_32 = arith.constant dense<0.000000e+00> : vector<2048x64xf32>
    %dot_general3A_33 = tpu.matmul %convert_element_type3A_10, %dot_general3A_23, %dot_general3A_32 {dimension_numbers = #tpu.dot_dimension_numbers<[1], [0], [0], [1], [0, 0, 1, 1], [], []>, transpose_lhs_hint = false} : vector<2048x10xf32>, vector<10x64xf32>, vector<2048x64xf32> -> vector<2048x64xf32>
    %dot_general3A_34 = arith.constant dense<0.000000e+00> : vector<2048x64xf32>
    %dot_general3A_35 = tpu.matmul %convert_element_type3A_16, %dot_general3A_31, %dot_general3A_34 {dimension_numbers = #tpu.dot_dimension_numbers<[1], [0], [0], [1], [0, 0, 1, 1], [], []>, transpose_lhs_hint = false} : vector<2048x100xf32>, vector<100x64xf32>, vector<2048x64xf32> -> vector<2048x64xf32>
    %add3A = arith.addf %dot_general3A_33, %dot_general3A_35 : vector<2048x64xf32>
    %get3A_36 = arith.constant 0 : index
    %get3A_37 = arith.constant 0 : index
    %get3A_38 = vector.load %arg4[%get3A_36, %get3A_37] : memref<2048x1xf32, #tpu.memory_space<vmem>>, vector<2048x1xf32>
    %get3A_39 = arith.constant 0 : index
    %get3A_40 = arith.constant 0 : index
    %get3A_41 = vector.load %arg9[%get3A_39, %get3A_40] : memref<1x64xf32, #tpu.memory_space<vmem>>, vector<1x64xf32>
    %mul3A = vector.broadcast %get3A_38 : vector<2048x1xf32> to vector<2048x64xf32>
    %mul3A_42 = vector.broadcast %get3A_41 : vector<1x64xf32> to vector<2048x64xf32>
    %mul3A_43 = arith.mulf %mul3A, %mul3A_42 : vector<2048x64xf32>
    %add3A_44 = arith.addf %add3A, %mul3A_43 : vector<2048x64xf32>
    %get3A_45 = arith.constant 0 : index
    %get3A_46 = arith.constant 0 : index
    %get3A_47 = vector.load %arg10[%get3A_45, %get3A_46] : memref<1x64xf32, #tpu.memory_space<vmem>>, vector<1x64xf32>
    %add3A_48 = vector.broadcast %get3A_47 : vector<1x64xf32> to vector<2048x64xf32>
    %add3A_49 = arith.addf %add3A_44, %add3A_48 : vector<2048x64xf32>
    %max3A = arith.constant 0.000000e+00 : f32
    %max3A_50 = vector.broadcast %max3A : f32 to vector<2048x64xf32>
    %max3A_51 = arith.maximumf %add3A_49, %max3A_50 : vector<2048x64xf32>
    %get3A_52 = arith.constant 0 : index
    %get3A_53 = arith.constant 0 : index
    %get3A_54 = vector.load %arg11[%get3A_52, %get3A_53] : memref<64x512xf32, #tpu.memory_space<vmem>>, vector<64x512xf32>
    %dot_general3A_55 = arith.constant dense<0.000000e+00> : vector<2048x512xf32>
    %dot_general3A_56 = tpu.matmul %max3A_51, %get3A_54, %dot_general3A_55 {dimension_numbers = #tpu.dot_dimension_numbers<[1], [0], [0], [1], [0, 0, 1, 1], [], []>, transpose_lhs_hint = false} : vector<2048x64xf32>, vector<64x512xf32>, vector<2048x512xf32> -> vector<2048x512xf32>
    %get3A_57 = arith.constant 0 : index
    %get3A_58 = arith.constant 0 : index
    %get3A_59 = vector.load %arg12[%get3A_57, %get3A_58] : memref<1x512xf32, #tpu.memory_space<vmem>>, vector<1x512xf32>
    %add3A_60 = vector.broadcast %get3A_59 : vector<1x512xf32> to vector<2048x512xf32>
    %add3A_61 = arith.addf %dot_general3A_56, %add3A_60 : vector<2048x512xf32>
    %get3A_62 = arith.constant 0 : index
    %get3A_63 = arith.constant 0 : index
    %get3A_64 = vector.load %arg1[%get3A_62, %get3A_63] : memref<2048x128xf32, #tpu.memory_space<vmem>>, vector<2048x128xf32>
    %iota3A_65 = tpu.iota {dimensions = array<i32: 0>} : vector<128x512xi32>
    %iota3A_66 = tpu.iota {dimensions = array<i32: 1>} : vector<128x512xi32>
    %shift_right_logical3A = arith.constant 4 : i32
    %shift_right_logical3A_67 = vector.broadcast %shift_right_logical3A : i32 to vector<128x512xi32>
    %shift_right_logical3A_68 = arith.shrui %iota3A_66, %shift_right_logical3A_67 : vector<128x512xi32>
    %eq3A_69 = arith.cmpi eq, %shift_right_logical3A_68, %iota3A_65 : vector<128x512xi32>
    %convert_element_type3A_70 = arith.extui %eq3A_69 : vector<128x512xi1> to vector<128x512xi32>
    %convert_element_type3A_71 = arith.sitofp %convert_element_type3A_70 : vector<128x512xi32> to vector<128x512xf32>
    %dot_general3A_72 = arith.constant dense<0.000000e+00> : vector<2048x512xf32>
    %dot_general3A_73 = tpu.matmul %get3A_64, %convert_element_type3A_71, %dot_general3A_72 {dimension_numbers = #tpu.dot_dimension_numbers<[1], [0], [0], [1], [0, 0, 1, 1], [], []>, transpose_lhs_hint = false} : vector<2048x128xf32>, vector<128x512xf32>, vector<2048x512xf32> -> vector<2048x512xf32>
    %mul3A_74 = arith.mulf %dot_general3A_73, %add3A_61 : vector<2048x512xf32>
    %iota3A_75 = tpu.iota {dimensions = array<i32: 0>} : vector<512x16xi32>
    %iota3A_76 = tpu.iota {dimensions = array<i32: 1>} : vector<512x16xi32>
    %and3A = arith.constant 15 : i32
    %and3A_77 = vector.broadcast %and3A : i32 to vector<512x16xi32>
    %and3A_78 = arith.andi %iota3A_75, %and3A_77 : vector<512x16xi32>
    %eq3A_79 = arith.cmpi eq, %and3A_78, %iota3A_76 : vector<512x16xi32>
    %convert_element_type3A_80 = arith.extui %eq3A_79 : vector<512x16xi1> to vector<512x16xi32>
    %convert_element_type3A_81 = arith.sitofp %convert_element_type3A_80 : vector<512x16xi32> to vector<512x16xf32>
    %dot_general3A_82 = arith.constant dense<0.000000e+00> : vector<2048x16xf32>
    %dot_general3A_83 = tpu.matmul %mul3A_74, %convert_element_type3A_81, %dot_general3A_82 {dimension_numbers = #tpu.dot_dimension_numbers<[1], [0], [0], [1], [0, 0, 1, 1], [], []>, transpose_lhs_hint = false} : vector<2048x512xf32>, vector<512x16xf32>, vector<2048x16xf32> -> vector<2048x16xf32>
    %mul3A_84 = arith.constant 2048 : i32
    %mul3A_85 = arith.muli %arg0, %mul3A_84 : i32
    %add3A_86 = arith.constant 0 : i32
    %add3A_87 = arith.addi %add3A_86, %mul3A_85 : i32
    %iota3A_88 = tpu.iota {dimensions = array<i32: 0>} : vector<2048x1xi32>
    %add3A_89 = vector.broadcast %add3A_87 : i32 to vector<2048x1xi32>
    %add3A_90 = arith.addi %add3A_89, %iota3A_88 : vector<2048x1xi32>
    %lt3A = arith.constant 160000 : i32
    %lt3A_91 = vector.broadcast %lt3A : i32 to vector<2048x1xi32>
    %lt3A_92 = arith.cmpi slt, %add3A_90, %lt3A_91 : vector<2048x1xi32>
    %convert_element_type3A_93 = arith.extui %lt3A_92 : vector<2048x1xi1> to vector<2048x1xi32>
    %convert_element_type3A_94 = arith.sitofp %convert_element_type3A_93 : vector<2048x1xi32> to vector<2048x1xf32>
    %mul3A_95 = vector.broadcast %convert_element_type3A_94 : vector<2048x1xf32> to vector<2048x16xf32>
    %mul3A_96 = arith.mulf %dot_general3A_83, %mul3A_95 : vector<2048x16xf32>
    %iota3A_97 = tpu.iota {dimensions = array<i32: 0>} : vector<16x128xi32>
    %iota3A_98 = tpu.iota {dimensions = array<i32: 1>} : vector<16x128xi32>
    %add3A_99 = arith.constant 0 : i32
    %add3A_100 = vector.broadcast %add3A_99 : i32 to vector<16x128xi32>
    %add3A_101 = arith.addi %iota3A_97, %add3A_100 : vector<16x128xi32>
    %eq3A_102 = arith.cmpi eq, %iota3A_98, %add3A_101 : vector<16x128xi32>
    %convert_element_type3A_103 = arith.extui %eq3A_102 : vector<16x128xi1> to vector<16x128xi32>
    %convert_element_type3A_104 = arith.sitofp %convert_element_type3A_103 : vector<16x128xi32> to vector<16x128xf32>
    %dot_general3A_105 = arith.constant dense<0.000000e+00> : vector<2048x128xf32>
    %dot_general3A_106 = tpu.matmul %mul3A_96, %convert_element_type3A_104, %dot_general3A_105 {dimension_numbers = #tpu.dot_dimension_numbers<[1], [0], [0], [1], [0, 0, 1, 1], [], []>, transpose_lhs_hint = false} : vector<2048x16xf32>, vector<16x128xf32>, vector<2048x128xf32> -> vector<2048x128xf32>
    %iota3A_107 = tpu.iota {dimensions = array<i32: 0>} : vector<1x128xi32>
    %iota3A_108 = tpu.iota {dimensions = array<i32: 1>} : vector<1x128xi32>
    %add3A_109 = arith.constant 16 : i32
    %add3A_110 = vector.broadcast %add3A_109 : i32 to vector<1x128xi32>
    %add3A_111 = arith.addi %iota3A_107, %add3A_110 : vector<1x128xi32>
    %eq3A_112 = arith.cmpi eq, %iota3A_108, %add3A_111 : vector<1x128xi32>
    %convert_element_type3A_113 = arith.extui %eq3A_112 : vector<1x128xi1> to vector<1x128xi32>
    %convert_element_type3A_114 = arith.sitofp %convert_element_type3A_113 : vector<1x128xi32> to vector<1x128xf32>
    %dot_general3A_115 = arith.constant dense<0.000000e+00> : vector<2048x128xf32>
    %dot_general3A_116 = tpu.matmul %convert_element_type3A_94, %convert_element_type3A_114, %dot_general3A_115 {dimension_numbers = #tpu.dot_dimension_numbers<[1], [0], [0], [1], [0, 0, 1, 1], [], []>, transpose_lhs_hint = false} : vector<2048x1xf32>, vector<1x128xf32>, vector<2048x128xf32> -> vector<2048x128xf32>
    %add3A_117 = arith.addf %dot_general3A_106, %dot_general3A_116 : vector<2048x128xf32>
    %swap3A = arith.constant 0 : index
    %swap3A_118 = arith.constant 0 : index
    %swap3A_119 = vector.load %arg13[%swap3A, %swap3A_118] : memref<2048x128xf32, #tpu.memory_space<vmem>>, vector<2048x128xf32>
    tpu.vector_store %arg13[%swap3A, %swap3A_118], %add3A_117 {strides = array<i32>} : memref<2048x128xf32, #tpu.memory_space<vmem>>, vector<2048x128xf32>,
    return
  }
  func.func @transform_0(%arg0: i32) -> (i32, i32) {
    %c0_i32 = arith.constant 0 : i32
    %c0_i32_0 = arith.constant 0 : i32
    return %arg0, %c0_i32 : i32, i32
  }
  func.func @transform_1(%arg0: i32) -> (i32, i32, i32) {
    %c0_i32 = arith.constant 0 : i32
    %c0_i32_0 = arith.constant 0 : i32
    %c0_i32_1 = arith.constant 0 : i32
    return %arg0, %c0_i32, %c0_i32_0 : i32, i32, i32
  }
  func.func @transform_2(%arg0: i32) -> (i32, i32, i32) {
    %c0_i32 = arith.constant 0 : i32
    %c0_i32_0 = arith.constant 0 : i32
    %c0_i32_1 = arith.constant 0 : i32
    return %arg0, %c0_i32, %c0_i32_0 : i32, i32, i32
  }
  func.func @transform_3(%arg0: i32) -> (i32, i32) {
    %c0_i32 = arith.constant 0 : i32
    %c0_i32_0 = arith.constant 0 : i32
    return %arg0, %c0_i32 : i32, i32
  }
  func.func @transform_4(%arg0: i32) -> (i32, i32) {
    %c0_i32 = arith.constant 0 : i32
    %c0_i32_0 = arith.constant 0 : i32
    %c0_i32_1 = arith.constant 0 : i32
    return %c0_i32, %c0_i32_0 : i32, i32
  }
  func.func @transform_5(%arg0: i32) -> (i32, i32) {
    %c0_i32 = arith.constant 0 : i32
    %c0_i32_0 = arith.constant 0 : i32
    %c0_i32_1 = arith.constant 0 : i32
    return %c0_i32, %c0_i32_0 : i32, i32
  }
  func.func @transform_6(%arg0: i32) -> (i32, i32) {
    %c0_i32 = arith.constant 0 : i32
    %c0_i32_0 = arith.constant 0 : i32
    %c0_i32_1 = arith.constant 0 : i32
    return %c0_i32, %c0_i32_0 : i32, i32
  }
  func.func @transform_7(%arg0: i32) -> (i32, i32) {
    %c0_i32 = arith.constant 0 : i32
    %c0_i32_0 = arith.constant 0 : i32
    %c0_i32_1 = arith.constant 0 : i32
    return %c0_i32, %c0_i32_0 : i32, i32
  }
  func.func @transform_8(%arg0: i32) -> (i32, i32) {
    %c0_i32 = arith.constant 0 : i32
    %c0_i32_0 = arith.constant 0 : i32
    %c0_i32_1 = arith.constant 0 : i32
    return %c0_i32, %c0_i32_0 : i32, i32
  }
  func.func @transform_9(%arg0: i32) -> (i32, i32) {
    %c0_i32 = arith.constant 0 : i32
    %c0_i32_0 = arith.constant 0 : i32
    %c0_i32_1 = arith.constant 0 : i32
    return %c0_i32, %c0_i32_0 : i32, i32
  }
  func.func @transform_10(%arg0: i32) -> (i32, i32) {
    %c0_i32 = arith.constant 0 : i32
    %c0_i32_0 = arith.constant 0 : i32
    %c0_i32_1 = arith.constant 0 : i32
    return %c0_i32, %c0_i32_0 : i32, i32
  }
  func.func @transform_11(%arg0: i32) -> (i32, i32) {
    %c0_i32 = arith.constant 0 : i32
    %c0_i32_0 = arith.constant 0 : i32
    %c0_i32_1 = arith.constant 0 : i32
    return %c0_i32, %c0_i32_0 : i32, i32
  }
  func.func @transform_12(%arg0: i32) -> (i32, i32) {
    %c0_i32 = arith.constant 0 : i32
    %c0_i32_0 = arith.constant 0 : i32
    return %arg0, %c0_i32 : i32, i32
  }
}

module attributes {stable_mosaic.version = 14 : i64} {
  func.func @_edge_msg_body(%arg0: i32, %arg1: memref<2048x128xf32, #tpu.memory_space<vmem>>, %arg2: memref<1x1x2048xi32, #tpu.memory_space<vmem>>, %arg3: memref<1x1x2048xi32, #tpu.memory_space<vmem>>, %arg4: memref<2048x1xf32, #tpu.memory_space<vmem>>, %arg5: memref<10x8xf32, #tpu.memory_space<vmem>>, %arg6: memref<100x8xf32, #tpu.memory_space<vmem>>, %arg7: memref<8x64xf32, #tpu.memory_space<vmem>>, %arg8: memref<8x64xf32, #tpu.memory_space<vmem>>, %arg9: memref<1x64xf32, #tpu.memory_space<vmem>>, %arg10: memref<1x64xf32, #tpu.memory_space<vmem>>, %arg11: memref<64x512xf32, #tpu.memory_space<vmem>>, %arg12: memref<1x512xf32, #tpu.memory_space<vmem>>, %arg13: memref<2048x128xf32, #tpu.memory_space<vmem>>) attributes {dimension_semantics = [#tpu.dimension_semantics<arbitrary>], iteration_bounds = array<i64: 40>, scalar_prefetch = 0 : i64, scratch_operands = 0 : i64, tpu.core_type = #tpu.core_type<tc>, window_params = [{transform_indices = @transform_0, window_bounds = array<i64: 2048, 128>}, {transform_indices = @transform_1, window_bounds = array<i64: 1, 1, 2048>}, {transform_indices = @transform_2, window_bounds = array<i64: 1, 1, 2048>}, {transform_indices = @transform_3, window_bounds = array<i64: 2048, 1>}, {pipeline_mode = #tpu.pipeline_mode<synchronous>, transform_indices = @transform_4, window_bounds = array<i64: 10, 8>}, {pipeline_mode = #tpu.pipeline_mode<synchronous>, transform_indices = @transform_5, window_bounds = array<i64: 100, 8>}, {pipeline_mode = #tpu.pipeline_mode<synchronous>, transform_indices = @transform_6, window_bounds = array<i64: 8, 64>}, {pipeline_mode = #tpu.pipeline_mode<synchronous>, transform_indices = @transform_7, window_bounds = array<i64: 8, 64>}, {pipeline_mode = #tpu.pipeline_mode<synchronous>, transform_indices = @transform_8, window_bounds = array<i64: 1, 64>}, {pipeline_mode = #tpu.pipeline_mode<synchronous>, transform_indices = @transform_9, window_bounds = array<i64: 1, 64>}, {pipeline_mode = #tpu.pipeline_mode<synchronous>, transform_indices = @transform_10, window_bounds = array<i64: 64, 512>}, {pipeline_mode = #tpu.pipeline_mode<synchronous>, transform_indices = @transform_11, window_bounds = array<i64: 1, 512>}, {transform_indices = @transform_12, window_bounds = array<i64: 2048, 128>}]} {
    %get3A = arith.constant 0 : index
    %get3A_0 = arith.constant 0 : index
    %get3A_1 = arith.constant 0 : index
    %get3A_2 = vector.load %arg2[%get3A, %get3A_0, %get3A_1] : memref<1x1x2048xi32, #tpu.memory_space<vmem>>, vector<1x1x2048xi32>
    %get3A_3 = vector.shape_cast %get3A_2 : vector<1x1x2048xi32> to vector<2048xi32>
    %get3A_4 = arith.constant 0 : index
    %get3A_5 = arith.constant 0 : index
    %get3A_6 = arith.constant 0 : index
    %get3A_7 = vector.load %arg3[%get3A_4, %get3A_5, %get3A_6] : memref<1x1x2048xi32, #tpu.memory_space<vmem>>, vector<1x1x2048xi32>
    %get3A_8 = vector.shape_cast %get3A_7 : vector<1x1x2048xi32> to vector<2048xi32>
    %broadcast_in_dim3A = vector.shape_cast %get3A_3 : vector<2048xi32> to vector<2048x1xi32>
    %iota3A = tpu.iota {dimensions = array<i32: 1>} : vector<2048x10xi32>
    %eq3A = vector.broadcast %broadcast_in_dim3A : vector<2048x1xi32> to vector<2048x10xi32>
    %eq3A_9 = arith.cmpi eq, %eq3A, %iota3A : vector<2048x10xi32>
    %convert_element_type3A = arith.extui %eq3A_9 : vector<2048x10xi1> to vector<2048x10xi32>
    %convert_element_type3A_10 = arith.sitofp %convert_element_type3A : vector<2048x10xi32> to vector<2048x10xf32>
    %broadcast_in_dim3A_11 = vector.shape_cast %get3A_8 : vector<2048xi32> to vector<2048x1xi32>
    %iota3A_12 = tpu.iota {dimensions = array<i32: 1>} : vector<2048x100xi32>
    %eq3A_13 = vector.broadcast %broadcast_in_dim3A_11 : vector<2048x1xi32> to vector<2048x100xi32>
    %eq3A_14 = arith.cmpi eq, %eq3A_13, %iota3A_12 : vector<2048x100xi32>
    %convert_element_type3A_15 = arith.extui %eq3A_14 : vector<2048x100xi1> to vector<2048x100xi32>
    %convert_element_type3A_16 = arith.sitofp %convert_element_type3A_15 : vector<2048x100xi32> to vector<2048x100xf32>
    %get3A_17 = arith.constant 0 : index
    %get3A_18 = arith.constant 0 : index
    %get3A_19 = vector.load %arg5[%get3A_17, %get3A_18] : memref<10x8xf32, #tpu.memory_space<vmem>>, vector<10x8xf32>
    %get3A_20 = arith.constant 0 : index
    %get3A_21 = arith.constant 0 : index
    %get3A_22 = vector.load %arg7[%get3A_20, %get3A_21] : memref<8x64xf32, #tpu.memory_space<vmem>>, vector<8x64xf32>
    %dot_general3A = arith.constant dense<0.000000e+00> : vector<10x64xf32>
    %dot_general3A_23 = tpu.matmul %get3A_19, %get3A_22, %dot_general3A {dimension_numbers = #tpu.dot_dimension_numbers<[1], [0], [0], [1], [0, 0, 1, 1], [], []>, transpose_lhs_hint = false} : vector<10x8xf32>, vector<8x64xf32>, vector<10x64xf32> -> vector<10x64xf32>
    %get3A_24 = arith.constant 0 : index
    %get3A_25 = arith.constant 0 : index
    %get3A_26 = vector.load %arg6[%get3A_24, %get3A_25] : memref<100x8xf32, #tpu.memory_space<vmem>>, vector<100x8xf32>
    %get3A_27 = arith.constant 0 : index
    %get3A_28 = arith.constant 0 : index
    %get3A_29 = vector.load %arg8[%get3A_27, %get3A_28] : memref<8x64xf32, #tpu.memory_space<vmem>>, vector<8x64xf32>
    %dot_general3A_30 = arith.constant dense<0.000000e+00> : vector<100x64xf32>
    %dot_general3A_31 = tpu.matmul %get3A_26, %get3A_29, %dot_general3A_30 {dimension_numbers = #tpu.dot_dimension_numbers<[1], [0], [0], [1], [0, 0, 1, 1], [], []>, transpose_lhs_hint = false} : vector<100x8xf32>, vector<8x64xf32>, vector<100x64xf32> -> vector<100x64xf32>
    %dot_general3A_32 = arith.constant dense<0.000000e+00> : vector<2048x64xf32>
    %dot_general3A_33 = tpu.matmul %convert_element_type3A_10, %dot_general3A_23, %dot_general3A_32 {dimension_numbers = #tpu.dot_dimension_numbers<[1], [0], [0], [1], [0, 0, 1, 1], [], []>, transpose_lhs_hint = false} : vector<2048x10xf32>, vector<10x64xf32>, vector<2048x64xf32> -> vector<2048x64xf32>
    %dot_general3A_34 = arith.constant dense<0.000000e+00> : vector<2048x64xf32>
    %dot_general3A_35 = tpu.matmul %convert_element_type3A_16, %dot_general3A_31, %dot_general3A_34 {dimension_numbers = #tpu.dot_dimension_numbers<[1], [0], [0], [1], [0, 0, 1, 1], [], []>, transpose_lhs_hint = false} : vector<2048x100xf32>, vector<100x64xf32>, vector<2048x64xf32> -> vector<2048x64xf32>
    %add3A = arith.addf %dot_general3A_33, %dot_general3A_35 : vector<2048x64xf32>
    %get3A_36 = arith.constant 0 : index
    %get3A_37 = arith.constant 0 : index
    %get3A_38 = vector.load %arg4[%get3A_36, %get3A_37] : memref<2048x1xf32, #tpu.memory_space<vmem>>, vector<2048x1xf32>
    %get3A_39 = arith.constant 0 : index
    %get3A_40 = arith.constant 0 : index
    %get3A_41 = vector.load %arg9[%get3A_39, %get3A_40] : memref<1x64xf32, #tpu.memory_space<vmem>>, vector<1x64xf32>
    %mul3A = vector.broadcast %get3A_38 : vector<2048x1xf32> to vector<2048x64xf32>
    %mul3A_42 = vector.broadcast %get3A_41 : vector<1x64xf32> to vector<2048x64xf32>
    %mul3A_43 = arith.mulf %mul3A, %mul3A_42 : vector<2048x64xf32>
    %add3A_44 = arith.addf %add3A, %mul3A_43 : vector<2048x64xf32>
    %get3A_45 = arith.constant 0 : index
    %get3A_46 = arith.constant 0 : index
    %get3A_47 = vector.load %arg10[%get3A_45, %get3A_46] : memref<1x64xf32, #tpu.memory_space<vmem>>, vector<1x64xf32>
    %add3A_48 = vector.broadcast %get3A_47 : vector<1x64xf32> to vector<2048x64xf32>
    %add3A_49 = arith.addf %add3A_44, %add3A_48 : vector<2048x64xf32>
    %max3A = arith.constant 0.000000e+00 : f32
    %max3A_50 = vector.broadcast %max3A : f32 to vector<2048x64xf32>
    %max3A_51 = arith.maximumf %add3A_49, %max3A_50 : vector<2048x64xf32>
    %get3A_52 = arith.constant 0 : index
    %get3A_53 = arith.constant 0 : index
    %get3A_54 = vector.load %arg11[%get3A_52, %get3A_53] : memref<64x512xf32, #tpu.memory_space<vmem>>, vector<64x512xf32>
    %dot_general3A_55 = arith.constant dense<0.000000e+00> : vector<2048x512xf32>
    %dot_general3A_56 = tpu.matmul %max3A_51, %get3A_54, %dot_general3A_55 {dimension_numbers = #tpu.dot_dimension_numbers<[1], [0], [0], [1], [0, 0, 1, 1], [], []>, transpose_lhs_hint = false} : vector<2048x64xf32>, vector<64x512xf32>, vector<2048x512xf32> -> vector<2048x512xf32>
    %get3A_57 = arith.constant 0 : index
    %get3A_58 = arith.constant 0 : index
    %get3A_59 = vector.load %arg12[%get3A_57, %get3A_58] : memref<1x512xf32, #tpu.memory_space<vmem>>, vector<1x512xf32>
    %add3A_60 = vector.broadcast %get3A_59 : vector<1x512xf32> to vector<2048x512xf32>
    %add3A_61 = arith.addf %dot_general3A_56, %add3A_60 : vector<2048x512xf32>
    %get3A_62 = arith.constant 0 : index
    %get3A_63 = arith.constant 0 : index
    %get3A_64 = vector.load %arg1[%get3A_62, %get3A_63] : memref<2048x128xf32, #tpu.memory_space<vmem>>, vector<2048x128xf32>
    %iota3A_65 = tpu.iota {dimensions = array<i32: 0>} : vector<128x512xi32>
    %iota3A_66 = tpu.iota {dimensions = array<i32: 1>} : vector<128x512xi32>
    %shift_right_logical3A = arith.constant 4 : i32
    %shift_right_logical3A_67 = vector.broadcast %shift_right_logical3A : i32 to vector<128x512xi32>
    %shift_right_logical3A_68 = arith.shrui %iota3A_66, %shift_right_logical3A_67 : vector<128x512xi32>
    %eq3A_69 = arith.cmpi eq, %shift_right_logical3A_68, %iota3A_65 : vector<128x512xi32>
    %convert_element_type3A_70 = arith.extui %eq3A_69 : vector<128x512xi1> to vector<128x512xi32>
    %convert_element_type3A_71 = arith.sitofp %convert_element_type3A_70 : vector<128x512xi32> to vector<128x512xf32>
    %dot_general3A_72 = arith.constant dense<0.000000e+00> : vector<2048x512xf32>
    %dot_general3A_73 = tpu.matmul %get3A_64, %convert_element_type3A_71, %dot_general3A_72 {dimension_numbers = #tpu.dot_dimension_numbers<[1], [0], [0], [1], [0, 0, 1, 1], [], []>, transpose_lhs_hint = false} : vector<2048x128xf32>, vector<128x512xf32>, vector<2048x512xf32> -> vector<2048x512xf32>
    %mul3A_74 = arith.mulf %dot_general3A_73, %add3A_61 : vector<2048x512xf32>
    %iota3A_75 = tpu.iota {dimensions = array<i32: 0>} : vector<512x16xi32>
    %iota3A_76 = tpu.iota {dimensions = array<i32: 1>} : vector<512x16xi32>
    %and3A = arith.constant 15 : i32
    %and3A_77 = vector.broadcast %and3A : i32 to vector<512x16xi32>
    %and3A_78 = arith.andi %iota3A_75, %and3A_77 : vector<512x16xi32>
    %eq3A_79 = arith.cmpi eq, %and3A_78, %iota3A_76 : vector<512x16xi32>
    %convert_element_type3A_80 = arith.extui %eq3A_79 : vector<512x16xi1> to vector<512x16xi32>
    %convert_element_type3A_81 = arith.sitofp %convert_element_type3A_80 : vector<512x16xi32> to vector<512x16xf32>
    %dot_general3A_82 = arith.constant dense<0.000000e+00> : vector<2048x16xf32>
    %dot_general3A_83 = tpu.matmul %mul3A_74, %convert_element_type3A_81, %dot_general3A_82 {dimension_numbers = #tpu.dot_dimension_numbers<[1], [0], [0], [1], [0, 0, 1, 1], [], []>, transpose_lhs_hint = false} : vector<2048x512xf32>, vector<512x16xf32>, vector<2048x16xf32> -> vector<2048x16xf32>
    %mul3A_84 = arith.constant 2048 : i32
    %mul3A_85 = arith.muli %arg0, %mul3A_84 : i32
    %add3A_86 = arith.constant 81920 : i32
    %add3A_87 = arith.addi %add3A_86, %mul3A_85 : i32
    %iota3A_88 = tpu.iota {dimensions = array<i32: 0>} : vector<2048x1xi32>
    %add3A_89 = vector.broadcast %add3A_87 : i32 to vector<2048x1xi32>
    %add3A_90 = arith.addi %add3A_89, %iota3A_88 : vector<2048x1xi32>
    %lt3A = arith.constant 160000 : i32
    %lt3A_91 = vector.broadcast %lt3A : i32 to vector<2048x1xi32>
    %lt3A_92 = arith.cmpi slt, %add3A_90, %lt3A_91 : vector<2048x1xi32>
    %convert_element_type3A_93 = arith.extui %lt3A_92 : vector<2048x1xi1> to vector<2048x1xi32>
    %convert_element_type3A_94 = arith.sitofp %convert_element_type3A_93 : vector<2048x1xi32> to vector<2048x1xf32>
    %mul3A_95 = vector.broadcast %convert_element_type3A_94 : vector<2048x1xf32> to vector<2048x16xf32>
    %mul3A_96 = arith.mulf %dot_general3A_83, %mul3A_95 : vector<2048x16xf32>
    %iota3A_97 = tpu.iota {dimensions = array<i32: 0>} : vector<16x128xi32>
    %iota3A_98 = tpu.iota {dimensions = array<i32: 1>} : vector<16x128xi32>
    %add3A_99 = arith.constant 0 : i32
    %add3A_100 = vector.broadcast %add3A_99 : i32 to vector<16x128xi32>
    %add3A_101 = arith.addi %iota3A_97, %add3A_100 : vector<16x128xi32>
    %eq3A_102 = arith.cmpi eq, %iota3A_98, %add3A_101 : vector<16x128xi32>
    %convert_element_type3A_103 = arith.extui %eq3A_102 : vector<16x128xi1> to vector<16x128xi32>
    %convert_element_type3A_104 = arith.sitofp %convert_element_type3A_103 : vector<16x128xi32> to vector<16x128xf32>
    %dot_general3A_105 = arith.constant dense<0.000000e+00> : vector<2048x128xf32>
    %dot_general3A_106 = tpu.matmul %mul3A_96, %convert_element_type3A_104, %dot_general3A_105 {dimension_numbers = #tpu.dot_dimension_numbers<[1], [0], [0], [1], [0, 0, 1, 1], [], []>, transpose_lhs_hint = false} : vector<2048x16xf32>, vector<16x128xf32>, vector<2048x128xf32> -> vector<2048x128xf32>
    %iota3A_107 = tpu.iota {dimensions = array<i32: 0>} : vector<1x128xi32>
    %iota3A_108 = tpu.iota {dimensions = array<i32: 1>} : vector<1x128xi32>
    %add3A_109 = arith.constant 16 : i32
    %add3A_110 = vector.broadcast %add3A_109 : i32 to vector<1x128xi32>
    %add3A_111 = arith.addi %iota3A_107, %add3A_110 : vector<1x128xi32>
    %eq3A_112 = arith.cmpi eq, %iota3A_108, %add3A_111 : vector<1x128xi32>
    %convert_element_type3A_113 = arith.extui %eq3A_112 : vector<1x128xi1> to vector<1x128xi32>
    %convert_element_type3A_114 = arith.sitofp %convert_element_type3A_113 : vector<1x128xi32> to vector<1x128xf32>
    %dot_general3A_115 = arith.constant dense<0.000000e+00> : vector<2048x128xf32>
    %dot_general3A_116 = tpu.matmul %convert_element_type3A_94, %convert_element_type3A_114, %dot_general3A_115 {dimension_numbers = #tpu.dot_dimension_numbers<[1], [0], [0], [1], [0, 0, 1, 1], [], []>, transpose_lhs_hint = false} : vector<2048x1xf32>, vector<1x128xf32>, vector<2048x128xf32> -> vector<2048x128xf32>
    %add3A_117 = arith.addf %dot_general3A_106, %dot_general3A_116 : vector<2048x128xf32>
    %swap3A = arith.constant 0 : index
    %swap3A_118 = arith.constant 0 : index
    %swap3A_119 = vector.load %arg13[%swap3A, %swap3A_118] : memref<2048x128xf32, #tpu.memory_space<vmem>>, vector<2048x128xf32>
    tpu.vector_store %arg13[%swap3A, %swap3A_118], %add3A_117 {strides = array<i32>} : memref<2048x128xf32, #tpu.memory_space<vmem>>, vector<2048x128xf32>,
    return
  }
  func.func @transform_0(%arg0: i32) -> (i32, i32) {
    %c0_i32 = arith.constant 0 : i32
    %c0_i32_0 = arith.constant 0 : i32
    return %arg0, %c0_i32 : i32, i32
  }
  func.func @transform_1(%arg0: i32) -> (i32, i32, i32) {
    %c0_i32 = arith.constant 0 : i32
    %c0_i32_0 = arith.constant 0 : i32
    %c0_i32_1 = arith.constant 0 : i32
    return %arg0, %c0_i32, %c0_i32_0 : i32, i32, i32
  }
  func.func @transform_2(%arg0: i32) -> (i32, i32, i32) {
    %c0_i32 = arith.constant 0 : i32
    %c0_i32_0 = arith.constant 0 : i32
    %c0_i32_1 = arith.constant 0 : i32
    return %arg0, %c0_i32, %c0_i32_0 : i32, i32, i32
  }
  func.func @transform_3(%arg0: i32) -> (i32, i32) {
    %c0_i32 = arith.constant 0 : i32
    %c0_i32_0 = arith.constant 0 : i32
    return %arg0, %c0_i32 : i32, i32
  }
  func.func @transform_4(%arg0: i32) -> (i32, i32) {
    %c0_i32 = arith.constant 0 : i32
    %c0_i32_0 = arith.constant 0 : i32
    %c0_i32_1 = arith.constant 0 : i32
    return %c0_i32, %c0_i32_0 : i32, i32
  }
  func.func @transform_5(%arg0: i32) -> (i32, i32) {
    %c0_i32 = arith.constant 0 : i32
    %c0_i32_0 = arith.constant 0 : i32
    %c0_i32_1 = arith.constant 0 : i32
    return %c0_i32, %c0_i32_0 : i32, i32
  }
  func.func @transform_6(%arg0: i32) -> (i32, i32) {
    %c0_i32 = arith.constant 0 : i32
    %c0_i32_0 = arith.constant 0 : i32
    %c0_i32_1 = arith.constant 0 : i32
    return %c0_i32, %c0_i32_0 : i32, i32
  }
  func.func @transform_7(%arg0: i32) -> (i32, i32) {
    %c0_i32 = arith.constant 0 : i32
    %c0_i32_0 = arith.constant 0 : i32
    %c0_i32_1 = arith.constant 0 : i32
    return %c0_i32, %c0_i32_0 : i32, i32
  }
  func.func @transform_8(%arg0: i32) -> (i32, i32) {
    %c0_i32 = arith.constant 0 : i32
    %c0_i32_0 = arith.constant 0 : i32
    %c0_i32_1 = arith.constant 0 : i32
    return %c0_i32, %c0_i32_0 : i32, i32
  }
  func.func @transform_9(%arg0: i32) -> (i32, i32) {
    %c0_i32 = arith.constant 0 : i32
    %c0_i32_0 = arith.constant 0 : i32
    %c0_i32_1 = arith.constant 0 : i32
    return %c0_i32, %c0_i32_0 : i32, i32
  }
  func.func @transform_10(%arg0: i32) -> (i32, i32) {
    %c0_i32 = arith.constant 0 : i32
    %c0_i32_0 = arith.constant 0 : i32
    %c0_i32_1 = arith.constant 0 : i32
    return %c0_i32, %c0_i32_0 : i32, i32
  }
  func.func @transform_11(%arg0: i32) -> (i32, i32) {
    %c0_i32 = arith.constant 0 : i32
    %c0_i32_0 = arith.constant 0 : i32
    %c0_i32_1 = arith.constant 0 : i32
    return %c0_i32, %c0_i32_0 : i32, i32
  }
  func.func @transform_12(%arg0: i32) -> (i32, i32) {
    %c0_i32 = arith.constant 0 : i32
    %c0_i32_0 = arith.constant 0 : i32
    return %arg0, %c0_i32 : i32, i32
  }
}

module attributes {stable_mosaic.version = 14 : i64} {
  func.func @_final_body(%arg0: i32, %arg1: memref<1000x128xf32, #tpu.memory_space<vmem>>, %arg2: memref<1000x128xf32, #tpu.memory_space<vmem>>, %arg3: memref<1000x128xf32, #tpu.memory_space<vmem>>, %arg4: memref<128x16xf32, #tpu.memory_space<vmem>>, %arg5: memref<1x16xf32, #tpu.memory_space<vmem>>, %arg6: memref<16x16xf32, #tpu.memory_space<vmem>>, %arg7: memref<1x16xf32, #tpu.memory_space<vmem>>, %arg8: memref<16x10xf32, #tpu.memory_space<vmem>>, %arg9: memref<1x10xf32, #tpu.memory_space<vmem>>, %arg10: memref<16x32xf32, #tpu.memory_space<vmem>>, %arg11: memref<1x32xf32, #tpu.memory_space<vmem>>, %arg12: memref<16x1000xf32, #tpu.memory_space<vmem>>, %arg13: memref<1x1000xf32, #tpu.memory_space<vmem>>, %arg14: memref<1000x16xf32, #tpu.memory_space<vmem>>, %arg15: memref<1000x10xf32, #tpu.memory_space<vmem>>, %arg16: memref<1000x32xf32, #tpu.memory_space<vmem>>, %arg17: memref<1000x1000xf32, #tpu.memory_space<vmem>>) attributes {dimension_semantics = [#tpu.dimension_semantics<arbitrary>], iteration_bounds = array<i64: 10>, scalar_prefetch = 0 : i64, scratch_operands = 0 : i64, tpu.core_type = #tpu.core_type<tc>, window_params = [{transform_indices = @transform_0, window_bounds = array<i64: 1000, 128>}, {transform_indices = @transform_1, window_bounds = array<i64: 1000, 128>}, {transform_indices = @transform_2, window_bounds = array<i64: 1000, 128>}, {pipeline_mode = #tpu.pipeline_mode<synchronous>, transform_indices = @transform_3, window_bounds = array<i64: 128, 16>}, {pipeline_mode = #tpu.pipeline_mode<synchronous>, transform_indices = @transform_4, window_bounds = array<i64: 1, 16>}, {pipeline_mode = #tpu.pipeline_mode<synchronous>, transform_indices = @transform_5, window_bounds = array<i64: 16, 16>}, {pipeline_mode = #tpu.pipeline_mode<synchronous>, transform_indices = @transform_6, window_bounds = array<i64: 1, 16>}, {pipeline_mode = #tpu.pipeline_mode<synchronous>, transform_indices = @transform_7, window_bounds = array<i64: 16, 10>}, {pipeline_mode = #tpu.pipeline_mode<synchronous>, transform_indices = @transform_8, window_bounds = array<i64: 1, 10>}, {pipeline_mode = #tpu.pipeline_mode<synchronous>, transform_indices = @transform_9, window_bounds = array<i64: 16, 32>}, {pipeline_mode = #tpu.pipeline_mode<synchronous>, transform_indices = @transform_10, window_bounds = array<i64: 1, 32>}, {pipeline_mode = #tpu.pipeline_mode<synchronous>, transform_indices = @transform_11, window_bounds = array<i64: 16, 1000>}, {pipeline_mode = #tpu.pipeline_mode<synchronous>, transform_indices = @transform_12, window_bounds = array<i64: 1, 1000>}, {transform_indices = @transform_13, window_bounds = array<i64: 1000, 16>}, {transform_indices = @transform_14, window_bounds = array<i64: 1000, 10>}, {transform_indices = @transform_15, window_bounds = array<i64: 1000, 32>}, {transform_indices = @transform_16, window_bounds = array<i64: 1000, 1000>}]} {
    %get3A = arith.constant 0 : index
    %get3A_0 = arith.constant 0 : index
    %get3A_1 = vector.load %arg2[%get3A, %get3A_0] : memref<1000x128xf32, #tpu.memory_space<vmem>>, vector<1000x128xf32>
    %get3A_2 = arith.constant 0 : index
    %get3A_3 = arith.constant 0 : index
    %get3A_4 = vector.load %arg3[%get3A_2, %get3A_3] : memref<1000x128xf32, #tpu.memory_space<vmem>>, vector<1000x128xf32>
    %add3A = arith.addf %get3A_1, %get3A_4 : vector<1000x128xf32>
    %iota3A = tpu.iota {dimensions = array<i32: 0>} : vector<128x16xi32>
    %iota3A_5 = tpu.iota {dimensions = array<i32: 1>} : vector<128x16xi32>
    %add3A_6 = arith.constant 0 : i32
    %add3A_7 = vector.broadcast %add3A_6 : i32 to vector<128x16xi32>
    %add3A_8 = arith.addi %iota3A, %add3A_7 : vector<128x16xi32>
    %eq3A = arith.cmpi eq, %iota3A_5, %add3A_8 : vector<128x16xi32>
    %convert_element_type3A = arith.extui %eq3A : vector<128x16xi1> to vector<128x16xi32>
    %convert_element_type3A_9 = arith.sitofp %convert_element_type3A : vector<128x16xi32> to vector<128x16xf32>
    %dot_general3A = arith.constant dense<0.000000e+00> : vector<1000x16xf32>
    %dot_general3A_10 = tpu.matmul %add3A, %convert_element_type3A_9, %dot_general3A {dimension_numbers = #tpu.dot_dimension_numbers<[1], [0], [0], [1], [0, 0, 1, 1], [], []>, transpose_lhs_hint = false} : vector<1000x128xf32>, vector<128x16xf32>, vector<1000x16xf32> -> vector<1000x16xf32>
    %iota3A_11 = tpu.iota {dimensions = array<i32: 0>} : vector<128x1xi32>
    %iota3A_12 = tpu.iota {dimensions = array<i32: 1>} : vector<128x1xi32>
    %add3A_13 = arith.constant -16 : i32
    %add3A_14 = vector.broadcast %add3A_13 : i32 to vector<128x1xi32>
    %add3A_15 = arith.addi %iota3A_11, %add3A_14 : vector<128x1xi32>
    %eq3A_16 = arith.cmpi eq, %iota3A_12, %add3A_15 : vector<128x1xi32>
    %convert_element_type3A_17 = arith.extui %eq3A_16 : vector<128x1xi1> to vector<128x1xi32>
    %convert_element_type3A_18 = arith.sitofp %convert_element_type3A_17 : vector<128x1xi32> to vector<128x1xf32>
    %dot_general3A_19 = arith.constant dense<0.000000e+00> : vector<1000x1xf32>
    %dot_general3A_20 = tpu.matmul %add3A, %convert_element_type3A_18, %dot_general3A_19 {dimension_numbers = #tpu.dot_dimension_numbers<[1], [0], [0], [1], [0, 0, 1, 1], [], []>, transpose_lhs_hint = false} : vector<1000x128xf32>, vector<128x1xf32>, vector<1000x1xf32> -> vector<1000x1xf32>
    %max3A = arith.constant 1.000000e+00 : f32
    %max3A_21 = vector.broadcast %max3A : f32 to vector<1000x1xf32>
    %max3A_22 = arith.maximumf %dot_general3A_20, %max3A_21 : vector<1000x1xf32>
    %div3A = vector.broadcast %max3A_22 : vector<1000x1xf32> to vector<1000x16xf32>
    %div3A_23 = arith.divf %dot_general3A_10, %div3A : vector<1000x16xf32>
    %get3A_24 = arith.constant 0 : index
    %get3A_25 = arith.constant 0 : index
    %get3A_26 = vector.load %arg1[%get3A_24, %get3A_25] : memref<1000x128xf32, #tpu.memory_space<vmem>>, vector<1000x128xf32>
    %get3A_27 = arith.constant 0 : index
    %get3A_28 = arith.constant 0 : index
    %get3A_29 = vector.load %arg4[%get3A_27, %get3A_28] : memref<128x16xf32, #tpu.memory_space<vmem>>, vector<128x16xf32>
    %dot_general3A_30 = arith.constant dense<0.000000e+00> : vector<1000x16xf32>
    %dot_general3A_31 = tpu.matmul %get3A_26, %get3A_29, %dot_general3A_30 {dimension_numbers = #tpu.dot_dimension_numbers<[1], [0], [0], [1], [0, 0, 1, 1], [], []>, transpose_lhs_hint = false} : vector<1000x128xf32>, vector<128x16xf32>, vector<1000x16xf32> -> vector<1000x16xf32>
    %add3A_32 = arith.addf %dot_general3A_31, %div3A_23 : vector<1000x16xf32>
    %get3A_33 = arith.constant 0 : index
    %get3A_34 = arith.constant 0 : index
    %get3A_35 = vector.load %arg5[%get3A_33, %get3A_34] : memref<1x16xf32, #tpu.memory_space<vmem>>, vector<1x16xf32>
    %add3A_36 = vector.broadcast %get3A_35 : vector<1x16xf32> to vector<1000x16xf32>
    %add3A_37 = arith.addf %add3A_32, %add3A_36 : vector<1000x16xf32>
    %max3A_38 = arith.constant 0.000000e+00 : f32
    %max3A_39 = vector.broadcast %max3A_38 : f32 to vector<1000x16xf32>
    %max3A_40 = arith.maximumf %add3A_37, %max3A_39 : vector<1000x16xf32>
    %get3A_41 = arith.constant 0 : index
    %get3A_42 = arith.constant 0 : index
    %get3A_43 = vector.load %arg6[%get3A_41, %get3A_42] : memref<16x16xf32, #tpu.memory_space<vmem>>, vector<16x16xf32>
    %dot_general3A_44 = arith.constant dense<0.000000e+00> : vector<1000x16xf32>
    %dot_general3A_45 = tpu.matmul %max3A_40, %get3A_43, %dot_general3A_44 {dimension_numbers = #tpu.dot_dimension_numbers<[1], [0], [0], [1], [0, 0, 1, 1], [], []>, transpose_lhs_hint = false} : vector<1000x16xf32>, vector<16x16xf32>, vector<1000x16xf32> -> vector<1000x16xf32>
    %get3A_46 = arith.constant 0 : index
    %get3A_47 = arith.constant 0 : index
    %get3A_48 = vector.load %arg7[%get3A_46, %get3A_47] : memref<1x16xf32, #tpu.memory_space<vmem>>, vector<1x16xf32>
    %add3A_49 = vector.broadcast %get3A_48 : vector<1x16xf32> to vector<1000x16xf32>
    %add3A_50 = arith.addf %dot_general3A_45, %add3A_49 : vector<1000x16xf32>
    %swap3A = arith.constant 0 : index
    %swap3A_51 = arith.constant 0 : index
    %swap3A_52 = vector.load %arg14[%swap3A, %swap3A_51] : memref<1000x16xf32, #tpu.memory_space<vmem>>, vector<1000x16xf32>
    tpu.vector_store %arg14[%swap3A, %swap3A_51], %add3A_50 {strides = array<i32>} : memref<1000x16xf32, #tpu.memory_space<vmem>>, vector<1000x16xf32>,
    %get3A_53 = arith.constant 0 : index
    %get3A_54 = arith.constant 0 : index
    %get3A_55 = vector.load %arg8[%get3A_53, %get3A_54] : memref<16x10xf32, #tpu.memory_space<vmem>>, vector<16x10xf32>
    %dot_general3A_56 = arith.constant dense<0.000000e+00> : vector<1000x10xf32>
    %dot_general3A_57 = tpu.matmul %max3A_40, %get3A_55, %dot_general3A_56 {dimension_numbers = #tpu.dot_dimension_numbers<[1], [0], [0], [1], [0, 0, 1, 1], [], []>, transpose_lhs_hint = false} : vector<1000x16xf32>, vector<16x10xf32>, vector<1000x10xf32> -> vector<1000x10xf32>
    %get3A_58 = arith.constant 0 : index
    %get3A_59 = arith.constant 0 : index
    %get3A_60 = vector.load %arg9[%get3A_58, %get3A_59] : memref<1x10xf32, #tpu.memory_space<vmem>>, vector<1x10xf32>
    %add3A_61 = vector.broadcast %get3A_60 : vector<1x10xf32> to vector<1000x10xf32>
    %add3A_62 = arith.addf %dot_general3A_57, %add3A_61 : vector<1000x10xf32>
    %swap3A_63 = arith.constant 0 : index
    %swap3A_64 = arith.constant 0 : index
    %swap3A_65 = vector.load %arg15[%swap3A_63, %swap3A_64] : memref<1000x10xf32, #tpu.memory_space<vmem>>, vector<1000x10xf32>
    tpu.vector_store %arg15[%swap3A_63, %swap3A_64], %add3A_62 {strides = array<i32>} : memref<1000x10xf32, #tpu.memory_space<vmem>>, vector<1000x10xf32>,
    %get3A_66 = arith.constant 0 : index
    %get3A_67 = arith.constant 0 : index
    %get3A_68 = vector.load %arg10[%get3A_66, %get3A_67] : memref<16x32xf32, #tpu.memory_space<vmem>>, vector<16x32xf32>
    %dot_general3A_69 = arith.constant dense<0.000000e+00> : vector<1000x32xf32>
    %dot_general3A_70 = tpu.matmul %max3A_40, %get3A_68, %dot_general3A_69 {dimension_numbers = #tpu.dot_dimension_numbers<[1], [0], [0], [1], [0, 0, 1, 1], [], []>, transpose_lhs_hint = false} : vector<1000x16xf32>, vector<16x32xf32>, vector<1000x32xf32> -> vector<1000x32xf32>
    %get3A_71 = arith.constant 0 : index
    %get3A_72 = arith.constant 0 : index
    %get3A_73 = vector.load %arg11[%get3A_71, %get3A_72] : memref<1x32xf32, #tpu.memory_space<vmem>>, vector<1x32xf32>
    %add3A_74 = vector.broadcast %get3A_73 : vector<1x32xf32> to vector<1000x32xf32>
    %add3A_75 = arith.addf %dot_general3A_70, %add3A_74 : vector<1000x32xf32>
    %swap3A_76 = arith.constant 0 : index
    %swap3A_77 = arith.constant 0 : index
    %swap3A_78 = vector.load %arg16[%swap3A_76, %swap3A_77] : memref<1000x32xf32, #tpu.memory_space<vmem>>, vector<1000x32xf32>
    tpu.vector_store %arg16[%swap3A_76, %swap3A_77], %add3A_75 {strides = array<i32>} : memref<1000x32xf32, #tpu.memory_space<vmem>>, vector<1000x32xf32>,
    %get3A_79 = arith.constant 0 : index
    %get3A_80 = arith.constant 0 : index
    %get3A_81 = vector.load %arg12[%get3A_79, %get3A_80] : memref<16x1000xf32, #tpu.memory_space<vmem>>, vector<16x1000xf32>
    %dot_general3A_82 = arith.constant dense<0.000000e+00> : vector<1000x1000xf32>
    %dot_general3A_83 = tpu.matmul %max3A_40, %get3A_81, %dot_general3A_82 {dimension_numbers = #tpu.dot_dimension_numbers<[1], [0], [0], [1], [0, 0, 1, 1], [], []>, transpose_lhs_hint = false} : vector<1000x16xf32>, vector<16x1000xf32>, vector<1000x1000xf32> -> vector<1000x1000xf32>
    %get3A_84 = arith.constant 0 : index
    %get3A_85 = arith.constant 0 : index
    %get3A_86 = vector.load %arg13[%get3A_84, %get3A_85] : memref<1x1000xf32, #tpu.memory_space<vmem>>, vector<1x1000xf32>
    %add3A_87 = vector.broadcast %get3A_86 : vector<1x1000xf32> to vector<1000x1000xf32>
    %add3A_88 = arith.addf %dot_general3A_83, %add3A_87 : vector<1000x1000xf32>
    %swap3A_89 = arith.constant 0 : index
    %swap3A_90 = arith.constant 0 : index
    %swap3A_91 = vector.load %arg17[%swap3A_89, %swap3A_90] : memref<1000x1000xf32, #tpu.memory_space<vmem>>, vector<1000x1000xf32>
    tpu.vector_store %arg17[%swap3A_89, %swap3A_90], %add3A_88 {strides = array<i32>} : memref<1000x1000xf32, #tpu.memory_space<vmem>>, vector<1000x1000xf32>,
    return
  }
  func.func @transform_0(%arg0: i32) -> (i32, i32) {
    %c0_i32 = arith.constant 0 : i32
    %c0_i32_0 = arith.constant 0 : i32
    return %arg0, %c0_i32 : i32, i32
  }
  func.func @transform_1(%arg0: i32) -> (i32, i32) {
    %c0_i32 = arith.constant 0 : i32
    %c0_i32_0 = arith.constant 0 : i32
    return %arg0, %c0_i32 : i32, i32
  }
  func.func @transform_2(%arg0: i32) -> (i32, i32) {
    %c0_i32 = arith.constant 0 : i32
    %c0_i32_0 = arith.constant 0 : i32
    return %arg0, %c0_i32 : i32, i32
  }
  func.func @transform_3(%arg0: i32) -> (i32, i32) {
    %c0_i32 = arith.constant 0 : i32
    %c0_i32_0 = arith.constant 0 : i32
    %c0_i32_1 = arith.constant 0 : i32
    return %c0_i32, %c0_i32_0 : i32, i32
  }
  func.func @transform_4(%arg0: i32) -> (i32, i32) {
    %c0_i32 = arith.constant 0 : i32
    %c0_i32_0 = arith.constant 0 : i32
    %c0_i32_1 = arith.constant 0 : i32
    return %c0_i32, %c0_i32_0 : i32, i32
  }
  func.func @transform_5(%arg0: i32) -> (i32, i32) {
    %c0_i32 = arith.constant 0 : i32
    %c0_i32_0 = arith.constant 0 : i32
    %c0_i32_1 = arith.constant 0 : i32
    return %c0_i32, %c0_i32_0 : i32, i32
  }
  func.func @transform_6(%arg0: i32) -> (i32, i32) {
    %c0_i32 = arith.constant 0 : i32
    %c0_i32_0 = arith.constant 0 : i32
    %c0_i32_1 = arith.constant 0 : i32
    return %c0_i32, %c0_i32_0 : i32, i32
  }
  func.func @transform_7(%arg0: i32) -> (i32, i32) {
    %c0_i32 = arith.constant 0 : i32
    %c0_i32_0 = arith.constant 0 : i32
    %c0_i32_1 = arith.constant 0 : i32
    return %c0_i32, %c0_i32_0 : i32, i32
  }
  func.func @transform_8(%arg0: i32) -> (i32, i32) {
    %c0_i32 = arith.constant 0 : i32
    %c0_i32_0 = arith.constant 0 : i32
    %c0_i32_1 = arith.constant 0 : i32
    return %c0_i32, %c0_i32_0 : i32, i32
  }
  func.func @transform_9(%arg0: i32) -> (i32, i32) {
    %c0_i32 = arith.constant 0 : i32
    %c0_i32_0 = arith.constant 0 : i32
    %c0_i32_1 = arith.constant 0 : i32
    return %c0_i32, %c0_i32_0 : i32, i32
  }
  func.func @transform_10(%arg0: i32) -> (i32, i32) {
    %c0_i32 = arith.constant 0 : i32
    %c0_i32_0 = arith.constant 0 : i32
    %c0_i32_1 = arith.constant 0 : i32
    return %c0_i32, %c0_i32_0 : i32, i32
  }
  func.func @transform_11(%arg0: i32) -> (i32, i32) {
    %c0_i32 = arith.constant 0 : i32
    %c0_i32_0 = arith.constant 0 : i32
    %c0_i32_1 = arith.constant 0 : i32
    return %c0_i32, %c0_i32_0 : i32, i32
  }
  func.func @transform_12(%arg0: i32) -> (i32, i32) {
    %c0_i32 = arith.constant 0 : i32
    %c0_i32_0 = arith.constant 0 : i32
    %c0_i32_1 = arith.constant 0 : i32
    return %c0_i32, %c0_i32_0 : i32, i32
  }
  func.func @transform_13(%arg0: i32) -> (i32, i32) {
    %c0_i32 = arith.constant 0 : i32
    %c0_i32_0 = arith.constant 0 : i32
    return %arg0, %c0_i32 : i32, i32
  }
  func.func @transform_14(%arg0: i32) -> (i32, i32) {
    %c0_i32 = arith.constant 0 : i32
    %c0_i32_0 = arith.constant 0 : i32
    return %arg0, %c0_i32 : i32, i32
  }
  func.func @transform_15(%arg0: i32) -> (i32, i32) {
    %c0_i32 = arith.constant 0 : i32
    %c0_i32_0 = arith.constant 0 : i32
    return %arg0, %c0_i32 : i32, i32
  }
  func.func @transform_16(%arg0: i32) -> (i32, i32) {
    %c0_i32 = arith.constant 0 : i32
    %c0_i32_0 = arith.constant 0 : i32
    return %arg0, %c0_i32 : i32, i32
  }
}

</mosaic_0001>

<sc_bundles>
// kernel: kernel.10.cloned.1.call-start
scs
__scs_entry_jumppad:
0x0: {  	(pc) =	sbr.rel $0x88, $3  }
0x1: {  	(tag) =	ssettag $0x0;
	lr =	simm.s32 $0x1  }
0x2: {  	[smem:$0x3F88] =	sst lr;
	_ =	strace $0xD0000000  }
0x3: {  	_ = 	snop  }
0x4: {  	_ = 	snop  }
0x5: {  	_ = 	snop  }
0x6: {  	_ = 	snop  }
0x7: {  	_ = 	snop  }
__scs_overlays_trampoline_lowered:
0x8: {  	[smem:$0x3F97] =	sst s0  }
0x9: {  	[smem:$0x3F98] =	sst s1  }
0xa: {  	[smem:$0x3F99] =	sst s2  }
0xb: {  	[smem:$0x3F9A] =	sst s3  }
0xc: {  	[smem:$0x3F9B] =	sst s4  }
0xd: {  	[smem:$0x3F9C] =	sst s5  }
0xe: {  	[smem:$0x3F9D] =	sst s6  }
0xf: {  	[smem:$0x3F9E] =	sst s7  }
0x10: {  	[smem:$0x3F9F] =	sst s8  }
0x11: {  	[smem:$0x3FA0] =	sst s9;
	s0 =	simm.s32 @!p0 $0x0  }
0x12: {  	s1 =	sld [smem:$0x3F86];
	s0 =	simm.s32 @p0 $0x1  }
0x13: {  	[smem:$0x3FA1] =	sst s0;
	s0 =	simm.s32 @!p1 $0x0  }
0x14: {  	s2 =	sld [smem:$0x3F85];
	s0 =	simm.s32 @p1 $0x1  }
0x15: {  	[smem:$0x3FA2] =	sst s0;
	s0 =	simm.s32 @!p2 $0x0  }
0x16: {  	s3 =	sld [smem:$0x3FDB];
	s0 =	simm.s32 @p2 $0x1  }
0x17: {  	s4 =	simm.s32 $0x1BF5;
	[smem:$0x3FA4] =	sst s0  }
0x18: {  	s0 =	sld [smem:$0x3F87];
	_ =	swait.ge [sflag:s4], $0x0  }
0x19: {  	s7 =	sld [smem:$0x3F88]  }
0x1a: {  	s8 =	sadd.s32 $0xFFFFE003, lr  }
0x1b: {  	s9 =	sadd.s32 $0xFFFFFEF7, lr;
	s5 =	simm.s32 $0xFFFFFFFF;
	p2 =	slt.u32 s8, $0xFFFFF086  }
0x1c: {  	p1 =	slt.u32 s9, $0xF7A;
	s5 =	simm.s32 @!p2 $0x0  }
0x1d: {  	s5 =	simm.s32 @p1 $0x1;
	p0 =	seq.s32 s7, s2  }
0x1e: {  	s7 =	smul.u32 @!p0 $0xF7A, s2;
	p2 =	seq.s32 @!p0 s5, $0x0  }
0x1f: {  	s9 =	smul.u32 $0xF7A, s1;
	s8 =	simm.s32 @!p0 $0x1BF5;
	p2 =	por !p2, p0  }
0x20: {  	[sflag:s8] =	ssyncset.s32 @!p0 $0xFFFFF086;
	s6 =	sadd.s32 @!p0 s3, s7;
	s7 =	simm.s32 @!p0 $0x108  }
0x21: {  	s3 =	sadd.s32 s3, s9;
	s6 =	sadd.s32 @!p0 $0x88, s6;
	s7 =	simm.s32 @p2 $0x1082  }
0x22: {  	[simem:s7], [sflag:s8] =	dma.local @!p0 [hbm:s6], $0xF7A  }
0x23: {  	s9 =	sor.u32 $0xD0000000, s2;
	s6 =	simm.s32 $0x108;
	_ =	swait.ge @!p0 [sflag:s8], $0x0  }
0x24: {  	s3 =	sadd.s32 $0x88, s3;
	s6 =	simm.s32 @!p1 $0x1082;
	[sflag:s4] =	ssyncset.s32 $0xFFFFF086  }
0x25: {  	[simem:s6], [sflag:s4] =	dma.local [hbm:s3], $0xF7A  }
0x26: {  	[smem:$0x3F88] =	sst s1;
	(tag) =	ssettag s2;
	_ =	strace s9  }
0x27: {  	s1 =	sld [smem:$0x3F98]  }
0x28: {  	s2 =	sld [smem:$0x3F99]  }
0x29: {  	s4 =	sld [smem:$0x3F9B]  }
0x2a: {  	p0 =	seq.s32 s5, $0x0;
	s5 =	sld [smem:$0x3F9C]  }
0x2b: {  	s6 =	sld [smem:$0x3F9D]  }
0x2c: {  	s7 =	sld [smem:$0x3F9E]  }
0x2d: {  	s3 =	simm.s32 $0x108;
	s8 =	sld [smem:$0x3F9F]  }
0x2e: {  	s3 =	simm.s32 @!p0 $0x1082;
	s9 =	sld [smem:$0x3FA0]  }
0x2f: {  	lr =	sadd.s32 s0, s3;
	s0 =	sld [smem:$0x3F97]  }
0x30: {  	s3 =	sld [smem:$0x3F9A]  }
0x31: {  	[smem:$0x3FA3] =	sst s10  }
0x32: {  	s10 =	sld [smem:$0x3FA1];
	_ =	sdelay $0x3  }
0x33: {  	p0 =	seq.s32 s10, $0x1;
	s10 =	sld [smem:$0x3FA3];
	_ =	sdelay $0x3  }
0x34: {  	[smem:$0x3FA3] =	sst s10  }
0x35: {  	s10 =	sld [smem:$0x3FA2];
	_ =	sdelay $0x3  }
0x36: {  	p1 =	seq.s32 s10, $0x1;
	s10 =	sld [smem:$0x3FA3];
	_ =	sdelay $0x3  }
0x37: {  	[smem:$0x3FA3] =	sst s10  }
0x38: {  	s10 =	sld [smem:$0x3FA4]  }
0x39: {  	_ = 	snop;
	(pc) =	sbr.ind lr, $3  }
0x3a: {  	_ = 	snop  }
0x3b: {  	_ = 	snop  }
0x3c: {  	p2 =	seq.s32 s10, $0x1;
	s10 =	sld [smem:$0x3FA3]  }
0x3d: {  	_ =	shalt  }
0x3e: {  	_ =	shalt  }
0x3f: {  	_ =	shalt  }
0x40: {  	_ =	shalt  }
0x41: {  	_ =	shalt  }
0x42: {  	_ =	shalt  }
0x43: {  	_ =	shalt  }
0x44: {  	_ =	shalt  }
0x45: {  	_ =	shalt  }
0x46: {  	_ =	shalt  }
0x47: {  	_ =	shalt  }
0x48: {  	_ =	shalt  }
0x49: {  	_ =	shalt  }
0x4a: {  	_ =	shalt  }
0x4b: {  	_ =	shalt  }
0x4c: {  	_ =	shalt  }
0x4d: {  	_ =	shalt  }
0x4e: {  	_ =	shalt  }
0x4f: {  	_ =	shalt  }
0x50: {  	_ =	shalt  }
0x51: {  	_ =	shalt  }
0x52: {  	_ =	shalt  }
0x53: {  	_ =	shalt  }
0x54: {  	_ =	shalt  }
0x55: {  	_ =	shalt  }
0x56: {  	_ =	shalt  }
0x57: {  	_ =	shalt  }
0x58: {  	_ =	shalt  }
0x59: {  	_ =	shalt  }
0x5a: {  	_ =	shalt  }
0x5b: {  	_ =	shalt  }
0x5c: {  	_ =	shalt  }
0x5d: {  	_ =	shalt  }
0x5e: {  	_ =	shalt  }
0x5f: {  	_ =	shalt  }
0x60: {  	_ =	shalt  }
0x61: {  	_ =	shalt  }
0x62: {  	_ =	shalt  }
0x63: {  	_ =	shalt  }
0x64: {  	_ =	shalt  }
0x65: {  	_ =	shalt  }
0x66: {  	_ =	shalt  }
0x67: {  	_ =	shalt  }
0x68: {  	_ =	shalt  }
0x69: {  	_ =	shalt  }
0x6a: {  	_ =	shalt  }
0x6b: {  	_ =	shalt  }
0x6c: {  	_ =	shalt  }
0x6d: {  	_ =	shalt  }
0x6e: {  	_ =	shalt  }
0x6f: {  	_ =	shalt  }
0x70: {  	_ =	shalt  }
0x71: {  	_ =	shalt  }
0x72: {  	_ =	shalt  }
0x73: {  	_ =	shalt  }
0x74: {  	_ =	shalt  }
0x75: {  	_ =	shalt  }
0x76: {  	_ =	shalt  }
0x77: {  	_ =	shalt  }
0x78: {  	_ =	shalt  }
0x79: {  	_ =	shalt  }
0x7a: {  	_ =	shalt  }
0x7b: {  	_ =	shalt  }
0x7c: {  	_ =	shalt  }
0x7d: {  	_ =	shalt  }
0x7e: {  	_ =	shalt  }
0x7f: {  	_ =	shalt  }
0x80: {  	_ =	shalt  }
0x81: {  	_ =	shalt  }
0x82: {  	_ =	shalt  }
0x83: {  	_ =	shalt  }
0x84: {  	_ =	shalt  }
0x85: {  	_ =	shalt  }
0x86: {  	_ =	shalt  }
0x87: {  	_ =	shalt  }
.Lfunc_end0:
.L_simem_size_0:
called_computation_lowered:
.L_overlay_start_0:
0x88: {  	s2 =	sld [smem:$0x3FD9]  }
0x89: {  	s3 =	sld [smem:$0x3FFE];
	_ =	sdelay $0x1  }
0x8a: {  	s1 =	srdreg.scid  }
0x8b: {  	s0 =	sand.u32 $0x1, s1  }
0x8c: {  	s14 =	sshll.u32 s0, $0xA;
	s2 =	sadd.s32 s3, s2  }
0x8d: {  	s2 =	sadd.s32 s2, s14  }
0x8e: {  	[smem:$0x3FAF] =	sst s2  }
0x8f: {  	_ = 	snop  }
0x90: {  	s2 =	sld [smem:$0x3FD0];
	_ =	sdelay $0x2  }
0x91: {  	s15 =	simm.s32 $0xB;
	s4 =	simm.s32 $0x10  }
0x92: {  	[smem:s4], [sflag:s15] =	dma.local [hbm:s2], $0x1  }
0x93: {  	_ =	swait.eq [sflag:s15], $0x1  }
0x94: {  	[sflag:s15] =	ssyncset.done $0x0  }
0x95: {  	[sflag:s15] =	ssyncadd.s32 $0xFFFFFFFF  }
0x96: {  	s16 =	sld [smem:$0x12];
	(tm) =	ssettm $0x1  }
0x97: {  	s17 =	sld [smem:$0x3FFB];
	_ =	sdelay $0x3  }
0x98: {  	_ =	strace s17  }
0x99: {  	s3 =	sld [smem:$0x3FFC];
	_ =	sdelay $0x3  }
0x9a: {  	_ =	strace s3  }
0x9b: {  	s3 =	sld [smem:$0x3FFD];
	_ =	sdelay $0x3  }
0x9c: {  	_ =	strace s3  }
0x9d: {  	_ =	strace $0x8FFFFFFF  }
0x9e: {  	s18 =	sld [smem:$0x3FDB];
	_ =	sdelay $0x1  }
0x9f: {  	s19 =	simm.s32 $_scs_section_size  }
0xa0: {  	s5 =	simm.s32 $_size__tile_overlayer_lowered;
	s6 =	simm.s32 $_tile_overlayer_lowered  }
0xa1: {  	s22 =	simm.s32 $0x1BFF;
	s21 =	sshll.u32 s6, $0x1;
	s3 =	sadd.s32 s19, s18  }
0xa2: {  	s7 =	simm.s32 $0x0;
	s20 =	sshll.u32 s5, $0x1;
	s5 =	sadd.s32 s21, s3  }
0xa3: {  	[timem:s7], [sflag:s22] =	dma.local [hbm:s5], s20  }
0xa4: {  	_ =	swait.ge [sflag:s22], s20  }
0xa5: {  	s4 =	ssub.s32 $0x0, s20;
	[sflag:s22] =	ssyncset.done $0x0  }
0xa6: {  	[sflag:s22] =	ssyncadd.s32 s4;
	_ =	sdelay $0x1  }
0xa7: {  	s23 =	simm.s32 $0x1B8B  }
0xa8: {  	_ =	swait.ge [sflag:s23], $0x1  }
0xa9: {  	[sflag:s23] =	ssyncset.done $0x0  }
0xaa: {  	s25 =	simm.s32 $0x1B8E;
	s24 =	sld [smem:$0x3FFE];
	[sflag:s23] =	ssyncadd.s32 $0xFFFFFFFF  }
0xab: {  	s26 =	simm.s32 $execute0_lowered;
	[smem:$0x3FD2] =	sst s25  }
0xac: {  	s5 =	sshll.u32 s26, $0x1;
	_ =	strace $0x80000046;
	[dreg:$0x1] =	wrdreg $0xFFFFFFFF  }
0xad: {  	s28 =	simm.s32 $_size_execute0_lowered;
	s3 =	sadd.s32 s3, s5;
	[dreg:$0x0] =	wrdreg $0x0  }
0xae: {  	s5 =	sshll.u32 s28, $0x1;
	[dreg:$0x2] =	wrdreg s3  }
0xaf: {  	[dreg:$0x3] =	wrdreg s5  }
0xb0: {  	[dreg:$0x4] =	wrdreg $0xC0  }
0xb1: {  	_ =	task [dreg:s7], $0x5FFFF  }
0xb2: {  	[dreg:$0x1] =	wrdreg $0xFFFFFFFF  }
0xb3: {  	[dreg:$0x0] =	wrdreg $0x60  }
0xb4: {  	[dreg:$0x2] =	wrdreg s24  }
0xb5: {  	[dreg:$0x3] =	wrdreg s16  }
0xb6: {  	[dreg:$0x4] =	wrdreg $0xC000  }
0xb7: {  	[dreg:$0x5] =	wrdreg $0xA  }
0xb8: {  	_ =	task.clear_ibuf [dreg:s7], $0x6FFFF;
	_ =	strace $0x90000046  }
0xb9: {  	s29 =	simm.s32 $0xA;
	_ =	strace $0x80000048  }
0xba: {  	_ =	swait.ge [sflag:s29], $0x1  }
0xbb: {  	[sflag:s29] =	ssyncadd.s32 $0xFFFFFFFF  }
0xbc: {  	_ =	strace $0x90000048  }
0xbd: {  	_ =	sfence  }
0xbe: {  	s30 =	sld [smem:$0x0];
	_ =	sdelay $0x2  }
0xbf: {  	s31 =	sshll.u32 s1, $0xD;
	s1 =	sshrl.u32 s1, $0x2  }
0xc0: {  	s3 =	sand.u32 $0x4000, s31;
	s1 =	sadd.s32 s1, s30  }
0xc1: {  	s0 =	sor.u32 s3, s0;
	s1 =	sshll.u32 s1, $0x11  }
0xc2: {  	s0 =	sor.u32 s1, s0  }
0xc3: {  	s0 =	sadd.s32 $0x8F2B, s0  }
0xc4: {  	[sflag:s0] =	ssyncadd.remote.s32 $0x1  }
0xc5: {  	_ =	sfence.sel $0xFFFF  }
0xc6: {  	[dreg:$0x0] =	wrdreg $0xFFFFFFFF;
	(pc) =	sbr.abs _section_cstart, $3  }
0xc7: {  	[dreg:$0x1] =	wrdreg $0xFFFFFFFF  }
0xc8: {  	_ =	task.clear_ibuf [dreg:s7], $0x2FFFF;
	_ =	strace $0x9FFFFFFF  }
0xc9: {  	(tm) =	ssettm $0x7FFFFFFF  }
tec
execute0_lowered:
.L_overlay_start_1:
0x0: {  	(tag) =	ssettag $0x1  }
0x1: {  	s5 =	rddreg [dreg:$0x0]  }
0x2: {  	s6 =	rddreg [dreg:$0x1]  }
0x3: {  	s2 =	rddreg [dreg:$0x2]  }
0x4: {  	s0 =	rddreg [dreg:$0x3]  }
0x5: {  	s3 =	simm.s32 $0x0;
	s1 =	stileid.u32;
	s7 =	srdreg.scid  }
0x6: {  	s18 =	simm.s32 $0x18480;
	s19 =	simm.s32 $0x1;
	s4 =	smul.u32 $0x2800, s1  }
0x7: {  	s20 =	simm.s32 $0x2;
	s21 =	simm.s32 $0x3;
	s10 =	smul.u32 $0x50000, s1  }
0x8: {  	s22 =	simm.s32 $0x4;
	s23 =	simm.s32 $0x0;
	s16 =	smul.u32 $0x14000, s1  }
0x9: {  	[smem:$0x7FF] =	sst s3;
	s9 =	sand.u32 $0x1, s7;
	s28 =	smul.u32 $0xA0000, s1  }
0xa: {  	s24 =	sshll.u32 s1, $0x1;
	s11 =	sadd.s32 $0x2B000, s5;
	s30 =	smul.u32 $0x50000, s9  }
0xb: {  	s15 =	sadd.s32 $0x12C000, s2;
	s7 =	sor.u32 s9, s24;
	s17 =	smul.u32 $0xA000, s9  }
0xc: {  	p0 =	seq.s32 s1, $0xF;
	_ =	strace $0x80000047;
	s13 =	smul.u32 $0x180, s7  }
0xd: {  	s8 =	ssub.s32 $0x2, s9;
	s4 =	sadd.s32 s4, s5;
	s25 =	smul.u32 $0x50000, s7  }
0xe: {  	s12 =	sshrl.u32 s8, $0x1;
	s10 =	sshrl.u32 s10, $0x2;
	s26 =	smul.u32 $0xA000, s7  }
0xf: {  	s5 =	sadd.s32 $0x29600, s5;
	s31 =	sadd.s32 s16, s11;
	s16 =	simm.s32 $0x80  }
0x10: {  	s8 =	ssub.s32 s8, s12;
	s14 =	sadd.s32 s10, s2;
	s4 =	sadd.s32 $0x3E00, s4  }
0x11: {  	s6 =	sadd.s32 s6, s13;
	s12 =	sshrl.u32 s25, $0x3;
	s7 =	smax.u32 s8, $0x1  }
0x12: {  	s10 =	sadd.s32 s26, s11;
	s13 =	sshll.u32 @!p0 s1, $0x6;
	s14 =	sshrl.u32 @!p0 s14, $0x3  }
0x13: {  	s29 =	sadd.s32 s11, s12;
	s9 =	sadd.s32 $0x9800, s10;
	s12 =	sadd.s32 s30, s28  }
0x14: {  	s10 =	sadd.s32 s17, s31;
	s13 =	sor.u32 @!p0 $0x1C05, s13;
	s17 =	simm.s32 $0x14480  }
0x15: {  	s8 =	sadd.s32 $0x9000, s29;
	s12 =	sshrl.u32 s12, $0x3;
	s10 =	sadd.s32 $0x800, s10  }
0x16: {  	s11 =	sadd.s32 s12, s11;
	s12 =	sshrl.u32 @p0 s15, $0x3;
	s15 =	simm.s32 $0x5  }
.LBB2_1:
0x17: {  	s24 =	simm.s32 @p0 $0x1FC5  }
0x18: {  	[spmem:s12], [sflag:s24] =	dma.local @p0 [hbm:s5], $0x1900  }
0x19: {  	s24 =	simm.s32 @p0 $0x5  }
0x1a: {  	_ =	swait.ge @p0 [sflag:s24], $0x1900  }
0x1b: {  	[sflag:s24] =	ssyncset.done @p0 $0x0  }
0x1c: {  	[sflag:s24] =	ssyncadd.s32 @p0 $0xFFFFE700;
	s24 =	simm.s32 @!p0 $0x5  }
0x1d: {  	[spmem:s14], [sflag:s13] =	dma.local @!p0 [hbm:s4], $0x2800  }
0x1e: {  	_ =	swait.ge @!p0 [sflag:s24], $0x2800  }
0x1f: {  	[sflag:s24] =	ssyncset.done @!p0 $0x0  }
0x20: {  	[sflag:s24] =	ssyncadd.s32 @!p0 $0xFFFFD800  }
0x21: {  	[tilespmem:s3], [sflag:$0x5] =	stream.linear.gather [hbm4b:s6+s3], $0xA00, $0x38;
	[tilespmem:$0x1C480] =	vst v63  }
0x22: {  	_ =	swait.ge [sflag:s15], $0xA00  }
0x23: {  	[sflag:s15] =	ssyncset.done $0x0  }
0x24: {  	[sflag:s15] =	ssyncadd.s32 $0xFFFFF600  }
0x25: {  	[bflag:$0x0] =	sbarrier.arrive $0xFFFF  }
0x26: {  	[tilespmem:s17], [sflag:$0x1] =	stream.indirect.gather [spmem:s2], $0x80, s3, s16, $0xb8;
	[tilespmem:$0x1C480] =	vst v63  }
0x27: {  	_ = 	snop  }
0x28: {  	[tilespmem:s18], [sflag:$0x2] =	stream.indirect.gather [spmem:s2], $0x80, s16, s16, $0xb8;
	[tilespmem:$0x1C480] =	vst v63  }
0x29: {  	_ =	swait.ge [sflag:s19], $0x4000  }
0x2a: {  	[sflag:s19] =	ssyncset.done $0x0  }
0x2b: {  	s29 =	sadd.s32 $0x0, s11;
	[sflag:s19] =	ssyncadd.s32 $0xFFFFC000  }
0x2c: {  	[hbm4b:s29+s3] =	stream.linear.scatter [tilespmem:s17], [sflag:$0x3], $0x4000, $0x38;
	[tilespmem:$0x1C480] =	vst v63  }
0x2d: {  	_ =	swait.ge [sflag:s20], $0x4000  }
0x2e: {  	[sflag:s20] =	ssyncset.done $0x0  }
0x2f: {  	s30 =	sadd.s32 $0x0, s10;
	[sflag:s20] =	ssyncadd.s32 $0xFFFFC000  }
0x30: {  	[hbm4b:s30+s3] =	stream.linear.scatter [tilespmem:s18], [sflag:$0x4], $0x4000, $0x38;
	[tilespmem:$0x1C480] =	vst v63  }
0x31: {  	_ =	swait.ge [sflag:s21], $0x4000  }
0x32: {  	[sflag:s21] =	ssyncset.done $0x0  }
0x33: {  	s31 =	simm.s32 $0x100;
	[sflag:s21] =	ssyncadd.s32 $0xFFFFC000  }
0x34: {  	[tilespmem:s17], [sflag:$0x1] =	stream.indirect.gather [spmem:s2], $0x80, s31, s16, $0xb8;
	[tilespmem:$0x1C480] =	vst v63  }
0x35: {  	_ =	swait.ge [sflag:s22], $0x4000  }
0x36: {  	s25 =	simm.s32 $0x1000;
	[sflag:s22] =	ssyncset.done $0x0  }
0x37: {  	s26 =	simm.s32 $0x280;
	s24 =	simm.s32 $0x180;
	[sflag:s22] =	ssyncadd.s32 $0xFFFFC000  }
.LBB2_2:
0x38: {  	[tilespmem:s18], [sflag:$0x2] =	stream.indirect.gather [spmem:s2], $0x80, s24, s16, $0xb8;
	[tilespmem:$0x1C480] =	vst v63  }
0x39: {  	s28 =	smov.u32 s25;
	s24 =	smov.u32 s26  }
0x3a: {  	p1 =	sne.s32 s25, $0x8000;
	s25 =	sadd.s32 $0x1000, s25;
	_ =	swait.ge [sflag:s19], $0x4000  }
0x3b: {  	[sflag:s19] =	ssyncset.done $0x0  }
0x3c: {  	s29 =	sadd.s32 s28, s11;
	[sflag:s19] =	ssyncadd.s32 $0xFFFFC000  }
0x3d: {  	[hbm4b:s29+s3] =	stream.linear.scatter [tilespmem:s17], [sflag:$0x3], $0x4000, $0x38;
	[tilespmem:$0x1C480] =	vst v63  }
0x3e: {  	_ =	swait.ge [sflag:s20], $0x4000  }
0x3f: {  	[sflag:s20] =	ssyncset.done $0x0  }
0x40: {  	s28 =	sadd.s32 s28, s10;
	[sflag:s20] =	ssyncadd.s32 $0xFFFFC000  }
0x41: {  	[hbm4b:s28+s3] =	stream.linear.scatter [tilespmem:s18], [sflag:$0x4], $0x4000, $0x38;
	[tilespmem:$0x1C480] =	vst v63  }
0x42: {  	_ =	swait.ge [sflag:s21], $0x4000  }
0x43: {  	[sflag:s21] =	ssyncset.done $0x0  }
.Ltmp0:
0x44: {  	s28 =	sadd.s32 $0xFFFFFF80, s26;
	[sflag:s21] =	ssyncadd.s32 $0xFFFFC000;
	(pc) =	sbr.rel @p1 .LBB2_2-.Ltmp0, $4  }
0x45: {  	[tilespmem:s17], [sflag:$0x1] =	stream.indirect.gather [spmem:s2], $0x80, s28, s16, $0xb8;
	[tilespmem:$0x1C480] =	vst v63  }
0x46: {  	_ =	swait.ge [sflag:s22], $0x4000  }
0x47: {  	[sflag:s22] =	ssyncset.done $0x0  }
0x48: {  	s26 =	sadd.s32 $0x100, s26;
	[sflag:s22] =	ssyncadd.s32 $0xFFFFC000  }
0x49: {  	[tilespmem:s18], [sflag:$0x2] =	stream.indirect.gather [spmem:s2], $0x80, s24, s16, $0xb8;
	[tilespmem:$0x1C480] =	vst v63  }
0x4a: {  	_ =	swait.ge [sflag:s19], $0x4000  }
0x4b: {  	[sflag:s19] =	ssyncset.done $0x0  }
0x4c: {  	[sflag:s19] =	ssyncadd.s32 $0xFFFFC000  }
0x4d: {  	[hbm4b:s8+s3] =	stream.linear.scatter [tilespmem:s17], [sflag:$0x3], $0x4000, $0x38;
	[tilespmem:$0x1C480] =	vst v63  }
0x4e: {  	_ =	swait.ge [sflag:s20], $0x4000  }
0x4f: {  	[sflag:s20] =	ssyncset.done $0x0  }
0x50: {  	s23 =	sadd.s32 $0x1, s23;
	[sflag:s20] =	ssyncadd.s32 $0xFFFFC000  }
0x51: {  	[hbm4b:s9+s3] =	stream.linear.scatter [tilespmem:s18], [sflag:$0x4], $0x4000, $0x38;
	[tilespmem:$0x1C480] =	vst v63  }
0x52: {  	p1 =	sne.s32 s23, s7;
	_ =	swait.ge [sflag:s21], $0x4000  }
.Ltmp1:
0x53: {  	[sflag:s21] =	ssyncset.done $0x0;
	(pc) =	sbr.rel @p1 .LBB2_1-.Ltmp1, $4  }
0x54: {  	[sflag:s21] =	ssyncadd.s32 $0xFFFFC000  }
0x55: {  	_ =	swait.ge [sflag:s22], $0x4000  }
0x56: {  	[sflag:s22] =	ssyncset.done $0x0  }
0x57: {  	[sflag:s22] =	ssyncadd.s32 $0xFFFFC000  }
0x58: {  	_ =	sfence.sel $0x180000  }
0x59: {  	[bflag:$0x0] =	sbarrier.arrive $0xFFFF  }
0x5a: {  	p0 =	sne.s32 s1, $0x0;
	_ =	strace $0x90000047  }
0x5b: {  	s0 =	sadd.s32 @!p0 $0x100000, s0;
	[bflag:$0x2] =	sbarrier.arrive $0xFFFF  }
0x5c: {  	[sflag:s0] =	ssyncadd.tile.s32 @!p0 $0x1;
	_ =	shalt  }
.Lfunc_end2:
_tile_overlayer_lowered:
.L_overlay_start_2:
0x5d: {  	(tag) =	ssettag $0x2  }
0x5e: {  	s0 =	rddreg [dreg:$0x0];
	s2 =	stileid.u32  }
0x5f: {  	s1 =	rddreg [dreg:$0x1];
	p0 =	sne.s32 s2, $0x0  }
0x60: {  	s3 =	rddreg [dreg:$0x2];
	[bflag:$0x3] =	sbarrier.arrive $0xFFFF;
	s2 =	simm.s32 @!p0 $0x1C05  }
0x61: {  	[timem:s3], [sflag:s2] =	dma.local @!p0 [hbm:s0], s1  }
0x62: {  	s0 =	simm.s32 @!p0 $0x5  }
0x63: {  	_ =	swait.ge @!p0 [sflag:s0], s1  }
0x64: {  	s1 =	ssub.s32 @!p0 $0x0, s1;
	[sflag:s0] =	ssyncset.done @!p0 $0x0  }
0x65: {  	[sflag:s0] =	ssyncadd.s32 @!p0 s1  }
0x66: {  	[bflag:$0x3] =	sbarrier.arrive $0xFFFF  }
0x67: {  	_ =	shalt  }

// kernel: kernel.13.cloned.1.call-start
scs
__scs_entry_jumppad:
0x0: {  	(pc) =	sbr.rel $0x88, $3  }
0x1: {  	(tag) =	ssettag $0x0;
	lr =	simm.s32 $0x1  }
0x2: {  	[smem:$0x3F88] =	sst lr;
	_ =	strace $0xD0000000  }
0x3: {  	_ = 	snop  }
0x4: {  	_ = 	snop  }
0x5: {  	_ = 	snop  }
0x6: {  	_ = 	snop  }
0x7: {  	_ = 	snop  }
__scs_overlays_trampoline_lowered:
0x8: {  	[smem:$0x3F97] =	sst s0  }
0x9: {  	[smem:$0x3F98] =	sst s1  }
0xa: {  	[smem:$0x3F99] =	sst s2  }
0xb: {  	[smem:$0x3F9A] =	sst s3  }
0xc: {  	[smem:$0x3F9B] =	sst s4  }
0xd: {  	[smem:$0x3F9C] =	sst s5  }
0xe: {  	[smem:$0x3F9D] =	sst s6  }
0xf: {  	[smem:$0x3F9E] =	sst s7  }
0x10: {  	[smem:$0x3F9F] =	sst s8  }
0x11: {  	[smem:$0x3FA0] =	sst s9;
	s0 =	simm.s32 @!p0 $0x0  }
0x12: {  	s1 =	sld [smem:$0x3F86];
	s0 =	simm.s32 @p0 $0x1  }
0x13: {  	[smem:$0x3FA1] =	sst s0;
	s0 =	simm.s32 @!p1 $0x0  }
0x14: {  	s2 =	sld [smem:$0x3F85];
	s0 =	simm.s32 @p1 $0x1  }
0x15: {  	[smem:$0x3FA2] =	sst s0;
	s0 =	simm.s32 @!p2 $0x0  }
0x16: {  	s3 =	sld [smem:$0x3FDB];
	s0 =	simm.s32 @p2 $0x1  }
0x17: {  	s4 =	simm.s32 $0x1BF5;
	[smem:$0x3FA4] =	sst s0  }
0x18: {  	s0 =	sld [smem:$0x3F87];
	_ =	swait.ge [sflag:s4], $0x0  }
0x19: {  	s7 =	sld [smem:$0x3F88]  }
0x1a: {  	s8 =	sadd.s32 $0xFFFFE003, lr  }
0x1b: {  	s9 =	sadd.s32 $0xFFFFFEF7, lr;
	s5 =	simm.s32 $0xFFFFFFFF;
	p2 =	slt.u32 s8, $0xFFFFF086  }
0x1c: {  	p1 =	slt.u32 s9, $0xF7A;
	s5 =	simm.s32 @!p2 $0x0  }
0x1d: {  	s5 =	simm.s32 @p1 $0x1;
	p0 =	seq.s32 s7, s2  }
0x1e: {  	s7 =	smul.u32 @!p0 $0xF7A, s2;
	p2 =	seq.s32 @!p0 s5, $0x0  }
0x1f: {  	s9 =	smul.u32 $0xF7A, s1;
	s8 =	simm.s32 @!p0 $0x1BF5;
	p2 =	por !p2, p0  }
0x20: {  	[sflag:s8] =	ssyncset.s32 @!p0 $0xFFFFF086;
	s6 =	sadd.s32 @!p0 s3, s7;
	s7 =	simm.s32 @!p0 $0x108  }
0x21: {  	s3 =	sadd.s32 s3, s9;
	s6 =	sadd.s32 @!p0 $0x88, s6;
	s7 =	simm.s32 @p2 $0x1082  }
0x22: {  	[simem:s7], [sflag:s8] =	dma.local @!p0 [hbm:s6], $0xF7A  }
0x23: {  	s9 =	sor.u32 $0xD0000000, s2;
	s6 =	simm.s32 $0x108;
	_ =	swait.ge @!p0 [sflag:s8], $0x0  }
0x24: {  	s3 =	sadd.s32 $0x88, s3;
	s6 =	simm.s32 @!p1 $0x1082;
	[sflag:s4] =	ssyncset.s32 $0xFFFFF086  }
0x25: {  	[simem:s6], [sflag:s4] =	dma.local [hbm:s3], $0xF7A  }
0x26: {  	[smem:$0x3F88] =	sst s1;
	(tag) =	ssettag s2;
	_ =	strace s9  }
0x27: {  	s1 =	sld [smem:$0x3F98]  }
0x28: {  	s2 =	sld [smem:$0x3F99]  }
0x29: {  	s4 =	sld [smem:$0x3F9B]  }
0x2a: {  	p0 =	seq.s32 s5, $0x0;
	s5 =	sld [smem:$0x3F9C]  }
0x2b: {  	s6 =	sld [smem:$0x3F9D]  }
0x2c: {  	s7 =	sld [smem:$0x3F9E]  }
0x2d: {  	s3 =	simm.s32 $0x108;
	s8 =	sld [smem:$0x3F9F]  }
0x2e: {  	s3 =	simm.s32 @!p0 $0x1082;
	s9 =	sld [smem:$0x3FA0]  }
0x2f: {  	lr =	sadd.s32 s0, s3;
	s0 =	sld [smem:$0x3F97]  }
0x30: {  	s3 =	sld [smem:$0x3F9A]  }
0x31: {  	[smem:$0x3FA3] =	sst s10  }
0x32: {  	s10 =	sld [smem:$0x3FA1];
	_ =	sdelay $0x3  }
0x33: {  	p0 =	seq.s32 s10, $0x1;
	s10 =	sld [smem:$0x3FA3];
	_ =	sdelay $0x3  }
0x34: {  	[smem:$0x3FA3] =	sst s10  }
0x35: {  	s10 =	sld [smem:$0x3FA2];
	_ =	sdelay $0x3  }
0x36: {  	p1 =	seq.s32 s10, $0x1;
	s10 =	sld [smem:$0x3FA3];
	_ =	sdelay $0x3  }
0x37: {  	[smem:$0x3FA3] =	sst s10  }
0x38: {  	s10 =	sld [smem:$0x3FA4]  }
0x39: {  	_ = 	snop;
	(pc) =	sbr.ind lr, $3  }
0x3a: {  	_ = 	snop  }
0x3b: {  	_ = 	snop  }
0x3c: {  	p2 =	seq.s32 s10, $0x1;
	s10 =	sld [smem:$0x3FA3]  }
0x3d: {  	_ =	shalt  }
0x3e: {  	_ =	shalt  }
0x3f: {  	_ =	shalt  }
0x40: {  	_ =	shalt  }
0x41: {  	_ =	shalt  }
0x42: {  	_ =	shalt  }
0x43: {  	_ =	shalt  }
0x44: {  	_ =	shalt  }
0x45: {  	_ =	shalt  }
0x46: {  	_ =	shalt  }
0x47: {  	_ =	shalt  }
0x48: {  	_ =	shalt  }
0x49: {  	_ =	shalt  }
0x4a: {  	_ =	shalt  }
0x4b: {  	_ =	shalt  }
0x4c: {  	_ =	shalt  }
0x4d: {  	_ =	shalt  }
0x4e: {  	_ =	shalt  }
0x4f: {  	_ =	shalt  }
0x50: {  	_ =	shalt  }
0x51: {  	_ =	shalt  }
0x52: {  	_ =	shalt  }
0x53: {  	_ =	shalt  }
0x54: {  	_ =	shalt  }
0x55: {  	_ =	shalt  }
0x56: {  	_ =	shalt  }
0x57: {  	_ =	shalt  }
0x58: {  	_ =	shalt  }
0x59: {  	_ =	shalt  }
0x5a: {  	_ =	shalt  }
0x5b: {  	_ =	shalt  }
0x5c: {  	_ =	shalt  }
0x5d: {  	_ =	shalt  }
0x5e: {  	_ =	shalt  }
0x5f: {  	_ =	shalt  }
0x60: {  	_ =	shalt  }
0x61: {  	_ =	shalt  }
0x62: {  	_ =	shalt  }
0x63: {  	_ =	shalt  }
0x64: {  	_ =	shalt  }
0x65: {  	_ =	shalt  }
0x66: {  	_ =	shalt  }
0x67: {  	_ =	shalt  }
0x68: {  	_ =	shalt  }
0x69: {  	_ =	shalt  }
0x6a: {  	_ =	shalt  }
0x6b: {  	_ =	shalt  }
0x6c: {  	_ =	shalt  }
0x6d: {  	_ =	shalt  }
0x6e: {  	_ =	shalt  }
0x6f: {  	_ =	shalt  }
0x70: {  	_ =	shalt  }
0x71: {  	_ =	shalt  }
0x72: {  	_ =	shalt  }
0x73: {  	_ =	shalt  }
0x74: {  	_ =	shalt  }
0x75: {  	_ =	shalt  }
0x76: {  	_ =	shalt  }
0x77: {  	_ =	shalt  }
0x78: {  	_ =	shalt  }
0x79: {  	_ =	shalt  }
0x7a: {  	_ =	shalt  }
0x7b: {  	_ =	shalt  }
0x7c: {  	_ =	shalt  }
0x7d: {  	_ =	shalt  }
0x7e: {  	_ =	shalt  }
0x7f: {  	_ =	shalt  }
0x80: {  	_ =	shalt  }
0x81: {  	_ =	shalt  }
0x82: {  	_ =	shalt  }
0x83: {  	_ =	shalt  }
0x84: {  	_ =	shalt  }
0x85: {  	_ =	shalt  }
0x86: {  	_ =	shalt  }
0x87: {  	_ =	shalt  }
.Lfunc_end0:
.L_simem_size_0:
called_computation.1_lowered:
.L_overlay_start_0:
0x88: {  	s2 =	sld [smem:$0x3FD9]  }
0x89: {  	s3 =	sld [smem:$0x3FFE];
	_ =	sdelay $0x1  }
0x8a: {  	s1 =	srdreg.scid  }
0x8b: {  	s0 =	sand.u32 $0x1, s1  }
0x8c: {  	s15 =	sshll.u32 s0, $0xA;
	s2 =	sadd.s32 s3, s2  }
0x8d: {  	s2 =	sadd.s32 s2, s15  }
0x8e: {  	[smem:$0x3FAF] =	sst s2  }
0x8f: {  	_ = 	snop  }
0x90: {  	s2 =	sld [smem:$0x3FD0];
	_ =	sdelay $0x2  }
0x91: {  	s16 =	simm.s32 $0xB;
	s4 =	simm.s32 $0x10  }
0x92: {  	[smem:s4], [sflag:s16] =	dma.local [hbm:s2], $0x1  }
0x93: {  	_ =	swait.eq [sflag:s16], $0x1  }
0x94: {  	[sflag:s16] =	ssyncset.done $0x0  }
0x95: {  	[sflag:s16] =	ssyncadd.s32 $0xFFFFFFFF  }
0x96: {  	s17 =	sld [smem:$0x10];
	(tm) =	ssettm $0x1  }
0x97: {  	s18 =	sld [smem:$0x3FFB];
	_ =	sdelay $0x3  }
0x98: {  	_ =	strace s18  }
0x99: {  	s2 =	sld [smem:$0x3FFC];
	_ =	sdelay $0x3  }
0x9a: {  	_ =	strace s2  }
0x9b: {  	s2 =	sld [smem:$0x3FFD];
	_ =	sdelay $0x3  }
0x9c: {  	_ =	strace s2  }
0x9d: {  	_ =	strace $0x8FFFFFFF  }
0x9e: {  	s19 =	sld [smem:$0x3FDB];
	_ =	sdelay $0x1  }
0x9f: {  	s20 =	simm.s32 $_scs_section_size  }
0xa0: {  	s5 =	simm.s32 $_size__tile_overlayer_lowered;
	s6 =	simm.s32 $_tile_overlayer_lowered  }
0xa1: {  	s7 =	simm.s32 $0x1BFF;
	s21 =	sshll.u32 s6, $0x1;
	s4 =	sadd.s32 s20, s19  }
0xa2: {  	s22 =	simm.s32 $0x0;
	s5 =	sshll.u32 s5, $0x1;
	s6 =	sadd.s32 s21, s4  }
0xa3: {  	[timem:s22], [sflag:s7] =	dma.local [hbm:s6], s5  }
0xa4: {  	_ =	swait.ge [sflag:s7], s5  }
0xa5: {  	s5 =	ssub.s32 $0x0, s5;
	[sflag:s7] =	ssyncset.done $0x0  }
0xa6: {  	[sflag:s7] =	ssyncadd.s32 s5;
	_ =	sdelay $0x1  }
0xa7: {  	s23 =	simm.s32 $0x1B8B  }
0xa8: {  	_ =	swait.ge [sflag:s23], $0x1  }
0xa9: {  	[sflag:s23] =	ssyncset.done $0x0  }
0xaa: {  	[sflag:s23] =	ssyncadd.s32 $0xFFFFFFFF  }
0xab: {  	s5 =	sld [smem:$0x0]  }
0xac: {  	s6 =	sand.u32 $0xFFFFFFFE, s1  }
0xad: {  	p0 =	sne.s32 s1, s6  }
0xae: {  	s6 =	sshll.u32 @p0 s6, $0xE  }
0xaf: {  	s6 =	sadd.s32 @p0 $0x11B8D, s6;
	s7 =	sshll.u32 @p0 s5, $0x11  }
0xb0: {  	s6 =	sor.u32 @p0 s7, s6  }
0xb1: {  	[sflag:s6] =	ssyncadd.remote.s32 @p0 $0x1;
	_ =	sdelay $0x1  }
0xb2: {  	s6 =	simm.s32 @p0 $0x1B8D  }
0xb3: {  	_ =	swait.eq @p0 [sflag:s6], $0x1  }
0xb4: {  	[sflag:s6] =	ssyncadd.s32 @p0 $0xFFFFFFFF  }
0xb5: {  	s7 =	sshll.u32 @!p0 s1, $0xE  }
0xb6: {  	s7 =	sor.u32 @!p0 $0x4000, s7;
	s6 =	simm.s32 @!p0 $0x1B8D  }
0xb7: {  	s5 =	sshll.u32 @!p0 s5, $0x11;
	s7 =	sadd.s32 @!p0 $0x11B8D, s7;
	_ =	swait.eq @!p0 [sflag:s6], $0x1  }
0xb8: {  	s5 =	sor.u32 @!p0 s5, s7;
	[sflag:s6] =	ssyncadd.s32 @!p0 $0xFFFFFFFF  }
0xb9: {  	s25 =	simm.s32 $0x1B8E;
	s24 =	sld [smem:$0x3FFE];
	[sflag:s5] =	ssyncadd.remote.s32 @!p0 $0x1  }
0xba: {  	s26 =	simm.s32 $execute0_lowered;
	[smem:$0x3FD2] =	sst s25  }
0xbb: {  	s6 =	sshll.u32 s26, $0x1;
	_ =	strace $0x80000049;
	[dreg:$0x1] =	wrdreg $0xFFFFFFFF  }
0xbc: {  	s28 =	simm.s32 $_size_execute0_lowered;
	s4 =	sadd.s32 s4, s6;
	[dreg:$0x0] =	wrdreg $0x0  }
0xbd: {  	s6 =	sshll.u32 s28, $0x1;
	[dreg:$0x2] =	wrdreg s4  }
0xbe: {  	[dreg:$0x3] =	wrdreg s6  }
0xbf: {  	[dreg:$0x4] =	wrdreg $0xC0  }
0xc0: {  	_ =	task [dreg:s22], $0x5FFFF  }
0xc1: {  	[dreg:$0x1] =	wrdreg $0xFFFFFFFF  }
0xc2: {  	[dreg:$0x0] =	wrdreg $0x60  }
0xc3: {  	[dreg:$0x2] =	wrdreg s24  }
0xc4: {  	[dreg:$0x3] =	wrdreg s17  }
0xc5: {  	[dreg:$0x4] =	wrdreg $0xC000  }
0xc6: {  	[dreg:$0x5] =	wrdreg $0x9  }
0xc7: {  	_ =	task.clear_ibuf [dreg:s22], $0x6FFFF;
	_ =	strace $0x90000049  }
0xc8: {  	s29 =	simm.s32 $0x9;
	_ =	strace $0x8000004B  }
0xc9: {  	_ =	swait.ge [sflag:s29], $0x1  }
0xca: {  	[sflag:s29] =	ssyncadd.s32 $0xFFFFFFFF  }
0xcb: {  	_ =	strace $0x9000004B  }
0xcc: {  	_ =	sfence  }
0xcd: {  	s30 =	sld [smem:$0x0];
	_ =	sdelay $0x2  }
0xce: {  	s31 =	sshll.u32 s1, $0xD;
	s1 =	sshrl.u32 s1, $0x2  }
0xcf: {  	s4 =	sand.u32 $0x4000, s31;
	s1 =	sadd.s32 s1, s30  }
0xd0: {  	s0 =	sor.u32 s4, s0;
	s1 =	sshll.u32 s1, $0x11  }
0xd1: {  	s0 =	sor.u32 s1, s0  }
0xd2: {  	s0 =	sadd.s32 $0x8F2B, s0  }
0xd3: {  	[sflag:s0] =	ssyncadd.remote.s32 $0x1  }
0xd4: {  	_ =	sfence.sel $0xFFFF  }
0xd5: {  	[dreg:$0x0] =	wrdreg $0xFFFFFFFF;
	(pc) =	sbr.abs _section_cstart, $3  }
0xd6: {  	[dreg:$0x1] =	wrdreg $0xFFFFFFFF  }
0xd7: {  	_ =	task.clear_ibuf [dreg:s22], $0x2FFFF;
	_ =	strace $0x9FFFFFFF  }
0xd8: {  	(tm) =	ssettm $0x7FFFFFFF  }
0xd9: {  	_ =	shalt  }
tec
execute0_lowered:
.L_overlay_start_1:
0x0: {  	(tag) =	ssettag $0x1  }
0x1: {  	s5 =	rddreg [dreg:$0x0]  }
0x2: {  	s6 =	rddreg [dreg:$0x1]  }
0x3: {  	s2 =	rddreg [dreg:$0x2]  }
0x4: {  	s0 =	rddreg [dreg:$0x3]  }
0x5: {  	s3 =	simm.s32 $0x0;
	s1 =	stileid.u32;
	s7 =	srdreg.scid  }
0x6: {  	s18 =	simm.s32 $0x18480;
	s19 =	simm.s32 $0x1;
	s4 =	smul.u32 $0x2800, s1  }
0x7: {  	s20 =	simm.s32 $0x2;
	s21 =	simm.s32 $0x3;
	s10 =	smul.u32 $0x50000, s1  }
0x8: {  	s22 =	simm.s32 $0x4;
	s23 =	simm.s32 $0x0;
	s16 =	smul.u32 $0x14000, s1  }
0x9: {  	[smem:$0x7FF] =	sst s3;
	s9 =	sand.u32 $0x1, s7;
	s28 =	smul.u32 $0xA0000, s1  }
0xa: {  	s24 =	sshll.u32 s1, $0x1;
	s11 =	sadd.s32 $0x16B000, s5;
	s30 =	smul.u32 $0x50000, s9  }
0xb: {  	s15 =	sadd.s32 $0x12C000, s2;
	s7 =	sor.u32 s9, s24;
	s17 =	smul.u32 $0xA000, s9  }
0xc: {  	p0 =	seq.s32 s1, $0xF;
	_ =	strace $0x8000004A;
	s13 =	smul.u32 $0x180, s7  }
0xd: {  	s8 =	ssub.s32 $0x2, s9;
	s4 =	sadd.s32 s4, s5;
	s25 =	smul.u32 $0x50000, s7  }
0xe: {  	s12 =	sshrl.u32 s8, $0x1;
	s10 =	sshrl.u32 s10, $0x2;
	s26 =	smul.u32 $0xA000, s7  }
0xf: {  	s5 =	sadd.s32 $0x29600, s5;
	s31 =	sadd.s32 s16, s11;
	s16 =	simm.s32 $0x80  }
0x10: {  	s8 =	ssub.s32 s8, s12;
	s14 =	sadd.s32 s10, s2;
	s4 =	sadd.s32 $0x3E00, s4  }
0x11: {  	s6 =	sadd.s32 s6, s13;
	s12 =	sshrl.u32 s25, $0x3;
	s7 =	smax.u32 s8, $0x1  }
0x12: {  	s10 =	sadd.s32 s26, s11;
	s13 =	sshll.u32 @!p0 s1, $0x6;
	s14 =	sshrl.u32 @!p0 s14, $0x3  }
0x13: {  	s29 =	sadd.s32 s11, s12;
	s9 =	sadd.s32 $0x9800, s10;
	s12 =	sadd.s32 s30, s28  }
0x14: {  	s10 =	sadd.s32 s17, s31;
	s13 =	sor.u32 @!p0 $0x1C05, s13;
	s17 =	simm.s32 $0x14480  }
0x15: {  	s8 =	sadd.s32 $0x9000, s29;
	s12 =	sshrl.u32 s12, $0x3;
	s10 =	sadd.s32 $0x800, s10  }
0x16: {  	s11 =	sadd.s32 s12, s11;
	s12 =	sshrl.u32 @p0 s15, $0x3;
	s15 =	simm.s32 $0x5  }
.LBB2_1:
0x17: {  	s24 =	simm.s32 @p0 $0x1FC5  }
0x18: {  	[spmem:s12], [sflag:s24] =	dma.local @p0 [hbm:s5], $0x1900  }
0x19: {  	s24 =	simm.s32 @p0 $0x5  }
0x1a: {  	_ =	swait.ge @p0 [sflag:s24], $0x1900  }
0x1b: {  	[sflag:s24] =	ssyncset.done @p0 $0x0  }
0x1c: {  	[sflag:s24] =	ssyncadd.s32 @p0 $0xFFFFE700;
	s24 =	simm.s32 @!p0 $0x5  }
0x1d: {  	[spmem:s14], [sflag:s13] =	dma.local @!p0 [hbm:s4], $0x2800  }
0x1e: {  	_ =	swait.ge @!p0 [sflag:s24], $0x2800  }
0x1f: {  	[sflag:s24] =	ssyncset.done @!p0 $0x0  }
0x20: {  	[sflag:s24] =	ssyncadd.s32 @!p0 $0xFFFFD800  }
0x21: {  	[tilespmem:s3], [sflag:$0x5] =	stream.linear.gather [hbm4b:s6+s3], $0xA00, $0x38;
	[tilespmem:$0x1C480] =	vst v63  }
0x22: {  	_ =	swait.ge [sflag:s15], $0xA00  }
0x23: {  	[sflag:s15] =	ssyncset.done $0x0  }
0x24: {  	[sflag:s15] =	ssyncadd.s32 $0xFFFFF600  }
0x25: {  	[bflag:$0x0] =	sbarrier.arrive $0xFFFF  }
0x26: {  	[tilespmem:s17], [sflag:$0x1] =	stream.indirect.gather [spmem:s2], $0x80, s3, s16, $0xb8;
	[tilespmem:$0x1C480] =	vst v63  }
0x27: {  	_ = 	snop  }
0x28: {  	[tilespmem:s18], [sflag:$0x2] =	stream.indirect.gather [spmem:s2], $0x80, s16, s16, $0xb8;
	[tilespmem:$0x1C480] =	vst v63  }
0x29: {  	_ =	swait.ge [sflag:s19], $0x4000  }
0x2a: {  	[sflag:s19] =	ssyncset.done $0x0  }
0x2b: {  	s29 =	sadd.s32 $0x0, s11;
	[sflag:s19] =	ssyncadd.s32 $0xFFFFC000  }
0x2c: {  	[hbm4b:s29+s3] =	stream.linear.scatter [tilespmem:s17], [sflag:$0x3], $0x4000, $0x38;
	[tilespmem:$0x1C480] =	vst v63  }
0x2d: {  	_ =	swait.ge [sflag:s20], $0x4000  }
0x2e: {  	[sflag:s20] =	ssyncset.done $0x0  }
0x2f: {  	s30 =	sadd.s32 $0x0, s10;
	[sflag:s20] =	ssyncadd.s32 $0xFFFFC000  }
0x30: {  	[hbm4b:s30+s3] =	stream.linear.scatter [tilespmem:s18], [sflag:$0x4], $0x4000, $0x38;
	[tilespmem:$0x1C480] =	vst v63  }
0x31: {  	_ =	swait.ge [sflag:s21], $0x4000  }
0x32: {  	[sflag:s21] =	ssyncset.done $0x0  }
0x33: {  	s31 =	simm.s32 $0x100;
	[sflag:s21] =	ssyncadd.s32 $0xFFFFC000  }
0x34: {  	[tilespmem:s17], [sflag:$0x1] =	stream.indirect.gather [spmem:s2], $0x80, s31, s16, $0xb8;
	[tilespmem:$0x1C480] =	vst v63  }
0x35: {  	_ =	swait.ge [sflag:s22], $0x4000  }
0x36: {  	s25 =	simm.s32 $0x1000;
	[sflag:s22] =	ssyncset.done $0x0  }
0x37: {  	s26 =	simm.s32 $0x280;
	s24 =	simm.s32 $0x180;
	[sflag:s22] =	ssyncadd.s32 $0xFFFFC000  }
.LBB2_2:
0x38: {  	[tilespmem:s18], [sflag:$0x2] =	stream.indirect.gather [spmem:s2], $0x80, s24, s16, $0xb8;
	[tilespmem:$0x1C480] =	vst v63  }
0x39: {  	s28 =	smov.u32 s25;
	s24 =	smov.u32 s26  }
0x3a: {  	p1 =	sne.s32 s25, $0x8000;
	s25 =	sadd.s32 $0x1000, s25;
	_ =	swait.ge [sflag:s19], $0x4000  }
0x3b: {  	[sflag:s19] =	ssyncset.done $0x0  }
0x3c: {  	s29 =	sadd.s32 s28, s11;
	[sflag:s19] =	ssyncadd.s32 $0xFFFFC000  }
0x3d: {  	[hbm4b:s29+s3] =	stream.linear.scatter [tilespmem:s17], [sflag:$0x3], $0x4000, $0x38;
	[tilespmem:$0x1C480] =	vst v63  }
0x3e: {  	_ =	swait.ge [sflag:s20], $0x4000  }
0x3f: {  	[sflag:s20] =	ssyncset.done $0x0  }
0x40: {  	s28 =	sadd.s32 s28, s10;
	[sflag:s20] =	ssyncadd.s32 $0xFFFFC000  }
0x41: {  	[hbm4b:s28+s3] =	stream.linear.scatter [tilespmem:s18], [sflag:$0x4], $0x4000, $0x38;
	[tilespmem:$0x1C480] =	vst v63  }
0x42: {  	_ =	swait.ge [sflag:s21], $0x4000  }
0x43: {  	[sflag:s21] =	ssyncset.done $0x0  }
.Ltmp0:
0x44: {  	s28 =	sadd.s32 $0xFFFFFF80, s26;
	[sflag:s21] =	ssyncadd.s32 $0xFFFFC000;
	(pc) =	sbr.rel @p1 .LBB2_2-.Ltmp0, $4  }
0x45: {  	[tilespmem:s17], [sflag:$0x1] =	stream.indirect.gather [spmem:s2], $0x80, s28, s16, $0xb8;
	[tilespmem:$0x1C480] =	vst v63  }
0x46: {  	_ =	swait.ge [sflag:s22], $0x4000  }
0x47: {  	[sflag:s22] =	ssyncset.done $0x0  }
0x48: {  	s26 =	sadd.s32 $0x100, s26;
	[sflag:s22] =	ssyncadd.s32 $0xFFFFC000  }
0x49: {  	[tilespmem:s18], [sflag:$0x2] =	stream.indirect.gather [spmem:s2], $0x80, s24, s16, $0xb8;
	[tilespmem:$0x1C480] =	vst v63  }
0x4a: {  	_ =	swait.ge [sflag:s19], $0x4000  }
0x4b: {  	[sflag:s19] =	ssyncset.done $0x0  }
0x4c: {  	[sflag:s19] =	ssyncadd.s32 $0xFFFFC000  }
0x4d: {  	[hbm4b:s8+s3] =	stream.linear.scatter [tilespmem:s17], [sflag:$0x3], $0x4000, $0x38;
	[tilespmem:$0x1C480] =	vst v63  }
0x4e: {  	_ =	swait.ge [sflag:s20], $0x4000  }
0x4f: {  	[sflag:s20] =	ssyncset.done $0x0  }
0x50: {  	s23 =	sadd.s32 $0x1, s23;
	[sflag:s20] =	ssyncadd.s32 $0xFFFFC000  }
0x51: {  	[hbm4b:s9+s3] =	stream.linear.scatter [tilespmem:s18], [sflag:$0x4], $0x4000, $0x38;
	[tilespmem:$0x1C480] =	vst v63  }
0x52: {  	p1 =	sne.s32 s23, s7;
	_ =	swait.ge [sflag:s21], $0x4000  }
.Ltmp1:
0x53: {  	[sflag:s21] =	ssyncset.done $0x0;
	(pc) =	sbr.rel @p1 .LBB2_1-.Ltmp1, $4  }
0x54: {  	[sflag:s21] =	ssyncadd.s32 $0xFFFFC000  }
0x55: {  	_ =	swait.ge [sflag:s22], $0x4000  }
0x56: {  	[sflag:s22] =	ssyncset.done $0x0  }
0x57: {  	[sflag:s22] =	ssyncadd.s32 $0xFFFFC000  }
0x58: {  	_ =	sfence.sel $0x180000  }
0x59: {  	[bflag:$0x0] =	sbarrier.arrive $0xFFFF  }
0x5a: {  	p0 =	sne.s32 s1, $0x0;
	_ =	strace $0x9000004A  }
0x5b: {  	s0 =	sadd.s32 @!p0 $0x100000, s0;
	[bflag:$0x2] =	sbarrier.arrive $0xFFFF  }
0x5c: {  	[sflag:s0] =	ssyncadd.tile.s32 @!p0 $0x1;
	_ =	shalt  }
.Lfunc_end2:
_tile_overlayer_lowered:
.L_overlay_start_2:
0x5d: {  	(tag) =	ssettag $0x2  }
0x5e: {  	s0 =	rddreg [dreg:$0x0];
	s2 =	stileid.u32  }
0x5f: {  	s1 =	rddreg [dreg:$0x1];
	p0 =	sne.s32 s2, $0x0  }
0x60: {  	s3 =	rddreg [dreg:$0x2];
	[bflag:$0x3] =	sbarrier.arrive $0xFFFF;
	s2 =	simm.s32 @!p0 $0x1C05  }
0x61: {  	[timem:s3], [sflag:s2] =	dma.local @!p0 [hbm:s0], s1  }
0x62: {  	s0 =	simm.s32 @!p0 $0x5  }
0x63: {  	_ =	swait.ge @!p0 [sflag:s0], s1  }
0x64: {  	s1 =	ssub.s32 @!p0 $0x0, s1;
	[sflag:s0] =	ssyncset.done @!p0 $0x0  }
0x65: {  	[sflag:s0] =	ssyncadd.s32 @!p0 s1  }
0x66: {  	[bflag:$0x3] =	sbarrier.arrive $0xFFFF  }
0x67: {  	_ =	shalt  }

// kernel: kernel.16.cloned.1.call-start
scs
__scs_entry_jumppad:
0x0: {  	(pc) =	sbr.rel $0x88, $3  }
0x1: {  	(tag) =	ssettag $0x0;
	lr =	simm.s32 $0x1  }
0x2: {  	[smem:$0x3F88] =	sst lr;
	_ =	strace $0xD0000000  }
0x3: {  	_ = 	snop  }
0x4: {  	_ = 	snop  }
0x5: {  	_ = 	snop  }
0x6: {  	_ = 	snop  }
0x7: {  	_ = 	snop  }
__scs_overlays_trampoline_lowered:
0x8: {  	[smem:$0x3F97] =	sst s0  }
0x9: {  	[smem:$0x3F98] =	sst s1  }
0xa: {  	[smem:$0x3F99] =	sst s2  }
0xb: {  	[smem:$0x3F9A] =	sst s3  }
0xc: {  	[smem:$0x3F9B] =	sst s4  }
0xd: {  	[smem:$0x3F9C] =	sst s5  }
0xe: {  	[smem:$0x3F9D] =	sst s6  }
0xf: {  	[smem:$0x3F9E] =	sst s7  }
0x10: {  	[smem:$0x3F9F] =	sst s8  }
0x11: {  	[smem:$0x3FA0] =	sst s9;
	s0 =	simm.s32 @!p0 $0x0  }
0x12: {  	s1 =	sld [smem:$0x3F86];
	s0 =	simm.s32 @p0 $0x1  }
0x13: {  	[smem:$0x3FA1] =	sst s0;
	s0 =	simm.s32 @!p1 $0x0  }
0x14: {  	s2 =	sld [smem:$0x3F85];
	s0 =	simm.s32 @p1 $0x1  }
0x15: {  	[smem:$0x3FA2] =	sst s0;
	s0 =	simm.s32 @!p2 $0x0  }
0x16: {  	s3 =	sld [smem:$0x3FDB];
	s0 =	simm.s32 @p2 $0x1  }
0x17: {  	s4 =	simm.s32 $0x1BF5;
	[smem:$0x3FA4] =	sst s0  }
0x18: {  	s0 =	sld [smem:$0x3F87];
	_ =	swait.ge [sflag:s4], $0x0  }
0x19: {  	s7 =	sld [smem:$0x3F88]  }
0x1a: {  	s8 =	sadd.s32 $0xFFFFE003, lr  }
0x1b: {  	s9 =	sadd.s32 $0xFFFFFEF7, lr;
	s5 =	simm.s32 $0xFFFFFFFF;
	p2 =	slt.u32 s8, $0xFFFFF086  }
0x1c: {  	p1 =	slt.u32 s9, $0xF7A;
	s5 =	simm.s32 @!p2 $0x0  }
0x1d: {  	s5 =	simm.s32 @p1 $0x1;
	p0 =	seq.s32 s7, s2  }
0x1e: {  	s7 =	smul.u32 @!p0 $0xF7A, s2;
	p2 =	seq.s32 @!p0 s5, $0x0  }
0x1f: {  	s9 =	smul.u32 $0xF7A, s1;
	s8 =	simm.s32 @!p0 $0x1BF5;
	p2 =	por !p2, p0  }
0x20: {  	[sflag:s8] =	ssyncset.s32 @!p0 $0xFFFFF086;
	s6 =	sadd.s32 @!p0 s3, s7;
	s7 =	simm.s32 @!p0 $0x108  }
0x21: {  	s3 =	sadd.s32 s3, s9;
	s6 =	sadd.s32 @!p0 $0x88, s6;
	s7 =	simm.s32 @p2 $0x1082  }
0x22: {  	[simem:s7], [sflag:s8] =	dma.local @!p0 [hbm:s6], $0xF7A  }
0x23: {  	s9 =	sor.u32 $0xD0000000, s2;
	s6 =	simm.s32 $0x108;
	_ =	swait.ge @!p0 [sflag:s8], $0x0  }
0x24: {  	s3 =	sadd.s32 $0x88, s3;
	s6 =	simm.s32 @!p1 $0x1082;
	[sflag:s4] =	ssyncset.s32 $0xFFFFF086  }
0x25: {  	[simem:s6], [sflag:s4] =	dma.local [hbm:s3], $0xF7A  }
0x26: {  	[smem:$0x3F88] =	sst s1;
	(tag) =	ssettag s2;
	_ =	strace s9  }
0x27: {  	s1 =	sld [smem:$0x3F98]  }
0x28: {  	s2 =	sld [smem:$0x3F99]  }
0x29: {  	s4 =	sld [smem:$0x3F9B]  }
0x2a: {  	p0 =	seq.s32 s5, $0x0;
	s5 =	sld [smem:$0x3F9C]  }
0x2b: {  	s6 =	sld [smem:$0x3F9D]  }
0x2c: {  	s7 =	sld [smem:$0x3F9E]  }
0x2d: {  	s3 =	simm.s32 $0x108;
	s8 =	sld [smem:$0x3F9F]  }
0x2e: {  	s3 =	simm.s32 @!p0 $0x1082;
	s9 =	sld [smem:$0x3FA0]  }
0x2f: {  	lr =	sadd.s32 s0, s3;
	s0 =	sld [smem:$0x3F97]  }
0x30: {  	s3 =	sld [smem:$0x3F9A]  }
0x31: {  	[smem:$0x3FA3] =	sst s10  }
0x32: {  	s10 =	sld [smem:$0x3FA1];
	_ =	sdelay $0x3  }
0x33: {  	p0 =	seq.s32 s10, $0x1;
	s10 =	sld [smem:$0x3FA3];
	_ =	sdelay $0x3  }
0x34: {  	[smem:$0x3FA3] =	sst s10  }
0x35: {  	s10 =	sld [smem:$0x3FA2];
	_ =	sdelay $0x3  }
0x36: {  	p1 =	seq.s32 s10, $0x1;
	s10 =	sld [smem:$0x3FA3];
	_ =	sdelay $0x3  }
0x37: {  	[smem:$0x3FA3] =	sst s10  }
0x38: {  	s10 =	sld [smem:$0x3FA4]  }
0x39: {  	_ = 	snop;
	(pc) =	sbr.ind lr, $3  }
0x3a: {  	_ = 	snop  }
0x3b: {  	_ = 	snop  }
0x3c: {  	p2 =	seq.s32 s10, $0x1;
	s10 =	sld [smem:$0x3FA3]  }
0x3d: {  	_ =	shalt  }
0x3e: {  	_ =	shalt  }
0x3f: {  	_ =	shalt  }
0x40: {  	_ =	shalt  }
0x41: {  	_ =	shalt  }
0x42: {  	_ =	shalt  }
0x43: {  	_ =	shalt  }
0x44: {  	_ =	shalt  }
0x45: {  	_ =	shalt  }
0x46: {  	_ =	shalt  }
0x47: {  	_ =	shalt  }
0x48: {  	_ =	shalt  }
0x49: {  	_ =	shalt  }
0x4a: {  	_ =	shalt  }
0x4b: {  	_ =	shalt  }
0x4c: {  	_ =	shalt  }
0x4d: {  	_ =	shalt  }
0x4e: {  	_ =	shalt  }
0x4f: {  	_ =	shalt  }
0x50: {  	_ =	shalt  }
0x51: {  	_ =	shalt  }
0x52: {  	_ =	shalt  }
0x53: {  	_ =	shalt  }
0x54: {  	_ =	shalt  }
0x55: {  	_ =	shalt  }
0x56: {  	_ =	shalt  }
0x57: {  	_ =	shalt  }
0x58: {  	_ =	shalt  }
0x59: {  	_ =	shalt  }
0x5a: {  	_ =	shalt  }
0x5b: {  	_ =	shalt  }
0x5c: {  	_ =	shalt  }
0x5d: {  	_ =	shalt  }
0x5e: {  	_ =	shalt  }
0x5f: {  	_ =	shalt  }
0x60: {  	_ =	shalt  }
0x61: {  	_ =	shalt  }
0x62: {  	_ =	shalt  }
0x63: {  	_ =	shalt  }
0x64: {  	_ =	shalt  }
0x65: {  	_ =	shalt  }
0x66: {  	_ =	shalt  }
0x67: {  	_ =	shalt  }
0x68: {  	_ =	shalt  }
0x69: {  	_ =	shalt  }
0x6a: {  	_ =	shalt  }
0x6b: {  	_ =	shalt  }
0x6c: {  	_ =	shalt  }
0x6d: {  	_ =	shalt  }
0x6e: {  	_ =	shalt  }
0x6f: {  	_ =	shalt  }
0x70: {  	_ =	shalt  }
0x71: {  	_ =	shalt  }
0x72: {  	_ =	shalt  }
0x73: {  	_ =	shalt  }
0x74: {  	_ =	shalt  }
0x75: {  	_ =	shalt  }
0x76: {  	_ =	shalt  }
0x77: {  	_ =	shalt  }
0x78: {  	_ =	shalt  }
0x79: {  	_ =	shalt  }
0x7a: {  	_ =	shalt  }
0x7b: {  	_ =	shalt  }
0x7c: {  	_ =	shalt  }
0x7d: {  	_ =	shalt  }
0x7e: {  	_ =	shalt  }
0x7f: {  	_ =	shalt  }
0x80: {  	_ =	shalt  }
0x81: {  	_ =	shalt  }
0x82: {  	_ =	shalt  }
0x83: {  	_ =	shalt  }
0x84: {  	_ =	shalt  }
0x85: {  	_ =	shalt  }
0x86: {  	_ =	shalt  }
0x87: {  	_ =	shalt  }
.Lfunc_end0:
.L_simem_size_0:
called_computation.2_lowered:
.L_overlay_start_0:
0x88: {  	s2 =	sld [smem:$0x3FD9]  }
0x89: {  	s3 =	sld [smem:$0x3FFE];
	_ =	sdelay $0x1  }
0x8a: {  	s1 =	srdreg.scid  }
0x8b: {  	s0 =	sand.u32 $0x1, s1  }
0x8c: {  	s15 =	sshll.u32 s0, $0xA;
	s2 =	sadd.s32 s3, s2  }
0x8d: {  	s2 =	sadd.s32 s2, s15  }
0x8e: {  	[smem:$0x3FAF] =	sst s2  }
0x8f: {  	_ = 	snop  }
0x90: {  	s2 =	sld [smem:$0x3FD0];
	_ =	sdelay $0x2  }
0x91: {  	s16 =	simm.s32 $0xB;
	s4 =	simm.s32 $0x10  }
0x92: {  	[smem:s4], [sflag:s16] =	dma.local [hbm:s2], $0x1  }
0x93: {  	_ =	swait.eq [sflag:s16], $0x1  }
0x94: {  	[sflag:s16] =	ssyncset.done $0x0  }
0x95: {  	[sflag:s16] =	ssyncadd.s32 $0xFFFFFFFF  }
0x96: {  	s17 =	sld [smem:$0x13];
	(tm) =	ssettm $0x1  }
0x97: {  	s18 =	sld [smem:$0x3FFB];
	_ =	sdelay $0x3  }
0x98: {  	_ =	strace s18  }
0x99: {  	s2 =	sld [smem:$0x3FFC];
	_ =	sdelay $0x3  }
0x9a: {  	_ =	strace s2  }
0x9b: {  	s2 =	sld [smem:$0x3FFD];
	_ =	sdelay $0x3  }
0x9c: {  	_ =	strace s2  }
0x9d: {  	_ =	strace $0x8FFFFFFF  }
0x9e: {  	s19 =	sld [smem:$0x3FDB];
	_ =	sdelay $0x1  }
0x9f: {  	s20 =	simm.s32 $_scs_section_size  }
0xa0: {  	s5 =	simm.s32 $_size__tile_overlayer_lowered;
	s6 =	simm.s32 $_tile_overlayer_lowered  }
0xa1: {  	s7 =	simm.s32 $0x1BFF;
	s21 =	sshll.u32 s6, $0x1;
	s4 =	sadd.s32 s20, s19  }
0xa2: {  	s22 =	simm.s32 $0x0;
	s5 =	sshll.u32 s5, $0x1;
	s6 =	sadd.s32 s21, s4  }
0xa3: {  	[timem:s22], [sflag:s7] =	dma.local [hbm:s6], s5  }
0xa4: {  	_ =	swait.ge [sflag:s7], s5  }
0xa5: {  	s5 =	ssub.s32 $0x0, s5;
	[sflag:s7] =	ssyncset.done $0x0  }
0xa6: {  	[sflag:s7] =	ssyncadd.s32 s5;
	_ =	sdelay $0x1  }
0xa7: {  	s23 =	simm.s32 $0x1B8B  }
0xa8: {  	_ =	swait.ge [sflag:s23], $0x1  }
0xa9: {  	[sflag:s23] =	ssyncset.done $0x0  }
0xaa: {  	[sflag:s23] =	ssyncadd.s32 $0xFFFFFFFF  }
0xab: {  	s5 =	sld [smem:$0x0]  }
0xac: {  	s6 =	sand.u32 $0xFFFFFFFE, s1  }
0xad: {  	p0 =	sne.s32 s1, s6  }
0xae: {  	s6 =	sshll.u32 @p0 s6, $0xE  }
0xaf: {  	s6 =	sadd.s32 @p0 $0x11B8D, s6;
	s7 =	sshll.u32 @p0 s5, $0x11  }
0xb0: {  	s6 =	sor.u32 @p0 s7, s6  }
0xb1: {  	[sflag:s6] =	ssyncadd.remote.s32 @p0 $0x1;
	_ =	sdelay $0x1  }
0xb2: {  	s6 =	simm.s32 @p0 $0x1B8D  }
0xb3: {  	_ =	swait.eq @p0 [sflag:s6], $0x1  }
0xb4: {  	[sflag:s6] =	ssyncadd.s32 @p0 $0xFFFFFFFF  }
0xb5: {  	s7 =	sshll.u32 @!p0 s1, $0xE  }
0xb6: {  	s7 =	sor.u32 @!p0 $0x4000, s7;
	s6 =	simm.s32 @!p0 $0x1B8D  }
0xb7: {  	s5 =	sshll.u32 @!p0 s5, $0x11;
	s7 =	sadd.s32 @!p0 $0x11B8D, s7;
	_ =	swait.eq @!p0 [sflag:s6], $0x1  }
0xb8: {  	s5 =	sor.u32 @!p0 s5, s7;
	[sflag:s6] =	ssyncadd.s32 @!p0 $0xFFFFFFFF  }
0xb9: {  	s25 =	simm.s32 $0x1B8E;
	s24 =	sld [smem:$0x3FFE];
	[sflag:s5] =	ssyncadd.remote.s32 @!p0 $0x1  }
0xba: {  	s26 =	simm.s32 $execute0_lowered;
	[smem:$0x3FD2] =	sst s25  }
0xbb: {  	s6 =	sshll.u32 s26, $0x1;
	_ =	strace $0x8000004C;
	[dreg:$0x1] =	wrdreg $0xFFFFFFFF  }
0xbc: {  	s28 =	simm.s32 $_size_execute0_lowered;
	s4 =	sadd.s32 s4, s6;
	[dreg:$0x0] =	wrdreg $0x0  }
0xbd: {  	s6 =	sshll.u32 s28, $0x1;
	[dreg:$0x2] =	wrdreg s4  }
0xbe: {  	[dreg:$0x3] =	wrdreg s6  }
0xbf: {  	[dreg:$0x4] =	wrdreg $0xC0  }
0xc0: {  	_ =	task [dreg:s22], $0x5FFFF  }
0xc1: {  	[dreg:$0x1] =	wrdreg $0xFFFFFFFF  }
0xc2: {  	[dreg:$0x0] =	wrdreg $0x60  }
0xc3: {  	[dreg:$0x2] =	wrdreg s24  }
0xc4: {  	[dreg:$0x3] =	wrdreg s17  }
0xc5: {  	[dreg:$0x4] =	wrdreg $0x8C000  }
0xc6: {  	[dreg:$0x5] =	wrdreg $0xA  }
0xc7: {  	_ =	task.clear_ibuf [dreg:s22], $0x6FFFF;
	_ =	strace $0x9000004C  }
0xc8: {  	s29 =	simm.s32 $0xA;
	_ =	strace $0x8000004E  }
0xc9: {  	_ =	swait.ge [sflag:s29], $0x1  }
0xca: {  	[sflag:s29] =	ssyncadd.s32 $0xFFFFFFFF  }
0xcb: {  	_ =	strace $0x9000004E  }
0xcc: {  	_ =	sfence  }
0xcd: {  	s30 =	sld [smem:$0x0];
	_ =	sdelay $0x2  }
0xce: {  	s31 =	sshll.u32 s1, $0xD;
	s1 =	sshrl.u32 s1, $0x2  }
0xcf: {  	s4 =	sand.u32 $0x4000, s31;
	s1 =	sadd.s32 s1, s30  }
0xd0: {  	s0 =	sor.u32 s4, s0;
	s1 =	sshll.u32 s1, $0x11  }
0xd1: {  	s0 =	sor.u32 s1, s0  }
0xd2: {  	s0 =	sadd.s32 $0x8F2B, s0  }
0xd3: {  	[sflag:s0] =	ssyncadd.remote.s32 $0x1  }
0xd4: {  	_ =	sfence.sel $0xFFFF  }
0xd5: {  	[dreg:$0x0] =	wrdreg $0xFFFFFFFF;
	(pc) =	sbr.abs _section_cstart, $3  }
0xd6: {  	[dreg:$0x1] =	wrdreg $0xFFFFFFFF  }
0xd7: {  	_ =	task.clear_ibuf [dreg:s22], $0x2FFFF;
	_ =	strace $0x9FFFFFFF  }
0xd8: {  	(tm) =	ssettm $0x7FFFFFFF  }
0xd9: {  	_ =	shalt  }
tec
execute0_lowered:
.L_overlay_start_1:
0x0: {  	(tag) =	ssettag $0x1  }
0x1: {  	s4 =	rddreg [dreg:$0x0]  }
0x2: {  	s1 =	srdreg.scid;
	s6 =	rddreg [dreg:$0x1]  }
0x3: {  	s0 =	stileid.u32;
	s2 =	rddreg [dreg:$0x2];
	s3 =	simm.s32 $0x0  }
0x4: {  	s17 =	simm.s32 $0x1;
	s18 =	simm.s32 $0x80;
	s19 =	simm.s32 $0x2  }
0x5: {  	s20 =	simm.s32 $0x900;
	s21 =	simm.s32 $0x980;
	s22 =	simm.s32 $0x0  }
0x6: {  	s5 =	sand.u32 $0x1, s1;
	s1 =	rddreg [dreg:$0x3];
	s10 =	smul.u32 $0x280, s0  }
0x7: {  	s24 =	sshll.u32 s0, $0x1;
	[smem:$0x7FF] =	sst s3;
	s11 =	smul.u32 $0x50000, s0  }
0x8: {  	s12 =	sadd.s32 $0x2AB000, s4;
	s29 =	smul.u32 $0xA0000, s0;
	s15 =	sshll.u32 s0, $0x6  }
0x9: {  	s7 =	sor.u32 s5, s24;
	s9 =	smul.u32 $0x2800, s5;
	_ =	strace $0x8000004D  }
0xa: {  	s25 =	ssub.s32 $0x2, s5;
	s16 =	smul.u32 $0x50000, s5;
	s5 =	sor.u32 $0x1C03, s15  }
0xb: {  	s15 =	simm.s32 $0xC00;
	s8 =	smul.u32 $0x180, s7;
	s26 =	sshrl.u32 s25, $0x1  }
0xc: {  	s7 =	smul.u32 $0xA000, s7;
	s28 =	sshrl.u32 s11, $0x2;
	s9 =	sadd.s32 s10, s9  }
0xd: {  	s10 =	ssub.s32 s25, s26;
	s14 =	sadd.s32 s28, s2;
	s11 =	sadd.s32 s16, s29  }
0xe: {  	s16 =	simm.s32 $0x4C00;
	s8 =	sadd.s32 s8, s4;
	s9 =	sshll.u32 s9, $0x4  }
0xf: {  	s30 =	sor.u32 $0xC000, s11;
	s11 =	sor.u32 $0x8000, s11;
	s10 =	smax.u32 s10, $0x1  }
0x10: {  	s13 =	sadd.s32 s9, s4;
	s4 =	sadd.s32 s6, s9;
	s6 =	sadd.s32 s12, s7  }
0x11: {  	s7 =	sadd.s32 $0x51C000, s8;
	s9 =	sadd.s32 $0x3EB000, s13;
	s13 =	sshrl.u32 s30, $0x3  }
0x12: {  	s31 =	sshrl.u32 s11, $0x3;
	s8 =	sadd.s32 $0x800, s6;
	s11 =	sadd.s32 s13, s12  }
0x13: {  	s12 =	sadd.s32 s31, s12;
	s13 =	sshrl.u32 s14, $0x3;
	s14 =	simm.s32 $0x3  }
.LBB2_1:
0x14: {  	[spmem:s13], [sflag:s5] =	dma.local [hbm:s4], $0x2800  }
0x15: {  	_ =	swait.ge [sflag:s14], $0x2800  }
0x16: {  	[sflag:s14] =	ssyncset.done $0x0  }
0x17: {  	[sflag:s14] =	ssyncadd.s32 $0xFFFFD800  }
0x18: {  	[tilespmem:s3], [sflag:$0x3] =	stream.linear.gather [hbm4b:s7+s3], $0xA00, $0x38;
	[tilespmem:$0x1CC00] =	vst v63  }
0x19: {  	_ =	swait.ge [sflag:s14], $0xA00  }
0x1a: {  	[sflag:s14] =	ssyncset.done $0x0  }
0x1b: {  	[sflag:s14] =	ssyncadd.s32 $0xFFFFF600  }
0x1c: {  	[bflag:$0x0] =	sbarrier.arrive $0xFFFF  }
0x1d: {  	[tilespmem:s15], [sflag:$0x1] =	stream.linear.gather [hbm4b:s6+s3], $0x4000, $0x38;
	[tilespmem:$0x1CC00] =	vst v63  }
0x1e: {  	_ = 	snop  }
0x1f: {  	[tilespmem:s16], [sflag:$0x2] =	stream.linear.gather [hbm4b:s8+s3], $0x4000, $0x38;
	[tilespmem:$0x1CC00] =	vst v63  }
0x20: {  	_ =	swait.ge [sflag:s17], $0x4000  }
0x21: {  	[sflag:s17] =	ssyncset.done $0x0  }
0x22: {  	s23 =	simm.s32 $0x0;
	[sflag:s17] =	ssyncadd.s32 $0xFFFFC000  }
0x23: {  	[spmem:s2] =	stream.indirect.scatter.add.f32 [tilespmem:s15], [sflag:$0x3], $0x80, s23, s18, $0xb8;
	[tilespmem:$0x1CC00] =	vst v63  }
0x24: {  	_ =	swait.ge [sflag:s14], $0x4000  }
0x25: {  	[sflag:s14] =	ssyncset.done $0x0  }
0x26: {  	s31 =	sadd.s32 $0x0, s12;
	[sflag:s14] =	ssyncadd.s32 $0xFFFFC000  }
0x27: {  	[tilespmem:s15], [sflag:$0x1] =	stream.linear.gather [hbm4b:s31+s3], $0x4000, $0x38;
	[tilespmem:$0x1CC00] =	vst v63  }
0x28: {  	_ =	swait.ge [sflag:s19], $0x4000  }
0x29: {  	[sflag:s19] =	ssyncset.done $0x0  }
0x2a: {  	[sflag:s19] =	ssyncadd.s32 $0xFFFFC000  }
0x2b: {  	[spmem:s2] =	stream.indirect.scatter.add.f32 [tilespmem:s16], [sflag:$0x3], $0x80, s18, s18, $0xb8;
	[tilespmem:$0x1CC00] =	vst v63  }
0x2c: {  	_ =	swait.ge [sflag:s14], $0x4000  }
0x2d: {  	s25 =	sadd.s32 $0x0, s11;
	[sflag:s14] =	ssyncset.done $0x0  }
0x2e: {  	s24 =	simm.s32 $0x180;
	s23 =	simm.s32 $0x1000;
	[sflag:s14] =	ssyncadd.s32 $0xFFFFC000  }
.LBB2_2:
0x2f: {  	[tilespmem:s16], [sflag:$0x2] =	stream.linear.gather [hbm4b:s25+s3], $0x4000, $0x38;
	[tilespmem:$0x1CC00] =	vst v63  }
0x30: {  	s25 =	smov.u32 s23  }
0x31: {  	p0 =	sne.s32 s23, $0x8000;
	s23 =	sadd.s32 $0x1000, s23;
	_ =	swait.ge [sflag:s17], $0x4000  }
0x32: {  	[sflag:s17] =	ssyncset.done $0x0  }
0x33: {  	s26 =	sadd.s32 $0xFFFFFF80, s24;
	[sflag:s17] =	ssyncadd.s32 $0xFFFFC000  }
0x34: {  	[spmem:s2] =	stream.indirect.scatter.add.f32 [tilespmem:s15], [sflag:$0x3], $0x80, s26, s18, $0xb8;
	[tilespmem:$0x1CC00] =	vst v63  }
0x35: {  	_ =	swait.ge [sflag:s14], $0x4000  }
0x36: {  	[sflag:s14] =	ssyncset.done $0x0  }
0x37: {  	s26 =	sadd.s32 s25, s12;
	[sflag:s14] =	ssyncadd.s32 $0xFFFFC000  }
0x38: {  	[tilespmem:s15], [sflag:$0x1] =	stream.linear.gather [hbm4b:s26+s3], $0x4000, $0x38;
	[tilespmem:$0x1CC00] =	vst v63  }
0x39: {  	_ =	swait.ge [sflag:s19], $0x4000  }
0x3a: {  	[sflag:s19] =	ssyncset.done $0x0  }
.Ltmp0:
0x3b: {  	[sflag:s19] =	ssyncadd.s32 $0xFFFFC000;
	(pc) =	sbr.rel @p0 .LBB2_2-.Ltmp0, $4  }
0x3c: {  	[spmem:s2] =	stream.indirect.scatter.add.f32 [tilespmem:s16], [sflag:$0x3], $0x80, s24, s18, $0xb8;
	[tilespmem:$0x1CC00] =	vst v63  }
0x3d: {  	_ =	swait.ge [sflag:s14], $0x4000  }
0x3e: {  	[sflag:s14] =	ssyncset.done $0x0  }
0x3f: {  	s25 =	sadd.s32 s25, s11;
	s24 =	sadd.s32 $0x100, s24;
	[sflag:s14] =	ssyncadd.s32 $0xFFFFC000  }
0x40: {  	[tilespmem:s16], [sflag:$0x2] =	stream.linear.gather [hbm4b:s25+s3], $0x4000, $0x38;
	[tilespmem:$0x1CC00] =	vst v63  }
0x41: {  	_ =	swait.ge [sflag:s17], $0x4000  }
0x42: {  	[sflag:s17] =	ssyncset.done $0x0  }
0x43: {  	[sflag:s17] =	ssyncadd.s32 $0xFFFFC000  }
0x44: {  	[spmem:s2] =	stream.indirect.scatter.add.f32 [tilespmem:s15], [sflag:$0x3], $0x80, s20, s18, $0xb8;
	[tilespmem:$0x1CC00] =	vst v63  }
0x45: {  	_ =	swait.ge [sflag:s14], $0x4000  }
0x46: {  	[sflag:s14] =	ssyncset.done $0x0  }
0x47: {  	[sflag:s14] =	ssyncadd.s32 $0xFFFFC000  }
0x48: {  	_ =	swait.ge [sflag:s19], $0x4000  }
0x49: {  	[sflag:s19] =	ssyncset.done $0x0  }
0x4a: {  	[sflag:s19] =	ssyncadd.s32 $0xFFFFC000  }
0x4b: {  	[spmem:s2] =	stream.indirect.scatter.add.f32 [tilespmem:s16], [sflag:$0x3], $0x80, s21, s18, $0xb8;
	[tilespmem:$0x1CC00] =	vst v63  }
0x4c: {  	_ =	swait.ge [sflag:s14], $0x4000  }
0x4d: {  	s22 =	sadd.s32 $0x1, s22;
	[sflag:s14] =	ssyncset.done $0x0  }
0x4e: {  	p0 =	sne.s32 s22, s10;
	[sflag:s14] =	ssyncadd.s32 $0xFFFFC000  }
.Ltmp1:
0x4f: {  	[bflag:$0x0] =	sbarrier.arrive $0xFFFF;
	(pc) =	sbr.rel @p0 .LBB2_1-.Ltmp1, $4  }
0x50: {  	[hbm:s9], [sflag:s5] =	dma.local [spmem:s13], $0x2800  }
0x51: {  	_ =	swait.ge [sflag:s14], $0x2800  }
0x52: {  	[sflag:s14] =	ssyncset.done $0x0  }
0x53: {  	[sflag:s14] =	ssyncadd.s32 $0xFFFFD800  }
0x54: {  	_ =	sfence.sel $0x180000  }
0x55: {  	[bflag:$0x0] =	sbarrier.arrive $0xFFFF  }
0x56: {  	p0 =	sne.s32 s0, $0x0;
	_ =	strace $0x9000004D  }
0x57: {  	s0 =	sadd.s32 @!p0 $0x100000, s1;
	[bflag:$0x2] =	sbarrier.arrive $0xFFFF  }
0x58: {  	[sflag:s0] =	ssyncadd.tile.s32 @!p0 $0x1;
	_ =	shalt  }
.Lfunc_end2:
_tile_overlayer_lowered:
.L_overlay_start_2:
0x59: {  	(tag) =	ssettag $0x2  }
0x5a: {  	s0 =	rddreg [dreg:$0x0];
	s2 =	stileid.u32  }
0x5b: {  	s1 =	rddreg [dreg:$0x1];
	p0 =	sne.s32 s2, $0x0  }
0x5c: {  	s3 =	rddreg [dreg:$0x2];
	[bflag:$0x3] =	sbarrier.arrive $0xFFFF;
	s2 =	simm.s32 @!p0 $0x1C03  }
0x5d: {  	[timem:s3], [sflag:s2] =	dma.local @!p0 [hbm:s0], s1  }
0x5e: {  	s0 =	simm.s32 @!p0 $0x3  }
0x5f: {  	_ =	swait.ge @!p0 [sflag:s0], s1  }
0x60: {  	s1 =	ssub.s32 @!p0 $0x0, s1;
	[sflag:s0] =	ssyncset.done @!p0 $0x0  }
0x61: {  	[sflag:s0] =	ssyncadd.s32 @!p0 s1  }
0x62: {  	[bflag:$0x3] =	sbarrier.arrive $0xFFFF  }
0x63: {  	_ =	shalt  }

// kernel: kernel.19.cloned.1.call-start
scs
__scs_entry_jumppad:
0x0: {  	(pc) =	sbr.rel $0x88, $3  }
0x1: {  	(tag) =	ssettag $0x0;
	lr =	simm.s32 $0x1  }
0x2: {  	[smem:$0x3F88] =	sst lr;
	_ =	strace $0xD0000000  }
0x3: {  	_ = 	snop  }
0x4: {  	_ = 	snop  }
0x5: {  	_ = 	snop  }
0x6: {  	_ = 	snop  }
0x7: {  	_ = 	snop  }
__scs_overlays_trampoline_lowered:
0x8: {  	[smem:$0x3F97] =	sst s0  }
0x9: {  	[smem:$0x3F98] =	sst s1  }
0xa: {  	[smem:$0x3F99] =	sst s2  }
0xb: {  	[smem:$0x3F9A] =	sst s3  }
0xc: {  	[smem:$0x3F9B] =	sst s4  }
0xd: {  	[smem:$0x3F9C] =	sst s5  }
0xe: {  	[smem:$0x3F9D] =	sst s6  }
0xf: {  	[smem:$0x3F9E] =	sst s7  }
0x10: {  	[smem:$0x3F9F] =	sst s8  }
0x11: {  	[smem:$0x3FA0] =	sst s9;
	s0 =	simm.s32 @!p0 $0x0  }
0x12: {  	s1 =	sld [smem:$0x3F86];
	s0 =	simm.s32 @p0 $0x1  }
0x13: {  	[smem:$0x3FA1] =	sst s0;
	s0 =	simm.s32 @!p1 $0x0  }
0x14: {  	s2 =	sld [smem:$0x3F85];
	s0 =	simm.s32 @p1 $0x1  }
0x15: {  	[smem:$0x3FA2] =	sst s0;
	s0 =	simm.s32 @!p2 $0x0  }
0x16: {  	s3 =	sld [smem:$0x3FDB];
	s0 =	simm.s32 @p2 $0x1  }
0x17: {  	s4 =	simm.s32 $0x1BF5;
	[smem:$0x3FA4] =	sst s0  }
0x18: {  	s0 =	sld [smem:$0x3F87];
	_ =	swait.ge [sflag:s4], $0x0  }
0x19: {  	s7 =	sld [smem:$0x3F88]  }
0x1a: {  	s8 =	sadd.s32 $0xFFFFE003, lr  }
0x1b: {  	s9 =	sadd.s32 $0xFFFFFEF7, lr;
	s5 =	simm.s32 $0xFFFFFFFF;
	p2 =	slt.u32 s8, $0xFFFFF086  }
0x1c: {  	p1 =	slt.u32 s9, $0xF7A;
	s5 =	simm.s32 @!p2 $0x0  }
0x1d: {  	s5 =	simm.s32 @p1 $0x1;
	p0 =	seq.s32 s7, s2  }
0x1e: {  	s7 =	smul.u32 @!p0 $0xF7A, s2;
	p2 =	seq.s32 @!p0 s5, $0x0  }
0x1f: {  	s9 =	smul.u32 $0xF7A, s1;
	s8 =	simm.s32 @!p0 $0x1BF5;
	p2 =	por !p2, p0  }
0x20: {  	[sflag:s8] =	ssyncset.s32 @!p0 $0xFFFFF086;
	s6 =	sadd.s32 @!p0 s3, s7;
	s7 =	simm.s32 @!p0 $0x108  }
0x21: {  	s3 =	sadd.s32 s3, s9;
	s6 =	sadd.s32 @!p0 $0x88, s6;
	s7 =	simm.s32 @p2 $0x1082  }
0x22: {  	[simem:s7], [sflag:s8] =	dma.local @!p0 [hbm:s6], $0xF7A  }
0x23: {  	s9 =	sor.u32 $0xD0000000, s2;
	s6 =	simm.s32 $0x108;
	_ =	swait.ge @!p0 [sflag:s8], $0x0  }
0x24: {  	s3 =	sadd.s32 $0x88, s3;
	s6 =	simm.s32 @!p1 $0x1082;
	[sflag:s4] =	ssyncset.s32 $0xFFFFF086  }
0x25: {  	[simem:s6], [sflag:s4] =	dma.local [hbm:s3], $0xF7A  }
0x26: {  	[smem:$0x3F88] =	sst s1;
	(tag) =	ssettag s2;
	_ =	strace s9  }
0x27: {  	s1 =	sld [smem:$0x3F98]  }
0x28: {  	s2 =	sld [smem:$0x3F99]  }
0x29: {  	s4 =	sld [smem:$0x3F9B]  }
0x2a: {  	p0 =	seq.s32 s5, $0x0;
	s5 =	sld [smem:$0x3F9C]  }
0x2b: {  	s6 =	sld [smem:$0x3F9D]  }
0x2c: {  	s7 =	sld [smem:$0x3F9E]  }
0x2d: {  	s3 =	simm.s32 $0x108;
	s8 =	sld [smem:$0x3F9F]  }
0x2e: {  	s3 =	simm.s32 @!p0 $0x1082;
	s9 =	sld [smem:$0x3FA0]  }
0x2f: {  	lr =	sadd.s32 s0, s3;
	s0 =	sld [smem:$0x3F97]  }
0x30: {  	s3 =	sld [smem:$0x3F9A]  }
0x31: {  	[smem:$0x3FA3] =	sst s10  }
0x32: {  	s10 =	sld [smem:$0x3FA1];
	_ =	sdelay $0x3  }
0x33: {  	p0 =	seq.s32 s10, $0x1;
	s10 =	sld [smem:$0x3FA3];
	_ =	sdelay $0x3  }
0x34: {  	[smem:$0x3FA3] =	sst s10  }
0x35: {  	s10 =	sld [smem:$0x3FA2];
	_ =	sdelay $0x3  }
0x36: {  	p1 =	seq.s32 s10, $0x1;
	s10 =	sld [smem:$0x3FA3];
	_ =	sdelay $0x3  }
0x37: {  	[smem:$0x3FA3] =	sst s10  }
0x38: {  	s10 =	sld [smem:$0x3FA4]  }
0x39: {  	_ = 	snop;
	(pc) =	sbr.ind lr, $3  }
0x3a: {  	_ = 	snop  }
0x3b: {  	_ = 	snop  }
0x3c: {  	p2 =	seq.s32 s10, $0x1;
	s10 =	sld [smem:$0x3FA3]  }
0x3d: {  	_ =	shalt  }
0x3e: {  	_ =	shalt  }
0x3f: {  	_ =	shalt  }
0x40: {  	_ =	shalt  }
0x41: {  	_ =	shalt  }
0x42: {  	_ =	shalt  }
0x43: {  	_ =	shalt  }
0x44: {  	_ =	shalt  }
0x45: {  	_ =	shalt  }
0x46: {  	_ =	shalt  }
0x47: {  	_ =	shalt  }
0x48: {  	_ =	shalt  }
0x49: {  	_ =	shalt  }
0x4a: {  	_ =	shalt  }
0x4b: {  	_ =	shalt  }
0x4c: {  	_ =	shalt  }
0x4d: {  	_ =	shalt  }
0x4e: {  	_ =	shalt  }
0x4f: {  	_ =	shalt  }
0x50: {  	_ =	shalt  }
0x51: {  	_ =	shalt  }
0x52: {  	_ =	shalt  }
0x53: {  	_ =	shalt  }
0x54: {  	_ =	shalt  }
0x55: {  	_ =	shalt  }
0x56: {  	_ =	shalt  }
0x57: {  	_ =	shalt  }
0x58: {  	_ =	shalt  }
0x59: {  	_ =	shalt  }
0x5a: {  	_ =	shalt  }
0x5b: {  	_ =	shalt  }
0x5c: {  	_ =	shalt  }
0x5d: {  	_ =	shalt  }
0x5e: {  	_ =	shalt  }
0x5f: {  	_ =	shalt  }
0x60: {  	_ =	shalt  }
0x61: {  	_ =	shalt  }
0x62: {  	_ =	shalt  }
0x63: {  	_ =	shalt  }
0x64: {  	_ =	shalt  }
0x65: {  	_ =	shalt  }
0x66: {  	_ =	shalt  }
0x67: {  	_ =	shalt  }
0x68: {  	_ =	shalt  }
0x69: {  	_ =	shalt  }
0x6a: {  	_ =	shalt  }
0x6b: {  	_ =	shalt  }
0x6c: {  	_ =	shalt  }
0x6d: {  	_ =	shalt  }
0x6e: {  	_ =	shalt  }
0x6f: {  	_ =	shalt  }
0x70: {  	_ =	shalt  }
0x71: {  	_ =	shalt  }
0x72: {  	_ =	shalt  }
0x73: {  	_ =	shalt  }
0x74: {  	_ =	shalt  }
0x75: {  	_ =	shalt  }
0x76: {  	_ =	shalt  }
0x77: {  	_ =	shalt  }
0x78: {  	_ =	shalt  }
0x79: {  	_ =	shalt  }
0x7a: {  	_ =	shalt  }
0x7b: {  	_ =	shalt  }
0x7c: {  	_ =	shalt  }
0x7d: {  	_ =	shalt  }
0x7e: {  	_ =	shalt  }
0x7f: {  	_ =	shalt  }
0x80: {  	_ =	shalt  }
0x81: {  	_ =	shalt  }
0x82: {  	_ =	shalt  }
0x83: {  	_ =	shalt  }
0x84: {  	_ =	shalt  }
0x85: {  	_ =	shalt  }
0x86: {  	_ =	shalt  }
0x87: {  	_ =	shalt  }
.Lfunc_end0:
.L_simem_size_0:
called_computation.3_lowered:
.L_overlay_start_0:
0x88: {  	s2 =	sld [smem:$0x3FD9]  }
0x89: {  	s3 =	sld [smem:$0x3FFE];
	_ =	sdelay $0x1  }
0x8a: {  	s1 =	srdreg.scid  }
0x8b: {  	s0 =	sand.u32 $0x1, s1  }
0x8c: {  	s14 =	sshll.u32 s0, $0xA;
	s2 =	sadd.s32 s3, s2  }
0x8d: {  	s2 =	sadd.s32 s2, s14  }
0x8e: {  	[smem:$0x3FAF] =	sst s2  }
0x8f: {  	_ = 	snop  }
0x90: {  	s2 =	sld [smem:$0x3FD0];
	_ =	sdelay $0x2  }
0x91: {  	s15 =	simm.s32 $0xB;
	s4 =	simm.s32 $0x10  }
0x92: {  	[smem:s4], [sflag:s15] =	dma.local [hbm:s2], $0x1  }
0x93: {  	_ =	swait.eq [sflag:s15], $0x1  }
0x94: {  	[sflag:s15] =	ssyncset.done $0x0  }
0x95: {  	s16 =	sld [smem:$0x11];
	[sflag:s15] =	ssyncadd.s32 $0xFFFFFFFF  }
0x96: {  	s17 =	sld [smem:$0x13];
	(tm) =	ssettm $0x1  }
0x97: {  	s18 =	sld [smem:$0x3FFB];
	_ =	sdelay $0x3  }
0x98: {  	_ =	strace s18  }
0x99: {  	s4 =	sld [smem:$0x3FFC];
	_ =	sdelay $0x3  }
0x9a: {  	_ =	strace s4  }
0x9b: {  	s4 =	sld [smem:$0x3FFD];
	_ =	sdelay $0x3  }
0x9c: {  	_ =	strace s4  }
0x9d: {  	_ =	strace $0x8FFFFFFF  }
0x9e: {  	s19 =	sld [smem:$0x3FDB];
	_ =	sdelay $0x1  }
0x9f: {  	s5 =	simm.s32 $_scs_section_size  }
0xa0: {  	s6 =	simm.s32 $_size__tile_overlayer_lowered;
	s7 =	simm.s32 $_tile_overlayer_lowered  }
0xa1: {  	s22 =	simm.s32 $0x1BFF;
	s21 =	sshll.u32 s7, $0x1;
	s4 =	sadd.s32 s5, s19  }
0xa2: {  	s8 =	simm.s32 $0x0;
	s20 =	sshll.u32 s6, $0x1;
	s6 =	sadd.s32 s21, s4  }
0xa3: {  	[timem:s8], [sflag:s22] =	dma.local [hbm:s6], s20  }
0xa4: {  	_ =	swait.ge [sflag:s22], s20  }
0xa5: {  	s5 =	ssub.s32 $0x0, s20;
	[sflag:s22] =	ssyncset.done $0x0  }
0xa6: {  	[sflag:s22] =	ssyncadd.s32 s5;
	_ =	sdelay $0x1  }
0xa7: {  	s23 =	simm.s32 $0x1B8B  }
0xa8: {  	_ =	swait.ge [sflag:s23], $0x1  }
0xa9: {  	[sflag:s23] =	ssyncset.done $0x0  }
0xaa: {  	s25 =	simm.s32 $0x1B8E;
	s24 =	sld [smem:$0x3FFE];
	[sflag:s23] =	ssyncadd.s32 $0xFFFFFFFF  }
0xab: {  	s26 =	simm.s32 $execute0_lowered;
	[smem:$0x3FD2] =	sst s25  }
0xac: {  	s6 =	sshll.u32 s26, $0x1;
	_ =	strace $0x8000004F;
	[dreg:$0x1] =	wrdreg $0xFFFFFFFF  }
0xad: {  	s28 =	simm.s32 $_size_execute0_lowered;
	s4 =	sadd.s32 s4, s6;
	[dreg:$0x0] =	wrdreg $0x0  }
0xae: {  	s6 =	sshll.u32 s28, $0x1;
	[dreg:$0x2] =	wrdreg s4  }
0xaf: {  	[dreg:$0x3] =	wrdreg s6  }
0xb0: {  	[dreg:$0x4] =	wrdreg $0xC0  }
0xb1: {  	_ =	task [dreg:s8], $0x5FFFF  }
0xb2: {  	[dreg:$0x1] =	wrdreg $0xFFFFFFFF  }
0xb3: {  	[dreg:$0x0] =	wrdreg $0x60  }
0xb4: {  	[dreg:$0x2] =	wrdreg s24  }
0xb5: {  	[dreg:$0x3] =	wrdreg s16  }
0xb6: {  	[dreg:$0x4] =	wrdreg s17  }
0xb7: {  	[dreg:$0x5] =	wrdreg $0x8C000  }
0xb8: {  	[dreg:$0x6] =	wrdreg $0x9  }
0xb9: {  	_ =	task.clear_ibuf [dreg:s8], $0x7FFFF;
	_ =	strace $0x9000004F  }
0xba: {  	s29 =	simm.s32 $0x9;
	_ =	strace $0x80000051  }
0xbb: {  	_ =	swait.ge [sflag:s29], $0x1  }
0xbc: {  	[sflag:s29] =	ssyncadd.s32 $0xFFFFFFFF  }
0xbd: {  	_ =	strace $0x90000051  }
0xbe: {  	_ =	sfence  }
0xbf: {  	s30 =	sld [smem:$0x0];
	_ =	sdelay $0x2  }
0xc0: {  	s31 =	sshll.u32 s1, $0xD;
	s1 =	sshrl.u32 s1, $0x2  }
0xc1: {  	s3 =	sand.u32 $0x4000, s31;
	s1 =	sadd.s32 s1, s30  }
0xc2: {  	s0 =	sor.u32 s3, s0;
	s1 =	sshll.u32 s1, $0x11  }
0xc3: {  	s0 =	sor.u32 s1, s0  }
0xc4: {  	s0 =	sadd.s32 $0x8F2B, s0  }
0xc5: {  	[sflag:s0] =	ssyncadd.remote.s32 $0x1  }
0xc6: {  	_ =	sfence.sel $0xFFFF  }
0xc7: {  	[dreg:$0x0] =	wrdreg $0xFFFFFFFF;
	(pc) =	sbr.abs _section_cstart, $3  }
0xc8: {  	[dreg:$0x1] =	wrdreg $0xFFFFFFFF  }
0xc9: {  	_ =	task.clear_ibuf [dreg:s8], $0x2FFFF;
	_ =	strace $0x9FFFFFFF  }
0xca: {  	(tm) =	ssettm $0x7FFFFFFF  }
0xcb: {  	_ =	shalt  }
tec
execute0_lowered:
.L_overlay_start_1:
0x0: {  	(tag) =	ssettag $0x1  }
0x1: {  	s4 =	rddreg [dreg:$0x0]  }
0x2: {  	s7 =	rddreg [dreg:$0x1]  }
0x3: {  	s9 =	rddreg [dreg:$0x2]  }
0x4: {  	s1 =	rddreg [dreg:$0x3]  }
0x5: {  	s2 =	srdreg.scid;
	s0 =	rddreg [dreg:$0x4]  }
0x6: {  	s3 =	simm.s32 $0x0;
	s17 =	simm.s32 $0x1;
	s18 =	simm.s32 $0x80  }
0x7: {  	s19 =	simm.s32 $0x2;
	s20 =	simm.s32 $0x900;
	s5 =	sand.u32 $0x1, s2  }
0x8: {  	s21 =	simm.s32 $0x980;
	s2 =	stileid.u32;
	s6 =	smul.u32 $0x2800, s5  }
0x9: {  	s22 =	simm.s32 $0x0;
	[smem:$0x7FF] =	sst s3;
	s8 =	smul.u32 $0x280, s2  }
0xa: {  	s12 =	sadd.s32 $0x2B000, s4;
	_ =	strace $0x80000050;
	s24 =	smul.u32 $0x50000, s2  }
0xb: {  	s10 =	sshll.u32 s2, $0x1;
	s25 =	ssub.s32 $0x2, s5;
	s28 =	smul.u32 $0xA0000, s2  }
0xc: {  	s29 =	sshll.u32 s2, $0x6;
	s16 =	smul.u32 $0x50000, s5;
	s23 =	sor.u32 s5, s10  }
0xd: {  	s14 =	sshrl.u32 s25, $0x1;
	s5 =	sor.u32 $0x1C03, s29;
	s13 =	smul.u32 $0x180, s23  }
0xe: {  	s6 =	sadd.s32 s8, s6;
	s8 =	smul.u32 $0xA000, s23;
	s14 =	ssub.s32 s25, s14  }
0xf: {  	s26 =	sshrl.u32 s24, $0x2;
	s10 =	sadd.s32 s16, s28;
	s16 =	simm.s32 $0x4C00  }
0x10: {  	s11 =	sshll.u32 s6, $0x4;
	s15 =	sadd.s32 s26, s1;
	s30 =	sor.u32 $0xC000, s10  }
0x11: {  	s31 =	sor.u32 $0x8000, s10;
	s10 =	smax.u32 s14, $0x1;
	s14 =	simm.s32 $0x3  }
0x12: {  	s4 =	sadd.s32 s11, s4;
	s6 =	sadd.s32 s12, s8;
	s7 =	sadd.s32 s7, s13  }
0x13: {  	s9 =	sadd.s32 s9, s11;
	s11 =	sshrl.u32 s30, $0x3;
	s13 =	sshrl.u32 s31, $0x3  }
0x14: {  	s4 =	sadd.s32 $0x3EB000, s4;
	s8 =	sadd.s32 $0x800, s6;
	s11 =	sadd.s32 s11, s12  }
0x15: {  	s12 =	sadd.s32 s13, s12;
	s13 =	sshrl.u32 s15, $0x3;
	s15 =	simm.s32 $0xC00  }
.LBB2_1:
0x16: {  	[spmem:s13], [sflag:s5] =	dma.local [hbm:s4], $0x2800  }
0x17: {  	_ =	swait.ge [sflag:s14], $0x2800  }
0x18: {  	[sflag:s14] =	ssyncset.done $0x0  }
0x19: {  	[sflag:s14] =	ssyncadd.s32 $0xFFFFD800  }
0x1a: {  	[tilespmem:s3], [sflag:$0x3] =	stream.linear.gather [hbm4b:s7+s3], $0xA00, $0x38;
	[tilespmem:$0x1CC00] =	vst v63  }
0x1b: {  	_ =	swait.ge [sflag:s14], $0xA00  }
0x1c: {  	[sflag:s14] =	ssyncset.done $0x0  }
0x1d: {  	[sflag:s14] =	ssyncadd.s32 $0xFFFFF600  }
0x1e: {  	[bflag:$0x0] =	sbarrier.arrive $0xFFFF  }
0x1f: {  	[tilespmem:s15], [sflag:$0x1] =	stream.linear.gather [hbm4b:s6+s3], $0x4000, $0x38;
	[tilespmem:$0x1CC00] =	vst v63  }
0x20: {  	_ = 	snop  }
0x21: {  	[tilespmem:s16], [sflag:$0x2] =	stream.linear.gather [hbm4b:s8+s3], $0x4000, $0x38;
	[tilespmem:$0x1CC00] =	vst v63  }
0x22: {  	_ =	swait.ge [sflag:s17], $0x4000  }
0x23: {  	[sflag:s17] =	ssyncset.done $0x0  }
0x24: {  	s23 =	simm.s32 $0x0;
	[sflag:s17] =	ssyncadd.s32 $0xFFFFC000  }
0x25: {  	[spmem:s1] =	stream.indirect.scatter.add.f32 [tilespmem:s15], [sflag:$0x3], $0x80, s23, s18, $0xb8;
	[tilespmem:$0x1CC00] =	vst v63  }
0x26: {  	_ =	swait.ge [sflag:s14], $0x4000  }
0x27: {  	[sflag:s14] =	ssyncset.done $0x0  }
0x28: {  	s31 =	sadd.s32 $0x0, s12;
	[sflag:s14] =	ssyncadd.s32 $0xFFFFC000  }
0x29: {  	[tilespmem:s15], [sflag:$0x1] =	stream.linear.gather [hbm4b:s31+s3], $0x4000, $0x38;
	[tilespmem:$0x1CC00] =	vst v63  }
0x2a: {  	_ =	swait.ge [sflag:s19], $0x4000  }
0x2b: {  	[sflag:s19] =	ssyncset.done $0x0  }
0x2c: {  	[sflag:s19] =	ssyncadd.s32 $0xFFFFC000  }
0x2d: {  	[spmem:s1] =	stream.indirect.scatter.add.f32 [tilespmem:s16], [sflag:$0x3], $0x80, s18, s18, $0xb8;
	[tilespmem:$0x1CC00] =	vst v63  }
0x2e: {  	_ =	swait.ge [sflag:s14], $0x4000  }
0x2f: {  	s25 =	sadd.s32 $0x0, s11;
	[sflag:s14] =	ssyncset.done $0x0  }
0x30: {  	s24 =	simm.s32 $0x180;
	s23 =	simm.s32 $0x1000;
	[sflag:s14] =	ssyncadd.s32 $0xFFFFC000  }
.LBB2_2:
0x31: {  	[tilespmem:s16], [sflag:$0x2] =	stream.linear.gather [hbm4b:s25+s3], $0x4000, $0x38;
	[tilespmem:$0x1CC00] =	vst v63  }
0x32: {  	s25 =	smov.u32 s23  }
0x33: {  	p0 =	sne.s32 s23, $0x8000;
	s23 =	sadd.s32 $0x1000, s23;
	_ =	swait.ge [sflag:s17], $0x4000  }
0x34: {  	[sflag:s17] =	ssyncset.done $0x0  }
0x35: {  	s26 =	sadd.s32 $0xFFFFFF80, s24;
	[sflag:s17] =	ssyncadd.s32 $0xFFFFC000  }
0x36: {  	[spmem:s1] =	stream.indirect.scatter.add.f32 [tilespmem:s15], [sflag:$0x3], $0x80, s26, s18, $0xb8;
	[tilespmem:$0x1CC00] =	vst v63  }
0x37: {  	_ =	swait.ge [sflag:s14], $0x4000  }
0x38: {  	[sflag:s14] =	ssyncset.done $0x0  }
0x39: {  	s26 =	sadd.s32 s25, s12;
	[sflag:s14] =	ssyncadd.s32 $0xFFFFC000  }
0x3a: {  	[tilespmem:s15], [sflag:$0x1] =	stream.linear.gather [hbm4b:s26+s3], $0x4000, $0x38;
	[tilespmem:$0x1CC00] =	vst v63  }
0x3b: {  	_ =	swait.ge [sflag:s19], $0x4000  }
0x3c: {  	[sflag:s19] =	ssyncset.done $0x0  }
.Ltmp0:
0x3d: {  	[sflag:s19] =	ssyncadd.s32 $0xFFFFC000;
	(pc) =	sbr.rel @p0 .LBB2_2-.Ltmp0, $4  }
0x3e: {  	[spmem:s1] =	stream.indirect.scatter.add.f32 [tilespmem:s16], [sflag:$0x3], $0x80, s24, s18, $0xb8;
	[tilespmem:$0x1CC00] =	vst v63  }
0x3f: {  	_ =	swait.ge [sflag:s14], $0x4000  }
0x40: {  	[sflag:s14] =	ssyncset.done $0x0  }
0x41: {  	s25 =	sadd.s32 s25, s11;
	s24 =	sadd.s32 $0x100, s24;
	[sflag:s14] =	ssyncadd.s32 $0xFFFFC000  }
0x42: {  	[tilespmem:s16], [sflag:$0x2] =	stream.linear.gather [hbm4b:s25+s3], $0x4000, $0x38;
	[tilespmem:$0x1CC00] =	vst v63  }
0x43: {  	_ =	swait.ge [sflag:s17], $0x4000  }
0x44: {  	[sflag:s17] =	ssyncset.done $0x0  }
0x45: {  	[sflag:s17] =	ssyncadd.s32 $0xFFFFC000  }
0x46: {  	[spmem:s1] =	stream.indirect.scatter.add.f32 [tilespmem:s15], [sflag:$0x3], $0x80, s20, s18, $0xb8;
	[tilespmem:$0x1CC00] =	vst v63  }
0x47: {  	_ =	swait.ge [sflag:s14], $0x4000  }
0x48: {  	[sflag:s14] =	ssyncset.done $0x0  }
0x49: {  	[sflag:s14] =	ssyncadd.s32 $0xFFFFC000  }
0x4a: {  	_ =	swait.ge [sflag:s19], $0x4000  }
0x4b: {  	[sflag:s19] =	ssyncset.done $0x0  }
0x4c: {  	[sflag:s19] =	ssyncadd.s32 $0xFFFFC000  }
0x4d: {  	[spmem:s1] =	stream.indirect.scatter.add.f32 [tilespmem:s16], [sflag:$0x3], $0x80, s21, s18, $0xb8;
	[tilespmem:$0x1CC00] =	vst v63  }
0x4e: {  	_ =	swait.ge [sflag:s14], $0x4000  }
0x4f: {  	s22 =	sadd.s32 $0x1, s22;
	[sflag:s14] =	ssyncset.done $0x0  }
0x50: {  	p0 =	sne.s32 s22, s10;
	[sflag:s14] =	ssyncadd.s32 $0xFFFFC000  }
.Ltmp1:
0x51: {  	[bflag:$0x0] =	sbarrier.arrive $0xFFFF;
	(pc) =	sbr.rel @p0 .LBB2_1-.Ltmp1, $4  }
0x52: {  	[hbm:s9], [sflag:s5] =	dma.local [spmem:s13], $0x2800  }
0x53: {  	_ =	swait.ge [sflag:s14], $0x2800  }
0x54: {  	[sflag:s14] =	ssyncset.done $0x0  }
0x55: {  	[sflag:s14] =	ssyncadd.s32 $0xFFFFD800  }
0x56: {  	_ =	sfence.sel $0x180000  }
0x57: {  	[bflag:$0x0] =	sbarrier.arrive $0xFFFF  }
0x58: {  	p0 =	sne.s32 s2, $0x0;
	_ =	strace $0x90000050  }
0x59: {  	s0 =	sadd.s32 @!p0 $0x100000, s0;
	[bflag:$0x2] =	sbarrier.arrive $0xFFFF  }
0x5a: {  	[sflag:s0] =	ssyncadd.tile.s32 @!p0 $0x1;
	_ =	shalt  }
.Lfunc_end2:
_tile_overlayer_lowered:
.L_overlay_start_2:
0x5b: {  	(tag) =	ssettag $0x2  }
0x5c: {  	s0 =	rddreg [dreg:$0x0];
	s2 =	stileid.u32  }
0x5d: {  	s1 =	rddreg [dreg:$0x1];
	p0 =	sne.s32 s2, $0x0  }
0x5e: {  	s3 =	rddreg [dreg:$0x2];
	[bflag:$0x3] =	sbarrier.arrive $0xFFFF;
	s2 =	simm.s32 @!p0 $0x1C03  }
0x5f: {  	[timem:s3], [sflag:s2] =	dma.local @!p0 [hbm:s0], s1  }
0x60: {  	s0 =	simm.s32 @!p0 $0x3  }
0x61: {  	_ =	swait.ge @!p0 [sflag:s0], s1  }
0x62: {  	s1 =	ssub.s32 @!p0 $0x0, s1;
	[sflag:s0] =	ssyncset.done @!p0 $0x0  }
0x63: {  	[sflag:s0] =	ssyncadd.s32 @!p0 s1  }
0x64: {  	[bflag:$0x3] =	sbarrier.arrive $0xFFFF  }
0x65: {  	_ =	shalt  }

</sc_bundles>
